<compile_context>
chip_gen: v7x
topology: tpu7x:2x2x1
jax: 0.10.2.dev20260603
libtpu: 0.0.44.dev20260713+nightly
codegen_flags: <defaults>
</compile_context>

<pallas_src>
import functools

import jax
import jax.numpy as jnp
from jax import lax
from jax.experimental import pallas as pl
from jax.experimental.pallas import tpu as pltpu
from jax.experimental.pallas import tpu_sc as plsc

F32 = jnp.float32


def _mT(x, w):
    return lax.dot_general(x, w, (((1,), (1,)), ((), ())),
                           preferred_element_type=F32)


def _segT(onehot, x):
    return lax.dot_general(onehot, x, (((0,), (0,)), ((), ())),
                           preferred_element_type=F32)


def _onehot(gid, G):
    B = gid.shape[0]
    return (gid[:, None] == lax.broadcasted_iota(jnp.int32, (B, G), 1)
            ).astype(F32)


def _super_prep(s, AW, Ab, BWs, Bbs, CWs, CWg, Cbg):
    G, HD = s.shape
    KH = BWs.shape[0]

    def body(s_ref, AW_ref, Ab_ref, BWs_ref, Bbs_ref, CWs_ref, CWg_ref,
             Cbg_ref, s2s_ref, w_ref, ct_ref):
        sv = s_ref[...]
        s2s_ref[...] = jnp.tanh(_mT(sv, AW_ref[...]) + Ab_ref[...])
        for h in range(KH):
            ds = jnp.tanh(_mT(sv, BWs_ref[h]) + Bbs_ref[h])
            w_ref[h, :, :] = ds * CWs_ref[h]
        ct_ref[...] = jnp.tanh(_mT(sv, CWg_ref[...]) + Cbg_ref[...])

    return pl.pallas_call(
        body,
        out_shape=[
            jax.ShapeDtypeStruct((G, HD), F32),
            jax.ShapeDtypeStruct((KH, G, HD), F32),
            jax.ShapeDtypeStruct((G, HD), F32),
        ],
    )(s, AW, Ab, BWs, Bbs, CWs, CWg, Cbg)


def _edge_proj(eT, KW, Kb, PB):
    ED, E = eT.shape
    HD = KW.shape[0]
    NBE = (E // 2) // PB

    def body(eA_ref, eB_ref, KW_ref, Kb_ref, ke_ref):
        kwb = KW_ref[...].astype(jnp.bfloat16)
        kl = lax.dot_general(eA_ref[...].astype(jnp.bfloat16), kwb,
                             (((0,), (1,)), ((), ())),
                             preferred_element_type=F32) + Kb_ref[...]
        kh = lax.dot_general(eB_ref[...].astype(jnp.bfloat16), kwb,
                             (((0,), (1,)), ((), ())),
                             preferred_element_type=F32) + Kb_ref[...]
        uL = lax.bitcast_convert_type(kl, jnp.uint32)
        uH = lax.bitcast_convert_type(kh, jnp.uint32)
        w = ((uL + 0x8000) >> 16) | (((uH + 0x8000) >> 16) << 16)
        ke_ref[...] = lax.bitcast_convert_type(w, jnp.int32)

    return pl.pallas_call(
        body,
        grid=(NBE,),
        in_specs=[
            pl.BlockSpec((ED, PB), lambda i: (0, i)),
            pl.BlockSpec((ED, PB), lambda i: (0, i + NBE)),
            pl.BlockSpec((HD, ED), lambda i: (0, 0)),
            pl.BlockSpec((1, HD), lambda i: (0, 0)),
        ],
        out_specs=pl.BlockSpec((PB, HD), lambda i: (i, 0)),
        out_shape=jax.ShapeDtypeStruct((E // 2, HD), jnp.int32),
    )(eT, eT, KW, Kb)


def _node_pass(v, gid3, AWs, Abs_, w, DWs, Dbs, B):
    N, VD = v.shape
    KH, G, HD = w.shape
    NB = N // B

    def body(v_ref, gid_ref, AW_ref, Ab_ref, w_ref, DW_ref, Db_ref,
             U_ref, den_ref):
        i = pl.program_id(0)

        @pl.when(i == 0)
        def _():
            U_ref[...] = jnp.zeros_like(U_ref)
            den_ref[...] = jnp.zeros_like(den_ref)

        vv = v_ref[...]
        gid = gid_ref[0, 0, :]
        oh = _onehot(gid, G)
        aexps = []
        for h in range(KH):
            dn = jnp.tanh(_mT(vv, AW_ref[h]) + Ab_ref[h])
            P = _mT(dn, w_ref[h])
            a = jnp.sum(P * oh, axis=1)
            a_exp = jnp.exp(a)
            dD = _mT(vv, DW_ref[h]) + Db_ref[h]
            U_ref[h, :, :] += _segT(oh, dD * a_exp[:, None])
            aexps.append(a_exp)
        ae = jnp.stack(aexps, axis=1)
        aeP = jnp.concatenate(
            [ae, jnp.zeros((ae.shape[0], 128 - KH), F32)], axis=1)
        den_ref[...] += _segT(oh, aeP)

    return pl.pallas_call(
        body,
        grid=(NB,),
        in_specs=[
            pl.BlockSpec((B, VD), lambda i: (i, 0)),
            pl.BlockSpec((1, 1, B), lambda i: (i, 0, 0)),
            pl.BlockSpec((KH, HD, VD), lambda i: (0, 0, 0)),
            pl.BlockSpec((KH, 1, HD), lambda i: (0, 0, 0)),
            pl.BlockSpec((KH, G, HD), lambda i: (0, 0, 0)),
            pl.BlockSpec((KH, HD, VD), lambda i: (0, 0, 0)),
            pl.BlockSpec((KH, 1, HD), lambda i: (0, 0, 0)),
        ],
        out_specs=[
            pl.BlockSpec((KH, G, HD), lambda i: (0, 0, 0)),
            pl.BlockSpec((G, 128), lambda i: (0, 0)),
        ],
        out_shape=[
            jax.ShapeDtypeStruct((KH, G, HD), F32),
            jax.ShapeDtypeStruct((G, 128), F32),
        ],
    )(v, gid3, AWs, Abs_, w, DWs, Dbs)


def _super_finish(U, den, s2s, s, BW, Bb, gA_W, gA_b, gB_W, gB_b,
                  W_ih, b_ih, W_hh, b_hh):
    KH, G, HD = U.shape

    def body(U_ref, den_ref, s2s_ref, s_ref, BW_ref, Bb_ref, gAW_ref,
             gAb_ref, gBW_ref, gBb_ref, Wih_ref, bih_ref, Whh_ref,
             bhh_ref, out_ref):
        den = den_ref[...]
        outs = []
        for h in range(KH):
            d = den[:, h:h + 1]
            outs.append(U_ref[h] / jnp.where(d > 0, d, 1.0))
        cat = jnp.concatenate(outs, axis=1)
        m2s = jnp.tanh(_mT(cat, BW_ref[...]) + Bb_ref[...])
        s2s = s2s_ref[...]
        z = jax.nn.sigmoid(_mT(s2s, gAW_ref[...]) + gAb_ref[...]
                           + _mT(m2s, gBW_ref[...]) + gBb_ref[...])
        hmix = z * m2s + (1.0 - z) * s2s
        gi = _mT(s_ref[...], Wih_ref[...]) + bih_ref[...]
        gh = _mT(hmix, Whh_ref[...]) + bhh_ref[...]
        r = jax.nn.sigmoid(gi[:, :HD] + gh[:, :HD])
        zz = jax.nn.sigmoid(gi[:, HD:2 * HD] + gh[:, HD:2 * HD])
        n = jnp.tanh(gi[:, 2 * HD:] + r * gh[:, 2 * HD:])
        out_ref[...] = (1.0 - zz) * n + zz * hmix

    return pl.pallas_call(
        body,
        out_shape=jax.ShapeDtypeStruct((G, HD), F32),
    )(U, den, s2s, s, BW, Bb, gA_W, gA_b, gB_W, gB_b, W_ih, b_ih,
      W_hh, b_hh)


def _node_finish(parts, v, gid3, ct, EW1, EW2, Eb, gA_W, gA_b, gB_W, gB_b,
                 W_ih, b_ih, W_hh, b_hh, B):
    N, VD = v.shape
    G, HD = ct.shape
    NB = N // B

    def body(p_ref, v_ref, gid_ref, ct_ref, EW1_ref, EW2_ref, Eb_ref,
             gAW_ref, gAb_ref, gBW_ref, gBb_ref, Wih_ref, bih_ref,
             Whh_ref, bhh_ref, out_ref):
        sve = p_ref[0] + p_ref[1]
        vv = v_ref[...]
        gid = gid_ref[0, 0, :]
        oh = _onehot(gid, G)
        pre = _mT(sve, EW1_ref[...]) + _mT(vv, EW2_ref[...]) + Eb_ref[...]
        m2m = jnp.maximum(pre, 0.1 * pre)
        s2m = jnp.dot(oh, ct_ref[...], preferred_element_type=F32)
        z = jax.nn.sigmoid(_mT(m2m, gAW_ref[...]) + gAb_ref[...]
                           + _mT(s2m, gBW_ref[...]) + gBb_ref[...])
        hmix = z * s2m + (1.0 - z) * m2m
        gi = _mT(vv, Wih_ref[...]) + bih_ref[...]
        gh = _mT(hmix, Whh_ref[...]) + bhh_ref[...]
        r = jax.nn.sigmoid(gi[:, :HD] + gh[:, :HD])
        zz = jax.nn.sigmoid(gi[:, HD:2 * HD] + gh[:, HD:2 * HD])
        n = jnp.tanh(gi[:, 2 * HD:] + r * gh[:, 2 * HD:])
        out_ref[...] = (1.0 - zz) * n + zz * hmix

    return pl.pallas_call(
        body,
        grid=(NB,),
        in_specs=[
            pl.BlockSpec((2, B, HD), lambda i: (0, i, 0)),
            pl.BlockSpec((B, VD), lambda i: (i, 0)),
            pl.BlockSpec((1, 1, B), lambda i: (i, 0, 0)),
            pl.BlockSpec((G, HD), lambda i: (0, 0)),
            pl.BlockSpec((HD, HD), lambda i: (0, 0)),
            pl.BlockSpec((HD, VD), lambda i: (0, 0)),
            pl.BlockSpec((1, HD), lambda i: (0, 0)),
            pl.BlockSpec((HD, HD), lambda i: (0, 0)),
            pl.BlockSpec((1, HD), lambda i: (0, 0)),
            pl.BlockSpec((HD, HD), lambda i: (0, 0)),
            pl.BlockSpec((1, HD), lambda i: (0, 0)),
            pl.BlockSpec((3 * HD, HD), lambda i: (0, 0)),
            pl.BlockSpec((1, 3 * HD), lambda i: (0, 0)),
            pl.BlockSpec((3 * HD, HD), lambda i: (0, 0)),
            pl.BlockSpec((1, 3 * HD), lambda i: (0, 0)),
        ],
        out_specs=pl.BlockSpec((B, HD), lambda i: (i, 0)),
        out_shape=jax.ShapeDtypeStruct((N, HD), F32),
    )(parts, v, gid3, ct, EW1, EW2, Eb, gA_W, gA_b, gB_W, gB_b,
      W_ih, b_ih, W_hh, b_hh)


def _edge_sc(ke, v, ei_flat, HD):
    E = ei_flat.shape[0] // 2
    N = v.shape[0]
    NC, NS = 2, 16
    NW = NC * NS
    EH = (E // 2) // NW
    EH2 = E // 2
    PR = 40
    CH = 2 * PR
    NIT = EH // PR
    ZR = ((N + NS - 1) // NS + 7) // 8 * 8
    NP = ZR * NS

    mesh = plsc.VectorSubcoreMesh(core_axis_name="c", subcore_axis_name="s")

    @functools.partial(
        pl.kernel,
        out_type=jax.ShapeDtypeStruct((NC, NP, HD), F32),
        mesh=mesh,
        scratch_types=[
            pltpu.VMEM((CH,), jnp.int32),
            pltpu.VMEM((CH,), jnp.int32),
            pltpu.VMEM((CH,), jnp.int32),
            pltpu.VMEM((CH,), jnp.int32),
            pltpu.VMEM((PR, HD), jnp.int32),
            pltpu.VMEM((CH, HD), F32),
            pltpu.VMEM((CH, HD), F32),
            pltpu.VMEM((CH, HD), F32),
            pltpu.VMEM((CH, HD), F32),
            pltpu.VMEM_SHARED((NP, HD), F32),
            pltpu.SemaphoreType.DMA,
            pltpu.SemaphoreType.DMA,
            pltpu.SemaphoreType.DMA,
            pltpu.SemaphoreType.DMA,
            pltpu.SemaphoreType.DMA,
            pltpu.SemaphoreType.DMA,
            pltpu.SemaphoreType.DMA,
        ],
    )
    def sc_kernel(ke_hbm, v_hbm, ei_hbm, out_hbm,
                  si0, si1, di0, di1, keb, vb0, vb1, ve0, ve1, acc,
                  sl0, sl1, sk, sg0, sg1, ss0, ss1):
        c = lax.axis_index("c")
        sid = lax.axis_index("s")
        wid = sid * NC + c
        SI, DI, VB = (si0, si1), (di0, di1), (vb0, vb1)
        VE = (ve0, ve1)
        SL, SG, SS = (sl0, sl1), (sg0, sg1), (ss0, ss1)

        zv = jnp.zeros((16,), F32)

        def zrow(r, carry):
            for k in range(HD // 16):
                vb0[r, pl.ds(k * 16, 16)] = zv
            return carry

        lax.fori_loop(0, CH, zrow, 0)
        for i in range(ZR // CH):
            pltpu.sync_copy(vb0, acc.at[pl.ds(sid * ZR + i * CH, CH)])
        if ZR % CH:
            pltpu.sync_copy(vb0.at[pl.ds(0, ZR % CH)],
                            acc.at[pl.ds(sid * ZR + (ZR // CH) * CH,
                                         ZR % CH)])
        plsc.subcore_barrier()
        base = wid * EH

        def issue_idx(j1, b):
            q = base + j1 * PR
            pltpu.async_copy(ei_hbm.at[pl.ds(q, PR)],
                             SI[b].at[pl.ds(0, PR)], SL[b])
            pltpu.async_copy(ei_hbm.at[pl.ds(EH2 + q, PR)],
                             SI[b].at[pl.ds(PR, PR)], SL[b])
            pltpu.async_copy(ei_hbm.at[pl.ds(E + q, PR)],
                             DI[b].at[pl.ds(0, PR)], SL[b])
            pltpu.async_copy(ei_hbm.at[pl.ds(E + EH2 + q, PR)],
                             DI[b].at[pl.ds(PR, PR)], SL[b])

        def issue_ke(j1):
            pltpu.async_copy(ke_hbm.at[pl.ds(base + j1 * PR, PR)],
                             keb, sk)

        def wait_idx(b):
            for _ in range(2):
                pltpu.make_async_copy(ei_hbm.at[pl.ds(0, PR)],
                                      SI[b].at[pl.ds(0, PR)],
                                      SL[b]).wait()
                pltpu.make_async_copy(ei_hbm.at[pl.ds(0, PR)],
                                      DI[b].at[pl.ds(0, PR)],
                                      SL[b]).wait()

        def wait_ke():
            pltpu.make_async_copy(ke_hbm.at[pl.ds(0, PR)], keb,
                                  sk).wait()

        def wait_scatter(b):
            pltpu.make_async_copy(VE[b], acc.at[DI[b]], SS[b]).wait()

        def compute(b):
            vb, veb = VB[b], VE[b]

            def row(rp, carry2):
                r1 = rp + PR
                for g in range(HD // 16):
                    kw = keb[rp, pl.ds(g * 16, 16)]
                    k0 = lax.bitcast_convert_type(kw << 16, F32)
                    k1 = lax.bitcast_convert_type((kw >> 16) << 16, F32)
                    t0 = k0 * vb[rp, pl.ds(g * 16, 16)]
                    t1 = k1 * vb[r1, pl.ds(g * 16, 16)]
                    veb[rp, pl.ds(g * 16, 16)] = jnp.maximum(t0, t0 * 0.1)
                    veb[r1, pl.ds(g * 16, 16)] = jnp.maximum(t1, t1 * 0.1)
                return carry2

            lax.fori_loop(0, PR, row, 0)

        issue_idx(0, 0)
        issue_ke(0)

        @pl.loop(0, NIT, step=2)
        def _pipeline(j):
            for b in range(2):
                cur = j + b

                @pl.when(cur < NIT)
                def _phase():
                    wait_idx(b)
                    pltpu.async_copy(v_hbm.at[SI[b]], VB[b], SG[b])

                    @pl.when(cur >= 1)
                    def _():
                        wait_scatter(1 - b)

                    @pl.when(cur + 1 < NIT)
                    def _():
                        issue_idx(cur + 1, 1 - b)

                    wait_ke()
                    pltpu.make_async_copy(v_hbm.at[SI[b]], VB[b],
                                          SG[b]).wait()
                    compute(b)

                    @pl.when(cur + 1 < NIT)
                    def _():
                        issue_ke(cur + 1)

                    pltpu.async_copy(VE[b], acc.at[DI[b]], SS[b], add=True)

        wait_scatter((NIT - 1) % 2)
        plsc.subcore_barrier()
        pltpu.sync_copy(acc.at[pl.ds(sid * ZR, ZR)],
                        out_hbm.at[c, pl.ds(sid * ZR, ZR)])

    return sc_kernel(ke, v, ei_flat)[:, :N, :]


def kernel(v, e, s, params, edge_index, node_graph_ids):
    N, VD = v.shape
    E, ED = e.shape
    G, _ = s.shape
    HD = params['A_W'].shape[0]
    KH = len(params['heads'])
    B = 1000
    PB = 6400

    heads = params['heads']
    AWs = jnp.stack([h['A_W'] for h in heads])
    Abs_ = jnp.stack([h['A_b'].reshape(1, HD) for h in heads])
    BWs = jnp.stack([h['B_W'] for h in heads])
    Bbs = jnp.stack([h['B_b'].reshape(1, HD) for h in heads])
    CWs = jnp.stack([h['C_W'] for h in heads])
    DWs = jnp.stack([h['D_W'] for h in heads])
    Dbs = jnp.stack([h['D_b'].reshape(1, HD) for h in heads])

    gid3 = node_graph_ids.reshape(N // B, 1, B)

    s2s, w, ct = _super_prep(
        s, params['A_W'], params['A_b'].reshape(1, HD), BWs, Bbs, CWs,
        params['C_W'], params['C_b'].reshape(1, HD))

    ke = _edge_proj(e.T, params['K_W'],
                    params['K_b'].reshape(1, HD), PB)
    parts = _edge_sc(ke, v, edge_index.reshape(-1), HD)

    U, den = _node_pass(v, gid3, AWs, Abs_, w, DWs, Dbs, B)

    gs = params['gs']
    update_s = _super_finish(
        U, den, s2s, s, params['B_W'], params['B_b'].reshape(1, HD),
        gs['A_W'], gs['A_b'].reshape(1, HD), gs['B_W'],
        gs['B_b'].reshape(1, HD), gs['W_ih'], gs['b_ih'].reshape(1, 3 * HD),
        gs['W_hh'], gs['b_hh'].reshape(1, 3 * HD))

    gm = params['gm']
    EW_ = params['E_W']
    update_v = _node_finish(
        parts, v, gid3, ct, EW_[:, :HD], EW_[:, HD:],
        params['E_b'].reshape(1, HD), gm['A_W'], gm['A_b'].reshape(1, HD),
        gm['B_W'], gm['B_b'].reshape(1, HD), gm['W_ih'],
        gm['b_ih'].reshape(1, 3 * HD), gm['W_hh'],
        gm['b_hh'].reshape(1, 3 * HD), B)

    return (update_v, update_s)

# --- scband reference (transcript-rebuilt; emitter-appended) ---
"""Pipeline reference for scband-adaptive-gcn-5841155522619 (READ-ONLY COPY).

The authoritative reference and input builder live on the scoring server;
editing this copy changes nothing except your own understanding.
"""

import jax, jax.numpy as jnp
import numpy as np

N = 10000
E = 320000
G = 64
VD = 128
ED = 16
HD = 128
KH = 4


def _lin(x, W, b):
    return x @ W.T + b


def _init_params(key):
    ks = iter(jax.random.split(key, 80))

    def p(shape):
        return jax.random.normal(next(ks), shape, dtype=jnp.float32) * 0.05

    P = {}
    P['A_W'] = p((HD, VD)); P['A_b'] = p((HD,))
    heads = []
    for _ in range(KH):
        h = {}
        h['A_W'] = p((HD, VD)); h['A_b'] = p((HD,))
        h['B_W'] = p((HD, VD)); h['B_b'] = p((HD,))
        h['C_W'] = p((1, HD)); h['C_b'] = p((1,))
        h['D_W'] = p((HD, VD)); h['D_b'] = p((HD,))
        heads.append(h)
    P['heads'] = heads
    P['B_W'] = p((HD, HD * KH)); P['B_b'] = p((HD,))
    P['C_W'] = p((HD, VD)); P['C_b'] = p((HD,))
    P['E_W'] = p((HD, HD + VD)); P['E_b'] = p((HD,))
    P['K_W'] = p((HD, ED)); P['K_b'] = p((HD,))
    for name in ['gm', 'gs']:
        g = {}
        g['A_W'] = p((HD, HD)); g['A_b'] = p((HD,))
        g['B_W'] = p((HD, HD)); g['B_b'] = p((HD,))
        g['W_ih'] = p((3 * HD, HD)); g['W_hh'] = p((3 * HD, HD))
        g['b_ih'] = p((3 * HD,)); g['b_hh'] = p((3 * HD,))
        P[name] = g
    return P


def setup_inputs(seed: int = 0) -> dict:
    key = jax.random.key(seed)
    k1, k2, k3, k4, k5, k6 = jax.random.split(key, 6)
    v = jax.random.normal(k1, (N, VD), dtype=jnp.float32)
    e = jax.random.normal(k2, (E, ED), dtype=jnp.float32)
    s = jax.random.normal(k3, (G, VD), dtype=jnp.float32)
    edge_index = jax.random.randint(k4, (2, E), 0, N, dtype=jnp.int32)
    node_graph_ids = jnp.sort(jax.random.randint(k5, (N,), 0, G, dtype=jnp.int32))
    params = _init_params(k6)
    return {'v': v, 'e': e, 's': s, 'params': params,
            'edge_index': edge_index, 'node_graph_ids': node_graph_ids}


def _gru_cell(x, h, g):
    gi = x @ g['W_ih'].T + g['b_ih']
    gh = h @ g['W_hh'].T + g['b_hh']
    i_r, i_z, i_n = jnp.split(gi, 3, axis=1)
    h_r, h_z, h_n = jnp.split(gh, 3, axis=1)
    r = jax.nn.sigmoid(i_r + h_r)
    z = jax.nn.sigmoid(i_z + h_z)
    n = jnp.tanh(i_n + r * h_n)
    return (1.0 - z) * n + z * h


def _gate(a, b, c, g):
    z = jax.nn.sigmoid(_lin(a, g['A_W'], g['A_b']) + _lin(b, g['B_W'], g['B_b']))
    h = z * b + (1.0 - z) * a
    return _gru_cell(c, h, g)


def _forward(v, e, s, params, edge_index, gid):
    Nn = v.shape[0]
    Gn = s.shape[0]
    # super -> super
    s2s = jnp.tanh(_lin(s, params['A_W'], params['A_b']))
    # multi-scale interaction heads (main -> super), dgl.softmax_nodes + sum_nodes
    outs = []
    for h in params['heads']:
        d_node = jnp.tanh(_lin(v, h['A_W'], h['A_b']))
        d_super = jnp.tanh(_lin(s, h['B_W'], h['B_b']))[gid]  # broadcast_nodes
        a = _lin(d_node * d_super, h['C_W'], h['C_b']).reshape(-1)
        a_max = jax.ops.segment_max(a, gid, num_segments=Gn)
        a_exp = jnp.exp(a - a_max[gid])
        a_den = jax.ops.segment_sum(a_exp, gid, num_segments=Gn)
        a_sm = a_exp / a_den[gid]
        hh = _lin(v, h['D_W'], h['D_b']) * a_sm[:, None]
        outs.append(jax.ops.segment_sum(hh, gid, num_segments=Gn))
    m2s = jnp.tanh(_lin(jnp.concatenate(outs, axis=1), params['B_W'], params['B_b']))
    # super -> main
    s2m = jnp.tanh(_lin(s, params['C_W'], params['C_b']))[gid]  # broadcast_nodes
    # main -> main message passing: ve = leaky_relu(K(e) * v_src), sve = sum over dst
    src = edge_index[0]
    dst = edge_index[1]
    ve = jax.nn.leaky_relu(_lin(e, params['K_W'], params['K_b']) * v[src], negative_slope=0.1)
    sve = jax.ops.segment_sum(ve, dst, num_segments=Nn)
    svev = jnp.concatenate([sve, v], axis=1)
    m2m = jax.nn.leaky_relu(_lin(svev, params['E_W'], params['E_b']), negative_slope=0.1)
    update_v = _gate(m2m, s2m, v, params['gm'])
    update_s = _gate(s2s, m2s, s, params['gs'])
    return (update_v, update_s)


def reference(v, e, s, params, edge_index, node_graph_ids):
    return _forward(v, e, s, params, edge_index, node_graph_ids)

if __name__ == "__main__":
    import jax
    _d = setup_inputs()
    print(jax.jit(kernel)(*tuple(_d.values())))

</pallas_src>

<mosaic_0001>
#map = affine_map<(d0, d1) -> (0, 0)>
#map1 = affine_map<(d0, d1) -> (0)>
#map2 = affine_map<(d0, d1) -> (0, 0, 0)>
module attributes {stable_mosaic.version = 14 : i64} {
  func.func @sc_kernel(%arg0: i32, %arg1: i32, %arg2: memref<160000x128xi32, #tpu.memory_space<hbm>>, %arg3: memref<10000x128xf32, #tpu.memory_space<hbm>>, %arg4: memref<640000xi32, #tpu.memory_space<hbm>>, %arg5: memref<2x10112x128xf32, #tpu.memory_space<hbm>>, %arg6: memref<80xi32, #tpu.memory_space<vmem>>, %arg7: memref<80xi32, #tpu.memory_space<vmem>>, %arg8: memref<80xi32, #tpu.memory_space<vmem>>, %arg9: memref<80xi32, #tpu.memory_space<vmem>>, %arg10: memref<40x128xi32, #tpu.memory_space<vmem>>, %arg11: memref<80x128xf32, #tpu.memory_space<vmem>>, %arg12: memref<80x128xf32, #tpu.memory_space<vmem>>, %arg13: memref<80x128xf32, #tpu.memory_space<vmem>>, %arg14: memref<80x128xf32, #tpu.memory_space<vmem>>, %arg15: memref<10112x128xf32, #tpu.memory_space<vmem_shared>>, %arg16: memref<!tpu.dma_semaphore, #tpu.memory_space<semaphore_mem>>, %arg17: memref<!tpu.dma_semaphore, #tpu.memory_space<semaphore_mem>>, %arg18: memref<!tpu.dma_semaphore, #tpu.memory_space<semaphore_mem>>, %arg19: memref<!tpu.dma_semaphore, #tpu.memory_space<semaphore_mem>>, %arg20: memref<!tpu.dma_semaphore, #tpu.memory_space<semaphore_mem>>, %arg21: memref<!tpu.dma_semaphore, #tpu.memory_space<semaphore_mem>>, %arg22: memref<!tpu.dma_semaphore, #tpu.memory_space<semaphore_mem>>) attributes {dimension_semantics = [#tpu.dimension_semantics<core_parallel>, #tpu.dimension_semantics<subcore_parallel>], iteration_bounds = array<i64: 2, 16>, scalar_prefetch = 0 : i64, scratch_operands = 17 : i64, tpu.core_type = #tpu.core_type<sc_vector_subcore>, window_params = [{transform_indices = #map}, {transform_indices = #map}, {transform_indices = #map1}, {transform_indices = #map2}]} {
    %mul3A = arith.constant 2 : i32
    %mul3A_0 = arith.muli %arg1, %mul3A : i32
    %add3A = arith.addi %mul3A_0, %arg0 : i32
    %broadcast_in_dim3A = arith.constant 0.000000e+00 : f32
    %broadcast_in_dim3A_1 = vector.broadcast %broadcast_in_dim3A : f32 to vector<16xf32>
    %scan3A = arith.constant 0 : i32
    %scan3A_2 = arith.constant 0 : i32
    %scan3A_3 = arith.constant 80 : i32
    %scan3A_4 = arith.addi %scan3A_2, %scan3A_3 : i32
    %scan3A_5 = arith.constant 1 : i32
    scf.for %scan3A_90 = %scan3A_2 to %scan3A_4 step %scan3A_5  : i32 {
      %swap3A = arith.index_cast %scan3A_90 : i32 to index
      %swap3A_91 = arith.constant 0 : index
      %swap3A_92 = tpu.vector_load %arg11[%swap3A, %swap3A_91] {strides = array<i32>} : memref<80x128xf32, #tpu.memory_space<vmem>>, vector<1x16xf32>,
      %swap3A_93 = vector.shape_cast %swap3A_92 : vector<1x16xf32> to vector<16xf32>
      %swap3A_94 = vector.shape_cast %broadcast_in_dim3A_1 : vector<16xf32> to vector<1x16xf32>
      tpu.vector_store %arg11[%swap3A, %swap3A_91], %swap3A_94 {strides = array<i32>} : memref<80x128xf32, #tpu.memory_space<vmem>>, vector<1x16xf32>,
      %swap3A_95 = arith.index_cast %scan3A_90 : i32 to index
      %swap3A_96 = arith.constant 16 : index
      %swap3A_97 = tpu.vector_load %arg11[%swap3A_95, %swap3A_96] {strides = array<i32>} : memref<80x128xf32, #tpu.memory_space<vmem>>, vector<1x16xf32>,
      %swap3A_98 = vector.shape_cast %swap3A_97 : vector<1x16xf32> to vector<16xf32>
      %swap3A_99 = vector.shape_cast %broadcast_in_dim3A_1 : vector<16xf32> to vector<1x16xf32>
      tpu.vector_store %arg11[%swap3A_95, %swap3A_96], %swap3A_99 {strides = array<i32>} : memref<80x128xf32, #tpu.memory_space<vmem>>, vector<1x16xf32>,
      %swap3A_100 = arith.index_cast %scan3A_90 : i32 to index
      %swap3A_101 = arith.constant 32 : index
      %swap3A_102 = tpu.vector_load %arg11[%swap3A_100, %swap3A_101] {strides = array<i32>} : memref<80x128xf32, #tpu.memory_space<vmem>>, vector<1x16xf32>,
      %swap3A_103 = vector.shape_cast %swap3A_102 : vector<1x16xf32> to vector<16xf32>
      %swap3A_104 = vector.shape_cast %broadcast_in_dim3A_1 : vector<16xf32> to vector<1x16xf32>
      tpu.vector_store %arg11[%swap3A_100, %swap3A_101], %swap3A_104 {strides = array<i32>} : memref<80x128xf32, #tpu.memory_space<vmem>>, vector<1x16xf32>,
      %swap3A_105 = arith.index_cast %scan3A_90 : i32 to index
      %swap3A_106 = arith.constant 48 : index
      %swap3A_107 = tpu.vector_load %arg11[%swap3A_105, %swap3A_106] {strides = array<i32>} : memref<80x128xf32, #tpu.memory_space<vmem>>, vector<1x16xf32>,
      %swap3A_108 = vector.shape_cast %swap3A_107 : vector<1x16xf32> to vector<16xf32>
      %swap3A_109 = vector.shape_cast %broadcast_in_dim3A_1 : vector<16xf32> to vector<1x16xf32>
      tpu.vector_store %arg11[%swap3A_105, %swap3A_106], %swap3A_109 {strides = array<i32>} : memref<80x128xf32, #tpu.memory_space<vmem>>, vector<1x16xf32>,
      %swap3A_110 = arith.index_cast %scan3A_90 : i32 to index
      %swap3A_111 = arith.constant 64 : index
      %swap3A_112 = tpu.vector_load %arg11[%swap3A_110, %swap3A_111] {strides = array<i32>} : memref<80x128xf32, #tpu.memory_space<vmem>>, vector<1x16xf32>,
      %swap3A_113 = vector.shape_cast %swap3A_112 : vector<1x16xf32> to vector<16xf32>
      %swap3A_114 = vector.shape_cast %broadcast_in_dim3A_1 : vector<16xf32> to vector<1x16xf32>
      tpu.vector_store %arg11[%swap3A_110, %swap3A_111], %swap3A_114 {strides = array<i32>} : memref<80x128xf32, #tpu.memory_space<vmem>>, vector<1x16xf32>,
      %swap3A_115 = arith.index_cast %scan3A_90 : i32 to index
      %swap3A_116 = arith.constant 80 : index
      %swap3A_117 = tpu.vector_load %arg11[%swap3A_115, %swap3A_116] {strides = array<i32>} : memref<80x128xf32, #tpu.memory_space<vmem>>, vector<1x16xf32>,
      %swap3A_118 = vector.shape_cast %swap3A_117 : vector<1x16xf32> to vector<16xf32>
      %swap3A_119 = vector.shape_cast %broadcast_in_dim3A_1 : vector<16xf32> to vector<1x16xf32>
      tpu.vector_store %arg11[%swap3A_115, %swap3A_116], %swap3A_119 {strides = array<i32>} : memref<80x128xf32, #tpu.memory_space<vmem>>, vector<1x16xf32>,
      %swap3A_120 = arith.index_cast %scan3A_90 : i32 to index
      %swap3A_121 = arith.constant 96 : index
      %swap3A_122 = tpu.vector_load %arg11[%swap3A_120, %swap3A_121] {strides = array<i32>} : memref<80x128xf32, #tpu.memory_space<vmem>>, vector<1x16xf32>,
      %swap3A_123 = vector.shape_cast %swap3A_122 : vector<1x16xf32> to vector<16xf32>
      %swap3A_124 = vector.shape_cast %broadcast_in_dim3A_1 : vector<16xf32> to vector<1x16xf32>
      tpu.vector_store %arg11[%swap3A_120, %swap3A_121], %swap3A_124 {strides = array<i32>} : memref<80x128xf32, #tpu.memory_space<vmem>>, vector<1x16xf32>,
      %swap3A_125 = arith.index_cast %scan3A_90 : i32 to index
      %swap3A_126 = arith.constant 112 : index
      %swap3A_127 = tpu.vector_load %arg11[%swap3A_125, %swap3A_126] {strides = array<i32>} : memref<80x128xf32, #tpu.memory_space<vmem>>, vector<1x16xf32>,
      %swap3A_128 = vector.shape_cast %swap3A_127 : vector<1x16xf32> to vector<16xf32>
      %swap3A_129 = vector.shape_cast %broadcast_in_dim3A_1 : vector<16xf32> to vector<1x16xf32>
      tpu.vector_store %arg11[%swap3A_125, %swap3A_126], %swap3A_129 {strides = array<i32>} : memref<80x128xf32, #tpu.memory_space<vmem>>, vector<1x16xf32>,
    }
    %scan3A_6 = arith.constant 80 : i32
    %mul3A_7 = arith.constant 632 : i32
    %mul3A_8 = arith.muli %arg1, %mul3A_7 : i32
    %add3A_9 = arith.constant 0 : i32
    %add3A_10 = arith.addi %mul3A_8, %add3A_9 : i32
    "tpu.region"() ({
      %run_scoped3A = tpu.sem_alloc : memref<!tpu.dma_semaphore, #tpu.memory_space<semaphore_mem>>
      %dma_start3A_90 = arith.constant 0 : i32
      %dma_start3A_91 = tpu.memref_slice %arg15[%add3A_10, %dma_start3A_90] : memref<10112x128xf32, #tpu.memory_space<vmem_shared>> -> memref<80x128xf32, #tpu.memory_space<vmem_shared>>
      %dma_start3A_92 = arith.constant 0 : i32
      %dma_start3A_93 = tpu.memref_slice %arg15[%add3A_10, %dma_start3A_92] : memref<10112x128xf32, #tpu.memory_space<vmem_shared>> -> memref<80x128xf32, #tpu.memory_space<vmem_shared>>
      tpu.enqueue_dma source(%arg11 : memref<80x128xf32, #tpu.memory_space<vmem>>) target(%dma_start3A_93 : memref<80x128xf32, #tpu.memory_space<vmem_shared>>) target_semaphore(%run_scoped3A : memref<!tpu.dma_semaphore, #tpu.memory_space<semaphore_mem>>)
      %dma_wait3A_94 = arith.constant 0 : i32
      %dma_wait3A_95 = tpu.memref_slice %arg15[%add3A_10, %dma_wait3A_94] : memref<10112x128xf32, #tpu.memory_space<vmem_shared>> -> memref<80x128xf32, #tpu.memory_space<vmem_shared>>
      %dma_wait3A_96 = arith.constant 0 : i32
      %dma_wait3A_97 = tpu.memref_slice %arg15[%add3A_10, %dma_wait3A_96] : memref<10112x128xf32, #tpu.memory_space<vmem_shared>> -> memref<80x128xf32, #tpu.memory_space<vmem_shared>>
      tpu.wait_dma2 semaphore(%run_scoped3A : memref<!tpu.dma_semaphore, #tpu.memory_space<semaphore_mem>>) src(%arg11 : memref<80x128xf32, #tpu.memory_space<vmem>>) dst(%dma_wait3A_97 : memref<80x128xf32, #tpu.memory_space<vmem_shared>>)
      tpu.yield
    }) : () -> ()
    %mul3A_11 = arith.constant 632 : i32
    %mul3A_12 = arith.muli %arg1, %mul3A_11 : i32
    %add3A_13 = arith.constant 80 : i32
    %add3A_14 = arith.addi %mul3A_12, %add3A_13 : i32
    "tpu.region"() ({
      %run_scoped3A = tpu.sem_alloc : memref<!tpu.dma_semaphore, #tpu.memory_space<semaphore_mem>>
      %dma_start3A_90 = arith.constant 0 : i32
      %dma_start3A_91 = tpu.memref_slice %arg15[%add3A_14, %dma_start3A_90] : memref<10112x128xf32, #tpu.memory_space<vmem_shared>> -> memref<80x128xf32, #tpu.memory_space<vmem_shared>>
      %dma_start3A_92 = arith.constant 0 : i32
      %dma_start3A_93 = tpu.memref_slice %arg15[%add3A_14, %dma_start3A_92] : memref<10112x128xf32, #tpu.memory_space<vmem_shared>> -> memref<80x128xf32, #tpu.memory_space<vmem_shared>>
      tpu.enqueue_dma source(%arg11 : memref<80x128xf32, #tpu.memory_space<vmem>>) target(%dma_start3A_93 : memref<80x128xf32, #tpu.memory_space<vmem_shared>>) target_semaphore(%run_scoped3A : memref<!tpu.dma_semaphore, #tpu.memory_space<semaphore_mem>>)
      %dma_wait3A_94 = arith.constant 0 : i32
      %dma_wait3A_95 = tpu.memref_slice %arg15[%add3A_14, %dma_wait3A_94] : memref<10112x128xf32, #tpu.memory_space<vmem_shared>> -> memref<80x128xf32, #tpu.memory_space<vmem_shared>>
      %dma_wait3A_96 = arith.constant 0 : i32
      %dma_wait3A_97 = tpu.memref_slice %arg15[%add3A_14, %dma_wait3A_96] : memref<10112x128xf32, #tpu.memory_space<vmem_shared>> -> memref<80x128xf32, #tpu.memory_space<vmem_shared>>
      tpu.wait_dma2 semaphore(%run_scoped3A : memref<!tpu.dma_semaphore, #tpu.memory_space<semaphore_mem>>) src(%arg11 : memref<80x128xf32, #tpu.memory_space<vmem>>) dst(%dma_wait3A_97 : memref<80x128xf32, #tpu.memory_space<vmem_shared>>)
      tpu.yield
    }) : () -> ()
    %mul3A_15 = arith.constant 632 : i32
    %mul3A_16 = arith.muli %arg1, %mul3A_15 : i32
    %add3A_17 = arith.constant 160 : i32
    %add3A_18 = arith.addi %mul3A_16, %add3A_17 : i32
    "tpu.region"() ({
      %run_scoped3A = tpu.sem_alloc : memref<!tpu.dma_semaphore, #tpu.memory_space<semaphore_mem>>
      %dma_start3A_90 = arith.constant 0 : i32
      %dma_start3A_91 = tpu.memref_slice %arg15[%add3A_18, %dma_start3A_90] : memref<10112x128xf32, #tpu.memory_space<vmem_shared>> -> memref<80x128xf32, #tpu.memory_space<vmem_shared>>
      %dma_start3A_92 = arith.constant 0 : i32
      %dma_start3A_93 = tpu.memref_slice %arg15[%add3A_18, %dma_start3A_92] : memref<10112x128xf32, #tpu.memory_space<vmem_shared>> -> memref<80x128xf32, #tpu.memory_space<vmem_shared>>
      tpu.enqueue_dma source(%arg11 : memref<80x128xf32, #tpu.memory_space<vmem>>) target(%dma_start3A_93 : memref<80x128xf32, #tpu.memory_space<vmem_shared>>) target_semaphore(%run_scoped3A : memref<!tpu.dma_semaphore, #tpu.memory_space<semaphore_mem>>)
      %dma_wait3A_94 = arith.constant 0 : i32
      %dma_wait3A_95 = tpu.memref_slice %arg15[%add3A_18, %dma_wait3A_94] : memref<10112x128xf32, #tpu.memory_space<vmem_shared>> -> memref<80x128xf32, #tpu.memory_space<vmem_shared>>
      %dma_wait3A_96 = arith.constant 0 : i32
      %dma_wait3A_97 = tpu.memref_slice %arg15[%add3A_18, %dma_wait3A_96] : memref<10112x128xf32, #tpu.memory_space<vmem_shared>> -> memref<80x128xf32, #tpu.memory_space<vmem_shared>>
      tpu.wait_dma2 semaphore(%run_scoped3A : memref<!tpu.dma_semaphore, #tpu.memory_space<semaphore_mem>>) src(%arg11 : memref<80x128xf32, #tpu.memory_space<vmem>>) dst(%dma_wait3A_97 : memref<80x128xf32, #tpu.memory_space<vmem_shared>>)
      tpu.yield
    }) : () -> ()
    %mul3A_19 = arith.constant 632 : i32
    %mul3A_20 = arith.muli %arg1, %mul3A_19 : i32
    %add3A_21 = arith.constant 240 : i32
    %add3A_22 = arith.addi %mul3A_20, %add3A_21 : i32
    "tpu.region"() ({
      %run_scoped3A = tpu.sem_alloc : memref<!tpu.dma_semaphore, #tpu.memory_space<semaphore_mem>>
      %dma_start3A_90 = arith.constant 0 : i32
      %dma_start3A_91 = tpu.memref_slice %arg15[%add3A_22, %dma_start3A_90] : memref<10112x128xf32, #tpu.memory_space<vmem_shared>> -> memref<80x128xf32, #tpu.memory_space<vmem_shared>>
      %dma_start3A_92 = arith.constant 0 : i32
      %dma_start3A_93 = tpu.memref_slice %arg15[%add3A_22, %dma_start3A_92] : memref<10112x128xf32, #tpu.memory_space<vmem_shared>> -> memref<80x128xf32, #tpu.memory_space<vmem_shared>>
      tpu.enqueue_dma source(%arg11 : memref<80x128xf32, #tpu.memory_space<vmem>>) target(%dma_start3A_93 : memref<80x128xf32, #tpu.memory_space<vmem_shared>>) target_semaphore(%run_scoped3A : memref<!tpu.dma_semaphore, #tpu.memory_space<semaphore_mem>>)
      %dma_wait3A_94 = arith.constant 0 : i32
      %dma_wait3A_95 = tpu.memref_slice %arg15[%add3A_22, %dma_wait3A_94] : memref<10112x128xf32, #tpu.memory_space<vmem_shared>> -> memref<80x128xf32, #tpu.memory_space<vmem_shared>>
      %dma_wait3A_96 = arith.constant 0 : i32
      %dma_wait3A_97 = tpu.memref_slice %arg15[%add3A_22, %dma_wait3A_96] : memref<10112x128xf32, #tpu.memory_space<vmem_shared>> -> memref<80x128xf32, #tpu.memory_space<vmem_shared>>
      tpu.wait_dma2 semaphore(%run_scoped3A : memref<!tpu.dma_semaphore, #tpu.memory_space<semaphore_mem>>) src(%arg11 : memref<80x128xf32, #tpu.memory_space<vmem>>) dst(%dma_wait3A_97 : memref<80x128xf32, #tpu.memory_space<vmem_shared>>)
      tpu.yield
    }) : () -> ()
    %mul3A_23 = arith.constant 632 : i32
    %mul3A_24 = arith.muli %arg1, %mul3A_23 : i32
    %add3A_25 = arith.constant 320 : i32
    %add3A_26 = arith.addi %mul3A_24, %add3A_25 : i32
    "tpu.region"() ({
      %run_scoped3A = tpu.sem_alloc : memref<!tpu.dma_semaphore, #tpu.memory_space<semaphore_mem>>
      %dma_start3A_90 = arith.constant 0 : i32
      %dma_start3A_91 = tpu.memref_slice %arg15[%add3A_26, %dma_start3A_90] : memref<10112x128xf32, #tpu.memory_space<vmem_shared>> -> memref<80x128xf32, #tpu.memory_space<vmem_shared>>
      %dma_start3A_92 = arith.constant 0 : i32
      %dma_start3A_93 = tpu.memref_slice %arg15[%add3A_26, %dma_start3A_92] : memref<10112x128xf32, #tpu.memory_space<vmem_shared>> -> memref<80x128xf32, #tpu.memory_space<vmem_shared>>
      tpu.enqueue_dma source(%arg11 : memref<80x128xf32, #tpu.memory_space<vmem>>) target(%dma_start3A_93 : memref<80x128xf32, #tpu.memory_space<vmem_shared>>) target_semaphore(%run_scoped3A : memref<!tpu.dma_semaphore, #tpu.memory_space<semaphore_mem>>)
      %dma_wait3A_94 = arith.constant 0 : i32
      %dma_wait3A_95 = tpu.memref_slice %arg15[%add3A_26, %dma_wait3A_94] : memref<10112x128xf32, #tpu.memory_space<vmem_shared>> -> memref<80x128xf32, #tpu.memory_space<vmem_shared>>
      %dma_wait3A_96 = arith.constant 0 : i32
      %dma_wait3A_97 = tpu.memref_slice %arg15[%add3A_26, %dma_wait3A_96] : memref<10112x128xf32, #tpu.memory_space<vmem_shared>> -> memref<80x128xf32, #tpu.memory_space<vmem_shared>>
      tpu.wait_dma2 semaphore(%run_scoped3A : memref<!tpu.dma_semaphore, #tpu.memory_space<semaphore_mem>>) src(%arg11 : memref<80x128xf32, #tpu.memory_space<vmem>>) dst(%dma_wait3A_97 : memref<80x128xf32, #tpu.memory_space<vmem_shared>>)
      tpu.yield
    }) : () -> ()
    %mul3A_27 = arith.constant 632 : i32
    %mul3A_28 = arith.muli %arg1, %mul3A_27 : i32
    %add3A_29 = arith.constant 400 : i32
    %add3A_30 = arith.addi %mul3A_28, %add3A_29 : i32
    "tpu.region"() ({
      %run_scoped3A = tpu.sem_alloc : memref<!tpu.dma_semaphore, #tpu.memory_space<semaphore_mem>>
      %dma_start3A_90 = arith.constant 0 : i32
      %dma_start3A_91 = tpu.memref_slice %arg15[%add3A_30, %dma_start3A_90] : memref<10112x128xf32, #tpu.memory_space<vmem_shared>> -> memref<80x128xf32, #tpu.memory_space<vmem_shared>>
      %dma_start3A_92 = arith.constant 0 : i32
      %dma_start3A_93 = tpu.memref_slice %arg15[%add3A_30, %dma_start3A_92] : memref<10112x128xf32, #tpu.memory_space<vmem_shared>> -> memref<80x128xf32, #tpu.memory_space<vmem_shared>>
      tpu.enqueue_dma source(%arg11 : memref<80x128xf32, #tpu.memory_space<vmem>>) target(%dma_start3A_93 : memref<80x128xf32, #tpu.memory_space<vmem_shared>>) target_semaphore(%run_scoped3A : memref<!tpu.dma_semaphore, #tpu.memory_space<semaphore_mem>>)
      %dma_wait3A_94 = arith.constant 0 : i32
      %dma_wait3A_95 = tpu.memref_slice %arg15[%add3A_30, %dma_wait3A_94] : memref<10112x128xf32, #tpu.memory_space<vmem_shared>> -> memref<80x128xf32, #tpu.memory_space<vmem_shared>>
      %dma_wait3A_96 = arith.constant 0 : i32
      %dma_wait3A_97 = tpu.memref_slice %arg15[%add3A_30, %dma_wait3A_96] : memref<10112x128xf32, #tpu.memory_space<vmem_shared>> -> memref<80x128xf32, #tpu.memory_space<vmem_shared>>
      tpu.wait_dma2 semaphore(%run_scoped3A : memref<!tpu.dma_semaphore, #tpu.memory_space<semaphore_mem>>) src(%arg11 : memref<80x128xf32, #tpu.memory_space<vmem>>) dst(%dma_wait3A_97 : memref<80x128xf32, #tpu.memory_space<vmem_shared>>)
      tpu.yield
    }) : () -> ()
    %mul3A_31 = arith.constant 632 : i32
    %mul3A_32 = arith.muli %arg1, %mul3A_31 : i32
    %add3A_33 = arith.constant 480 : i32
    %add3A_34 = arith.addi %mul3A_32, %add3A_33 : i32
    "tpu.region"() ({
      %run_scoped3A = tpu.sem_alloc : memref<!tpu.dma_semaphore, #tpu.memory_space<semaphore_mem>>
      %dma_start3A_90 = arith.constant 0 : i32
      %dma_start3A_91 = tpu.memref_slice %arg15[%add3A_34, %dma_start3A_90] : memref<10112x128xf32, #tpu.memory_space<vmem_shared>> -> memref<80x128xf32, #tpu.memory_space<vmem_shared>>
      %dma_start3A_92 = arith.constant 0 : i32
      %dma_start3A_93 = tpu.memref_slice %arg15[%add3A_34, %dma_start3A_92] : memref<10112x128xf32, #tpu.memory_space<vmem_shared>> -> memref<80x128xf32, #tpu.memory_space<vmem_shared>>
      tpu.enqueue_dma source(%arg11 : memref<80x128xf32, #tpu.memory_space<vmem>>) target(%dma_start3A_93 : memref<80x128xf32, #tpu.memory_space<vmem_shared>>) target_semaphore(%run_scoped3A : memref<!tpu.dma_semaphore, #tpu.memory_space<semaphore_mem>>)
      %dma_wait3A_94 = arith.constant 0 : i32
      %dma_wait3A_95 = tpu.memref_slice %arg15[%add3A_34, %dma_wait3A_94] : memref<10112x128xf32, #tpu.memory_space<vmem_shared>> -> memref<80x128xf32, #tpu.memory_space<vmem_shared>>
      %dma_wait3A_96 = arith.constant 0 : i32
      %dma_wait3A_97 = tpu.memref_slice %arg15[%add3A_34, %dma_wait3A_96] : memref<10112x128xf32, #tpu.memory_space<vmem_shared>> -> memref<80x128xf32, #tpu.memory_space<vmem_shared>>
      tpu.wait_dma2 semaphore(%run_scoped3A : memref<!tpu.dma_semaphore, #tpu.memory_space<semaphore_mem>>) src(%arg11 : memref<80x128xf32, #tpu.memory_space<vmem>>) dst(%dma_wait3A_97 : memref<80x128xf32, #tpu.memory_space<vmem_shared>>)
      tpu.yield
    }) : () -> ()
    %mul3A_35 = arith.constant 632 : i32
    %mul3A_36 = arith.muli %arg1, %mul3A_35 : i32
    %add3A_37 = arith.constant 560 : i32
    %add3A_38 = arith.addi %mul3A_36, %add3A_37 : i32
    "tpu.region"() ({
      %run_scoped3A = tpu.sem_alloc : memref<!tpu.dma_semaphore, #tpu.memory_space<semaphore_mem>>
      %dma_start3A_90 = arith.constant 0 : i32
      %dma_start3A_91 = arith.constant 0 : i32
      %dma_start3A_92 = tpu.memref_slice %arg11[%dma_start3A_90, %dma_start3A_91] : memref<80x128xf32, #tpu.memory_space<vmem>> -> memref<72x128xf32, #tpu.memory_space<vmem>>
      %dma_start3A_93 = arith.constant 0 : i32
      %dma_start3A_94 = tpu.memref_slice %arg15[%add3A_38, %dma_start3A_93] : memref<10112x128xf32, #tpu.memory_space<vmem_shared>> -> memref<72x128xf32, #tpu.memory_space<vmem_shared>>
      %dma_start3A_95 = arith.constant 0 : i32
      %dma_start3A_96 = tpu.memref_slice %arg15[%add3A_38, %dma_start3A_95] : memref<10112x128xf32, #tpu.memory_space<vmem_shared>> -> memref<72x128xf32, #tpu.memory_space<vmem_shared>>
      %dma_start3A_97 = arith.constant 0 : i32
      %dma_start3A_98 = arith.constant 0 : i32
      %dma_start3A_99 = tpu.memref_slice %arg11[%dma_start3A_97, %dma_start3A_98] : memref<80x128xf32, #tpu.memory_space<vmem>> -> memref<72x128xf32, #tpu.memory_space<vmem>>
      tpu.enqueue_dma source(%dma_start3A_99 : memref<72x128xf32, #tpu.memory_space<vmem>>) target(%dma_start3A_96 : memref<72x128xf32, #tpu.memory_space<vmem_shared>>) target_semaphore(%run_scoped3A : memref<!tpu.dma_semaphore, #tpu.memory_space<semaphore_mem>>)
      %dma_wait3A_100 = arith.constant 0 : i32
      %dma_wait3A_101 = arith.constant 0 : i32
      %dma_wait3A_102 = tpu.memref_slice %arg11[%dma_wait3A_100, %dma_wait3A_101] : memref<80x128xf32, #tpu.memory_space<vmem>> -> memref<72x128xf32, #tpu.memory_space<vmem>>
      %dma_wait3A_103 = arith.constant 0 : i32
      %dma_wait3A_104 = tpu.memref_slice %arg15[%add3A_38, %dma_wait3A_103] : memref<10112x128xf32, #tpu.memory_space<vmem_shared>> -> memref<72x128xf32, #tpu.memory_space<vmem_shared>>
      %dma_wait3A_105 = arith.constant 0 : i32
      %dma_wait3A_106 = tpu.memref_slice %arg15[%add3A_38, %dma_wait3A_105] : memref<10112x128xf32, #tpu.memory_space<vmem_shared>> -> memref<72x128xf32, #tpu.memory_space<vmem_shared>>
      %dma_wait3A_107 = arith.constant 0 : i32
      %dma_wait3A_108 = arith.constant 0 : i32
      %dma_wait3A_109 = tpu.memref_slice %arg11[%dma_wait3A_107, %dma_wait3A_108] : memref<80x128xf32, #tpu.memory_space<vmem>> -> memref<72x128xf32, #tpu.memory_space<vmem>>
      tpu.wait_dma2 semaphore(%run_scoped3A : memref<!tpu.dma_semaphore, #tpu.memory_space<semaphore_mem>>) src(%dma_wait3A_109 : memref<72x128xf32, #tpu.memory_space<vmem>>) dst(%dma_wait3A_106 : memref<72x128xf32, #tpu.memory_space<vmem_shared>>)
      tpu.yield
    }) : () -> ()
    %barrier3A = arith.constant 0 : index
    tpu.barrier barrier_id(%barrier3A)
    %mul3A_39 = arith.constant 5000 : i32
    %mul3A_40 = arith.muli %add3A, %mul3A_39 : i32
    %add3A_41 = arith.constant 0 : i32
    %add3A_42 = arith.addi %mul3A_40, %add3A_41 : i32
    %dma_start3A = arith.constant 0 : i32
    %dma_start3A_43 = tpu.memref_slice %arg6[%dma_start3A] : memref<80xi32, #tpu.memory_space<vmem>> -> memref<40xi32, #tpu.memory_space<vmem>>
    %dma_start3A_44 = tpu.memref_slice %arg4[%add3A_42] : memref<640000xi32, #tpu.memory_space<hbm>> -> memref<40xi32, #tpu.memory_space<hbm>>
    %dma_start3A_45 = arith.constant 0 : i32
    %dma_start3A_46 = tpu.memref_slice %arg6[%dma_start3A_45] : memref<80xi32, #tpu.memory_space<vmem>> -> memref<40xi32, #tpu.memory_space<vmem>>
    %dma_start3A_47 = tpu.memref_slice %arg4[%add3A_42] : memref<640000xi32, #tpu.memory_space<hbm>> -> memref<40xi32, #tpu.memory_space<hbm>>
    tpu.enqueue_dma source(%dma_start3A_47 : memref<40xi32, #tpu.memory_space<hbm>>) target(%dma_start3A_46 : memref<40xi32, #tpu.memory_space<vmem>>) target_semaphore(%arg16 : memref<!tpu.dma_semaphore, #tpu.memory_space<semaphore_mem>>)
    %add3A_48 = arith.constant 160000 : i32
    %add3A_49 = arith.addi %add3A_48, %add3A_42 : i32
    %dma_start3A_50 = arith.constant 40 : i32
    %dma_start3A_51 = tpu.memref_slice %arg6[%dma_start3A_50] : memref<80xi32, #tpu.memory_space<vmem>> -> memref<40xi32, #tpu.memory_space<vmem>>
    %dma_start3A_52 = tpu.memref_slice %arg4[%add3A_49] : memref<640000xi32, #tpu.memory_space<hbm>> -> memref<40xi32, #tpu.memory_space<hbm>>
    %dma_start3A_53 = arith.constant 40 : i32
    %dma_start3A_54 = tpu.memref_slice %arg6[%dma_start3A_53] : memref<80xi32, #tpu.memory_space<vmem>> -> memref<40xi32, #tpu.memory_space<vmem>>
    %dma_start3A_55 = tpu.memref_slice %arg4[%add3A_49] : memref<640000xi32, #tpu.memory_space<hbm>> -> memref<40xi32, #tpu.memory_space<hbm>>
    tpu.enqueue_dma source(%dma_start3A_55 : memref<40xi32, #tpu.memory_space<hbm>>) target(%dma_start3A_54 : memref<40xi32, #tpu.memory_space<vmem>>) target_semaphore(%arg16 : memref<!tpu.dma_semaphore, #tpu.memory_space<semaphore_mem>>)
    %add3A_56 = arith.constant 320000 : i32
    %add3A_57 = arith.addi %add3A_56, %add3A_42 : i32
    %dma_start3A_58 = arith.constant 0 : i32
    %dma_start3A_59 = tpu.memref_slice %arg8[%dma_start3A_58] : memref<80xi32, #tpu.memory_space<vmem>> -> memref<40xi32, #tpu.memory_space<vmem>>
    %dma_start3A_60 = tpu.memref_slice %arg4[%add3A_57] : memref<640000xi32, #tpu.memory_space<hbm>> -> memref<40xi32, #tpu.memory_space<hbm>>
    %dma_start3A_61 = arith.constant 0 : i32
    %dma_start3A_62 = tpu.memref_slice %arg8[%dma_start3A_61] : memref<80xi32, #tpu.memory_space<vmem>> -> memref<40xi32, #tpu.memory_space<vmem>>
    %dma_start3A_63 = tpu.memref_slice %arg4[%add3A_57] : memref<640000xi32, #tpu.memory_space<hbm>> -> memref<40xi32, #tpu.memory_space<hbm>>
    tpu.enqueue_dma source(%dma_start3A_63 : memref<40xi32, #tpu.memory_space<hbm>>) target(%dma_start3A_62 : memref<40xi32, #tpu.memory_space<vmem>>) target_semaphore(%arg16 : memref<!tpu.dma_semaphore, #tpu.memory_space<semaphore_mem>>)
    %add3A_64 = arith.constant 480000 : i32
    %add3A_65 = arith.addi %add3A_64, %add3A_42 : i32
    %dma_start3A_66 = arith.constant 40 : i32
    %dma_start3A_67 = tpu.memref_slice %arg8[%dma_start3A_66] : memref<80xi32, #tpu.memory_space<vmem>> -> memref<40xi32, #tpu.memory_space<vmem>>
    %dma_start3A_68 = tpu.memref_slice %arg4[%add3A_65] : memref<640000xi32, #tpu.memory_space<hbm>> -> memref<40xi32, #tpu.memory_space<hbm>>
    %dma_start3A_69 = arith.constant 40 : i32
    %dma_start3A_70 = tpu.memref_slice %arg8[%dma_start3A_69] : memref<80xi32, #tpu.memory_space<vmem>> -> memref<40xi32, #tpu.memory_space<vmem>>
    %dma_start3A_71 = tpu.memref_slice %arg4[%add3A_65] : memref<640000xi32, #tpu.memory_space<hbm>> -> memref<40xi32, #tpu.memory_space<hbm>>
    tpu.enqueue_dma source(%dma_start3A_71 : memref<40xi32, #tpu.memory_space<hbm>>) target(%dma_start3A_70 : memref<40xi32, #tpu.memory_space<vmem>>) target_semaphore(%arg16 : memref<!tpu.dma_semaphore, #tpu.memory_space<semaphore_mem>>)
    %add3A_72 = arith.constant 0 : i32
    %add3A_73 = arith.addi %mul3A_40, %add3A_72 : i32
    %dma_start3A_74 = arith.constant 0 : i32
    %dma_start3A_75 = tpu.memref_slice %arg2[%add3A_73, %dma_start3A_74] : memref<160000x128xi32, #tpu.memory_space<hbm>> -> memref<40x128xi32, #tpu.memory_space<hbm>>
    %dma_start3A_76 = arith.constant 0 : i32
    %dma_start3A_77 = tpu.memref_slice %arg2[%add3A_73, %dma_start3A_76] : memref<160000x128xi32, #tpu.memory_space<hbm>> -> memref<40x128xi32, #tpu.memory_space<hbm>>
    tpu.enqueue_dma source(%dma_start3A_77 : memref<40x128xi32, #tpu.memory_space<hbm>>) target(%arg10 : memref<40x128xi32, #tpu.memory_space<vmem>>) target_semaphore(%arg18 : memref<!tpu.dma_semaphore, #tpu.memory_space<semaphore_mem>>)
    %scan3A_78 = arith.constant 0 : i32
    %scan3A_79 = arith.constant 63 : i32
    %scan3A_80 = arith.addi %scan3A_78, %scan3A_79 : i32
    %scan3A_81 = arith.constant 1 : i32
    scf.for %scan3A_90 = %scan3A_78 to %scan3A_80 step %scan3A_81  : i32 {
      %mul3A_91 = arith.constant 2 : i32
      %mul3A_92 = arith.muli %scan3A_90, %mul3A_91 : i32
      %add3A_93 = arith.constant 0 : i32
      %add3A_94 = arith.addi %add3A_93, %mul3A_92 : i32
      %add3A_95 = arith.constant 0 : i32
      %add3A_96 = arith.addi %add3A_94, %add3A_95 : i32
      %lt3A = arith.constant 125 : i32
      %lt3A_97 = arith.cmpi slt, %add3A_96, %lt3A : i32
      %convert_element_type3A = arith.extui %lt3A_97 : i1 to i32
      %cond3A = arith.constant 0 : i32
      %cond3A_98 = arith.cmpi ne, %convert_element_type3A, %cond3A : i32
      scf.if %cond3A_98 {
        %dma_wait3A_106 = arith.constant 0 : i32
        %dma_wait3A_107 = tpu.memref_slice %arg6[%dma_wait3A_106] : memref<80xi32, #tpu.memory_space<vmem>> -> memref<40xi32, #tpu.memory_space<vmem>>
        %dma_wait3A_108 = arith.constant 0 : i32
        %dma_wait3A_109 = tpu.memref_slice %arg4[%dma_wait3A_108] : memref<640000xi32, #tpu.memory_space<hbm>> -> memref<40xi32, #tpu.memory_space<hbm>>
        %dma_wait3A_110 = arith.constant 0 : i32
        %dma_wait3A_111 = tpu.memref_slice %arg6[%dma_wait3A_110] : memref<80xi32, #tpu.memory_space<vmem>> -> memref<40xi32, #tpu.memory_space<vmem>>
        %dma_wait3A_112 = arith.constant 0 : i32
        %dma_wait3A_113 = tpu.memref_slice %arg4[%dma_wait3A_112] : memref<640000xi32, #tpu.memory_space<hbm>> -> memref<40xi32, #tpu.memory_space<hbm>>
        tpu.wait_dma2 semaphore(%arg16 : memref<!tpu.dma_semaphore, #tpu.memory_space<semaphore_mem>>) src(%dma_wait3A_113 : memref<40xi32, #tpu.memory_space<hbm>>) dst(%dma_wait3A_111 : memref<40xi32, #tpu.memory_space<vmem>>)
        %dma_wait3A_114 = arith.constant 0 : i32
        %dma_wait3A_115 = tpu.memref_slice %arg8[%dma_wait3A_114] : memref<80xi32, #tpu.memory_space<vmem>> -> memref<40xi32, #tpu.memory_space<vmem>>
        %dma_wait3A_116 = arith.constant 0 : i32
        %dma_wait3A_117 = tpu.memref_slice %arg4[%dma_wait3A_116] : memref<640000xi32, #tpu.memory_space<hbm>> -> memref<40xi32, #tpu.memory_space<hbm>>
        %dma_wait3A_118 = arith.constant 0 : i32
        %dma_wait3A_119 = tpu.memref_slice %arg8[%dma_wait3A_118] : memref<80xi32, #tpu.memory_space<vmem>> -> memref<40xi32, #tpu.memory_space<vmem>>
        %dma_wait3A_120 = arith.constant 0 : i32
        %dma_wait3A_121 = tpu.memref_slice %arg4[%dma_wait3A_120] : memref<640000xi32, #tpu.memory_space<hbm>> -> memref<40xi32, #tpu.memory_space<hbm>>
        tpu.wait_dma2 semaphore(%arg16 : memref<!tpu.dma_semaphore, #tpu.memory_space<semaphore_mem>>) src(%dma_wait3A_121 : memref<40xi32, #tpu.memory_space<hbm>>) dst(%dma_wait3A_119 : memref<40xi32, #tpu.memory_space<vmem>>)
        %dma_wait3A_122 = arith.constant 0 : i32
        %dma_wait3A_123 = tpu.memref_slice %arg6[%dma_wait3A_122] : memref<80xi32, #tpu.memory_space<vmem>> -> memref<40xi32, #tpu.memory_space<vmem>>
        %dma_wait3A_124 = arith.constant 0 : i32
        %dma_wait3A_125 = tpu.memref_slice %arg4[%dma_wait3A_124] : memref<640000xi32, #tpu.memory_space<hbm>> -> memref<40xi32, #tpu.memory_space<hbm>>
        %dma_wait3A_126 = arith.constant 0 : i32
        %dma_wait3A_127 = tpu.memref_slice %arg6[%dma_wait3A_126] : memref<80xi32, #tpu.memory_space<vmem>> -> memref<40xi32, #tpu.memory_space<vmem>>
        %dma_wait3A_128 = arith.constant 0 : i32
        %dma_wait3A_129 = tpu.memref_slice %arg4[%dma_wait3A_128] : memref<640000xi32, #tpu.memory_space<hbm>> -> memref<40xi32, #tpu.memory_space<hbm>>
        tpu.wait_dma2 semaphore(%arg16 : memref<!tpu.dma_semaphore, #tpu.memory_space<semaphore_mem>>) src(%dma_wait3A_129 : memref<40xi32, #tpu.memory_space<hbm>>) dst(%dma_wait3A_127 : memref<40xi32, #tpu.memory_space<vmem>>)
        %dma_wait3A_130 = arith.constant 0 : i32
        %dma_wait3A_131 = tpu.memref_slice %arg8[%dma_wait3A_130] : memref<80xi32, #tpu.memory_space<vmem>> -> memref<40xi32, #tpu.memory_space<vmem>>
        %dma_wait3A_132 = arith.constant 0 : i32
        %dma_wait3A_133 = tpu.memref_slice %arg4[%dma_wait3A_132] : memref<640000xi32, #tpu.memory_space<hbm>> -> memref<40xi32, #tpu.memory_space<hbm>>
        %dma_wait3A_134 = arith.constant 0 : i32
        %dma_wait3A_135 = tpu.memref_slice %arg8[%dma_wait3A_134] : memref<80xi32, #tpu.memory_space<vmem>> -> memref<40xi32, #tpu.memory_space<vmem>>
        %dma_wait3A_136 = arith.constant 0 : i32
        %dma_wait3A_137 = tpu.memref_slice %arg4[%dma_wait3A_136] : memref<640000xi32, #tpu.memory_space<hbm>> -> memref<40xi32, #tpu.memory_space<hbm>>
        tpu.wait_dma2 semaphore(%arg16 : memref<!tpu.dma_semaphore, #tpu.memory_space<semaphore_mem>>) src(%dma_wait3A_137 : memref<40xi32, #tpu.memory_space<hbm>>) dst(%dma_wait3A_135 : memref<40xi32, #tpu.memory_space<vmem>>)
        %dma_start3A_138 = arith.constant 0 : i32
        %dma_start3A_139 = arith.constant 0 : i32
        %dma_start3A_140 = tpu.memref_slice %arg3[%dma_start3A_138, %dma_start3A_139] : memref<10000x128xf32, #tpu.memory_space<hbm>> -> memref<10000x128xf32, #tpu.memory_space<hbm>>
        tpu.enqueue_indirect_dma source(%dma_start3A_140 : memref<10000x128xf32, #tpu.memory_space<hbm>>) target(%arg11 : memref<80x128xf32, #tpu.memory_space<vmem>>) offsets(%arg6 : memref<80xi32, #tpu.memory_space<vmem>>) semaphore(%arg19 : memref<!tpu.dma_semaphore, #tpu.memory_space<semaphore_mem>>)
        %ge3A = arith.constant 1 : i32
        %ge3A_141 = arith.cmpi sge, %add3A_96, %ge3A : i32
        %convert_element_type3A_142 = arith.extui %ge3A_141 : i1 to i32
        %cond3A_143 = arith.constant 0 : i32
        %cond3A_144 = arith.cmpi ne, %convert_element_type3A_142, %cond3A_143 : i32
        scf.if %cond3A_144 {
          %dma_wait3A_177 = arith.constant 0 : i32
          %dma_wait3A_178 = arith.constant 0 : i32
          %dma_wait3A_179 = tpu.memref_slice %arg15[%dma_wait3A_177, %dma_wait3A_178] : memref<10112x128xf32, #tpu.memory_space<vmem_shared>> -> memref<10112x128xf32, #tpu.memory_space<vmem_shared>>
          tpu.wait_indirect_dma semaphore(%arg22 : memref<!tpu.dma_semaphore, #tpu.memory_space<semaphore_mem>>) src(%arg14 : memref<80x128xf32, #tpu.memory_space<vmem>>) dst(%dma_wait3A_179 : memref<10112x128xf32, #tpu.memory_space<vmem_shared>>)
        } else {
        }
        %add3A_145 = arith.constant 1 : i32
        %add3A_146 = arith.addi %add3A_96, %add3A_145 : i32
        %lt3A_147 = arith.constant 125 : i32
        %lt3A_148 = arith.cmpi slt, %add3A_146, %lt3A_147 : i32
        %convert_element_type3A_149 = arith.extui %lt3A_148 : i1 to i32
        %cond3A_150 = arith.constant 0 : i32
        %cond3A_151 = arith.cmpi ne, %convert_element_type3A_149, %cond3A_150 : i32
        scf.if %cond3A_151 {
          %add3A_177 = arith.constant 1 : i32
          %add3A_178 = arith.addi %add3A_96, %add3A_177 : i32
          %mul3A_179 = arith.constant 40 : i32
          %mul3A_180 = arith.muli %add3A_178, %mul3A_179 : i32
          %add3A_181 = arith.addi %mul3A_40, %mul3A_180 : i32
          %dma_start3A_182 = arith.constant 0 : i32
          %dma_start3A_183 = tpu.memref_slice %arg7[%dma_start3A_182] : memref<80xi32, #tpu.memory_space<vmem>> -> memref<40xi32, #tpu.memory_space<vmem>>
          %dma_start3A_184 = tpu.memref_slice %arg4[%add3A_181] : memref<640000xi32, #tpu.memory_space<hbm>> -> memref<40xi32, #tpu.memory_space<hbm>>
          %dma_start3A_185 = arith.constant 0 : i32
          %dma_start3A_186 = tpu.memref_slice %arg7[%dma_start3A_185] : memref<80xi32, #tpu.memory_space<vmem>> -> memref<40xi32, #tpu.memory_space<vmem>>
          %dma_start3A_187 = tpu.memref_slice %arg4[%add3A_181] : memref<640000xi32, #tpu.memory_space<hbm>> -> memref<40xi32, #tpu.memory_space<hbm>>
          tpu.enqueue_dma source(%dma_start3A_187 : memref<40xi32, #tpu.memory_space<hbm>>) target(%dma_start3A_186 : memref<40xi32, #tpu.memory_space<vmem>>) target_semaphore(%arg17 : memref<!tpu.dma_semaphore, #tpu.memory_space<semaphore_mem>>)
          %add3A_188 = arith.constant 160000 : i32
          %add3A_189 = arith.addi %add3A_188, %add3A_181 : i32
          %dma_start3A_190 = arith.constant 40 : i32
          %dma_start3A_191 = tpu.memref_slice %arg7[%dma_start3A_190] : memref<80xi32, #tpu.memory_space<vmem>> -> memref<40xi32, #tpu.memory_space<vmem>>
          %dma_start3A_192 = tpu.memref_slice %arg4[%add3A_189] : memref<640000xi32, #tpu.memory_space<hbm>> -> memref<40xi32, #tpu.memory_space<hbm>>
          %dma_start3A_193 = arith.constant 40 : i32
          %dma_start3A_194 = tpu.memref_slice %arg7[%dma_start3A_193] : memref<80xi32, #tpu.memory_space<vmem>> -> memref<40xi32, #tpu.memory_space<vmem>>
          %dma_start3A_195 = tpu.memref_slice %arg4[%add3A_189] : memref<640000xi32, #tpu.memory_space<hbm>> -> memref<40xi32, #tpu.memory_space<hbm>>
          tpu.enqueue_dma source(%dma_start3A_195 : memref<40xi32, #tpu.memory_space<hbm>>) target(%dma_start3A_194 : memref<40xi32, #tpu.memory_space<vmem>>) target_semaphore(%arg17 : memref<!tpu.dma_semaphore, #tpu.memory_space<semaphore_mem>>)
          %add3A_196 = arith.constant 320000 : i32
          %add3A_197 = arith.addi %add3A_196, %add3A_181 : i32
          %dma_start3A_198 = arith.constant 0 : i32
          %dma_start3A_199 = tpu.memref_slice %arg9[%dma_start3A_198] : memref<80xi32, #tpu.memory_space<vmem>> -> memref<40xi32, #tpu.memory_space<vmem>>
          %dma_start3A_200 = tpu.memref_slice %arg4[%add3A_197] : memref<640000xi32, #tpu.memory_space<hbm>> -> memref<40xi32, #tpu.memory_space<hbm>>
          %dma_start3A_201 = arith.constant 0 : i32
          %dma_start3A_202 = tpu.memref_slice %arg9[%dma_start3A_201] : memref<80xi32, #tpu.memory_space<vmem>> -> memref<40xi32, #tpu.memory_space<vmem>>
          %dma_start3A_203 = tpu.memref_slice %arg4[%add3A_197] : memref<640000xi32, #tpu.memory_space<hbm>> -> memref<40xi32, #tpu.memory_space<hbm>>
          tpu.enqueue_dma source(%dma_start3A_203 : memref<40xi32, #tpu.memory_space<hbm>>) target(%dma_start3A_202 : memref<40xi32, #tpu.memory_space<vmem>>) target_semaphore(%arg17 : memref<!tpu.dma_semaphore, #tpu.memory_space<semaphore_mem>>)
          %add3A_204 = arith.constant 480000 : i32
          %add3A_205 = arith.addi %add3A_204, %add3A_181 : i32
          %dma_start3A_206 = arith.constant 40 : i32
          %dma_start3A_207 = tpu.memref_slice %arg9[%dma_start3A_206] : memref<80xi32, #tpu.memory_space<vmem>> -> memref<40xi32, #tpu.memory_space<vmem>>
          %dma_start3A_208 = tpu.memref_slice %arg4[%add3A_205] : memref<640000xi32, #tpu.memory_space<hbm>> -> memref<40xi32, #tpu.memory_space<hbm>>
          %dma_start3A_209 = arith.constant 40 : i32
          %dma_start3A_210 = tpu.memref_slice %arg9[%dma_start3A_209] : memref<80xi32, #tpu.memory_space<vmem>> -> memref<40xi32, #tpu.memory_space<vmem>>
          %dma_start3A_211 = tpu.memref_slice %arg4[%add3A_205] : memref<640000xi32, #tpu.memory_space<hbm>> -> memref<40xi32, #tpu.memory_space<hbm>>
          tpu.enqueue_dma source(%dma_start3A_211 : memref<40xi32, #tpu.memory_space<hbm>>) target(%dma_start3A_210 : memref<40xi32, #tpu.memory_space<vmem>>) target_semaphore(%arg17 : memref<!tpu.dma_semaphore, #tpu.memory_space<semaphore_mem>>)
        } else {
        }
        %dma_wait3A_152 = arith.constant 0 : i32
        %dma_wait3A_153 = arith.constant 0 : i32
        %dma_wait3A_154 = tpu.memref_slice %arg2[%dma_wait3A_152, %dma_wait3A_153] : memref<160000x128xi32, #tpu.memory_space<hbm>> -> memref<40x128xi32, #tpu.memory_space<hbm>>
        %dma_wait3A_155 = arith.constant 0 : i32
        %dma_wait3A_156 = arith.constant 0 : i32
        %dma_wait3A_157 = tpu.memref_slice %arg2[%dma_wait3A_155, %dma_wait3A_156] : memref<160000x128xi32, #tpu.memory_space<hbm>> -> memref<40x128xi32, #tpu.memory_space<hbm>>
        tpu.wait_dma2 semaphore(%arg18 : memref<!tpu.dma_semaphore, #tpu.memory_space<semaphore_mem>>) src(%dma_wait3A_157 : memref<40x128xi32, #tpu.memory_space<hbm>>) dst(%arg10 : memref<40x128xi32, #tpu.memory_space<vmem>>)
        %dma_wait3A_158 = arith.constant 0 : i32
        %dma_wait3A_159 = arith.constant 0 : i32
        %dma_wait3A_160 = tpu.memref_slice %arg3[%dma_wait3A_158, %dma_wait3A_159] : memref<10000x128xf32, #tpu.memory_space<hbm>> -> memref<10000x128xf32, #tpu.memory_space<hbm>>
        tpu.wait_indirect_dma semaphore(%arg19 : memref<!tpu.dma_semaphore, #tpu.memory_space<semaphore_mem>>) src(%dma_wait3A_160 : memref<10000x128xf32, #tpu.memory_space<hbm>>) dst(%arg11 : memref<80x128xf32, #tpu.memory_space<vmem>>)
        %scan3A_161 = arith.constant 0 : i32
        %scan3A_162 = arith.constant 0 : i32
        %scan3A_163 = arith.constant 40 : i32
        %scan3A_164 = arith.addi %scan3A_162, %scan3A_163 : i32
        %scan3A_165 = arith.constant 1 : i32
        scf.for %scan3A_177 = %scan3A_162 to %scan3A_164 step %scan3A_165  : i32 {
          %add3A_178 = arith.constant 40 : i32
          %add3A_179 = arith.addi %scan3A_177, %add3A_178 : i32
          %get3A = arith.index_cast %scan3A_177 : i32 to index
          %get3A_180 = arith.constant 0 : index
          %get3A_181 = tpu.vector_load %arg10[%get3A, %get3A_180] {strides = array<i32>} : memref<40x128xi32, #tpu.memory_space<vmem>>, vector<1x16xi32>,
          %get3A_182 = vector.shape_cast %get3A_181 : vector<1x16xi32> to vector<16xi32>
          %shift_left3A = arith.constant 16 : i32
          %shift_left3A_183 = vector.broadcast %shift_left3A : i32 to vector<16xi32>
          %shift_left3A_184 = arith.shli %get3A_182, %shift_left3A_183 : vector<16xi32>
          %bitcast_convert_type3A = tpu.bitcast %shift_left3A_184 : vector<16xi32> -> vector<16xf32>
          %shift_right_arithmetic3A = arith.constant 16 : i32
          %shift_right_arithmetic3A_185 = vector.broadcast %shift_right_arithmetic3A : i32 to vector<16xi32>
          %shift_right_arithmetic3A_186 = arith.shrsi %get3A_182, %shift_right_arithmetic3A_185 : vector<16xi32>
          %shift_left3A_187 = arith.constant 16 : i32
          %shift_left3A_188 = vector.broadcast %shift_left3A_187 : i32 to vector<16xi32>
          %shift_left3A_189 = arith.shli %shift_right_arithmetic3A_186, %shift_left3A_188 : vector<16xi32>
          %bitcast_convert_type3A_190 = tpu.bitcast %shift_left3A_189 : vector<16xi32> -> vector<16xf32>
          %get3A_191 = arith.index_cast %scan3A_177 : i32 to index
          %get3A_192 = arith.constant 0 : index
          %get3A_193 = tpu.vector_load %arg11[%get3A_191, %get3A_192] {strides = array<i32>} : memref<80x128xf32, #tpu.memory_space<vmem>>, vector<1x16xf32>,
          %get3A_194 = vector.shape_cast %get3A_193 : vector<1x16xf32> to vector<16xf32>
          %mul3A_195 = arith.mulf %bitcast_convert_type3A, %get3A_194 : vector<16xf32>
          %get3A_196 = arith.index_cast %add3A_179 : i32 to index
          %get3A_197 = arith.constant 0 : index
          %get3A_198 = tpu.vector_load %arg11[%get3A_196, %get3A_197] {strides = array<i32>} : memref<80x128xf32, #tpu.memory_space<vmem>>, vector<1x16xf32>,
          %get3A_199 = vector.shape_cast %get3A_198 : vector<1x16xf32> to vector<16xf32>
          %mul3A_200 = arith.mulf %bitcast_convert_type3A_190, %get3A_199 : vector<16xf32>
          %mul3A_201 = arith.constant 1.000000e-01 : f32
          %mul3A_202 = vector.broadcast %mul3A_201 : f32 to vector<16xf32>
          %mul3A_203 = arith.mulf %mul3A_195, %mul3A_202 : vector<16xf32>
          %max3A = arith.maximumf %mul3A_195, %mul3A_203 : vector<16xf32>
          %swap3A = arith.index_cast %scan3A_177 : i32 to index
          %swap3A_204 = arith.constant 0 : index
          %swap3A_205 = tpu.vector_load %arg13[%swap3A, %swap3A_204] {strides = array<i32>} : memref<80x128xf32, #tpu.memory_space<vmem>>, vector<1x16xf32>,
          %swap3A_206 = vector.shape_cast %swap3A_205 : vector<1x16xf32> to vector<16xf32>
          %swap3A_207 = vector.shape_cast %max3A : vector<16xf32> to vector<1x16xf32>
          tpu.vector_store %arg13[%swap3A, %swap3A_204], %swap3A_207 {strides = array<i32>} : memref<80x128xf32, #tpu.memory_space<vmem>>, vector<1x16xf32>,
          %mul3A_208 = arith.constant 1.000000e-01 : f32
          %mul3A_209 = vector.broadcast %mul3A_208 : f32 to vector<16xf32>
          %mul3A_210 = arith.mulf %mul3A_200, %mul3A_209 : vector<16xf32>
          %max3A_211 = arith.maximumf %mul3A_200, %mul3A_210 : vector<16xf32>
          %swap3A_212 = arith.index_cast %add3A_179 : i32 to index
          %swap3A_213 = arith.constant 0 : index
          %swap3A_214 = tpu.vector_load %arg13[%swap3A_212, %swap3A_213] {strides = array<i32>} : memref<80x128xf32, #tpu.memory_space<vmem>>, vector<1x16xf32>,
          %swap3A_215 = vector.shape_cast %swap3A_214 : vector<1x16xf32> to vector<16xf32>
          %swap3A_216 = vector.shape_cast %max3A_211 : vector<16xf32> to vector<1x16xf32>
          tpu.vector_store %arg13[%swap3A_212, %swap3A_213], %swap3A_216 {strides = array<i32>} : memref<80x128xf32, #tpu.memory_space<vmem>>, vector<1x16xf32>,
          %get3A_217 = arith.index_cast %scan3A_177 : i32 to index
          %get3A_218 = arith.constant 16 : index
          %get3A_219 = tpu.vector_load %arg10[%get3A_217, %get3A_218] {strides = array<i32>} : memref<40x128xi32, #tpu.memory_space<vmem>>, vector<1x16xi32>,
          %get3A_220 = vector.shape_cast %get3A_219 : vector<1x16xi32> to vector<16xi32>
          %shift_left3A_221 = arith.constant 16 : i32
          %shift_left3A_222 = vector.broadcast %shift_left3A_221 : i32 to vector<16xi32>
          %shift_left3A_223 = arith.shli %get3A_220, %shift_left3A_222 : vector<16xi32>
          %bitcast_convert_type3A_224 = tpu.bitcast %shift_left3A_223 : vector<16xi32> -> vector<16xf32>
          %shift_right_arithmetic3A_225 = arith.constant 16 : i32
          %shift_right_arithmetic3A_226 = vector.broadcast %shift_right_arithmetic3A_225 : i32 to vector<16xi32>
          %shift_right_arithmetic3A_227 = arith.shrsi %get3A_220, %shift_right_arithmetic3A_226 : vector<16xi32>
          %shift_left3A_228 = arith.constant 16 : i32
          %shift_left3A_229 = vector.broadcast %shift_left3A_228 : i32 to vector<16xi32>
          %shift_left3A_230 = arith.shli %shift_right_arithmetic3A_227, %shift_left3A_229 : vector<16xi32>
          %bitcast_convert_type3A_231 = tpu.bitcast %shift_left3A_230 : vector<16xi32> -> vector<16xf32>
          %get3A_232 = arith.index_cast %scan3A_177 : i32 to index
          %get3A_233 = arith.constant 16 : index
          %get3A_234 = tpu.vector_load %arg11[%get3A_232, %get3A_233] {strides = array<i32>} : memref<80x128xf32, #tpu.memory_space<vmem>>, vector<1x16xf32>,
          %get3A_235 = vector.shape_cast %get3A_234 : vector<1x16xf32> to vector<16xf32>
          %mul3A_236 = arith.mulf %bitcast_convert_type3A_224, %get3A_235 : vector<16xf32>
          %get3A_237 = arith.index_cast %add3A_179 : i32 to index
          %get3A_238 = arith.constant 16 : index
          %get3A_239 = tpu.vector_load %arg11[%get3A_237, %get3A_238] {strides = array<i32>} : memref<80x128xf32, #tpu.memory_space<vmem>>, vector<1x16xf32>,
          %get3A_240 = vector.shape_cast %get3A_239 : vector<1x16xf32> to vector<16xf32>
          %mul3A_241 = arith.mulf %bitcast_convert_type3A_231, %get3A_240 : vector<16xf32>
          %mul3A_242 = arith.constant 1.000000e-01 : f32
          %mul3A_243 = vector.broadcast %mul3A_242 : f32 to vector<16xf32>
          %mul3A_244 = arith.mulf %mul3A_236, %mul3A_243 : vector<16xf32>
          %max3A_245 = arith.maximumf %mul3A_236, %mul3A_244 : vector<16xf32>
          %swap3A_246 = arith.index_cast %scan3A_177 : i32 to index
          %swap3A_247 = arith.constant 16 : index
          %swap3A_248 = tpu.vector_load %arg13[%swap3A_246, %swap3A_247] {strides = array<i32>} : memref<80x128xf32, #tpu.memory_space<vmem>>, vector<1x16xf32>,
          %swap3A_249 = vector.shape_cast %swap3A_248 : vector<1x16xf32> to vector<16xf32>
          %swap3A_250 = vector.shape_cast %max3A_245 : vector<16xf32> to vector<1x16xf32>
          tpu.vector_store %arg13[%swap3A_246, %swap3A_247], %swap3A_250 {strides = array<i32>} : memref<80x128xf32, #tpu.memory_space<vmem>>, vector<1x16xf32>,
          %mul3A_251 = arith.constant 1.000000e-01 : f32
          %mul3A_252 = vector.broadcast %mul3A_251 : f32 to vector<16xf32>
          %mul3A_253 = arith.mulf %mul3A_241, %mul3A_252 : vector<16xf32>
          %max3A_254 = arith.maximumf %mul3A_241, %mul3A_253 : vector<16xf32>
          %swap3A_255 = arith.index_cast %add3A_179 : i32 to index
          %swap3A_256 = arith.constant 16 : index
          %swap3A_257 = tpu.vector_load %arg13[%swap3A_255, %swap3A_256] {strides = array<i32>} : memref<80x128xf32, #tpu.memory_space<vmem>>, vector<1x16xf32>,
          %swap3A_258 = vector.shape_cast %swap3A_257 : vector<1x16xf32> to vector<16xf32>
          %swap3A_259 = vector.shape_cast %max3A_254 : vector<16xf32> to vector<1x16xf32>
          tpu.vector_store %arg13[%swap3A_255, %swap3A_256], %swap3A_259 {strides = array<i32>} : memref<80x128xf32, #tpu.memory_space<vmem>>, vector<1x16xf32>,
          %get3A_260 = arith.index_cast %scan3A_177 : i32 to index
          %get3A_261 = arith.constant 32 : index
          %get3A_262 = tpu.vector_load %arg10[%get3A_260, %get3A_261] {strides = array<i32>} : memref<40x128xi32, #tpu.memory_space<vmem>>, vector<1x16xi32>,
          %get3A_263 = vector.shape_cast %get3A_262 : vector<1x16xi32> to vector<16xi32>
          %shift_left3A_264 = arith.constant 16 : i32
          %shift_left3A_265 = vector.broadcast %shift_left3A_264 : i32 to vector<16xi32>
          %shift_left3A_266 = arith.shli %get3A_263, %shift_left3A_265 : vector<16xi32>
          %bitcast_convert_type3A_267 = tpu.bitcast %shift_left3A_266 : vector<16xi32> -> vector<16xf32>
          %shift_right_arithmetic3A_268 = arith.constant 16 : i32
          %shift_right_arithmetic3A_269 = vector.broadcast %shift_right_arithmetic3A_268 : i32 to vector<16xi32>
          %shift_right_arithmetic3A_270 = arith.shrsi %get3A_263, %shift_right_arithmetic3A_269 : vector<16xi32>
          %shift_left3A_271 = arith.constant 16 : i32
          %shift_left3A_272 = vector.broadcast %shift_left3A_271 : i32 to vector<16xi32>
          %shift_left3A_273 = arith.shli %shift_right_arithmetic3A_270, %shift_left3A_272 : vector<16xi32>
          %bitcast_convert_type3A_274 = tpu.bitcast %shift_left3A_273 : vector<16xi32> -> vector<16xf32>
          %get3A_275 = arith.index_cast %scan3A_177 : i32 to index
          %get3A_276 = arith.constant 32 : index
          %get3A_277 = tpu.vector_load %arg11[%get3A_275, %get3A_276] {strides = array<i32>} : memref<80x128xf32, #tpu.memory_space<vmem>>, vector<1x16xf32>,
          %get3A_278 = vector.shape_cast %get3A_277 : vector<1x16xf32> to vector<16xf32>
          %mul3A_279 = arith.mulf %bitcast_convert_type3A_267, %get3A_278 : vector<16xf32>
          %get3A_280 = arith.index_cast %add3A_179 : i32 to index
          %get3A_281 = arith.constant 32 : index
          %get3A_282 = tpu.vector_load %arg11[%get3A_280, %get3A_281] {strides = array<i32>} : memref<80x128xf32, #tpu.memory_space<vmem>>, vector<1x16xf32>,
          %get3A_283 = vector.shape_cast %get3A_282 : vector<1x16xf32> to vector<16xf32>
          %mul3A_284 = arith.mulf %bitcast_convert_type3A_274, %get3A_283 : vector<16xf32>
          %mul3A_285 = arith.constant 1.000000e-01 : f32
          %mul3A_286 = vector.broadcast %mul3A_285 : f32 to vector<16xf32>
          %mul3A_287 = arith.mulf %mul3A_279, %mul3A_286 : vector<16xf32>
          %max3A_288 = arith.maximumf %mul3A_279, %mul3A_287 : vector<16xf32>
          %swap3A_289 = arith.index_cast %scan3A_177 : i32 to index
          %swap3A_290 = arith.constant 32 : index
          %swap3A_291 = tpu.vector_load %arg13[%swap3A_289, %swap3A_290] {strides = array<i32>} : memref<80x128xf32, #tpu.memory_space<vmem>>, vector<1x16xf32>,
          %swap3A_292 = vector.shape_cast %swap3A_291 : vector<1x16xf32> to vector<16xf32>
          %swap3A_293 = vector.shape_cast %max3A_288 : vector<16xf32> to vector<1x16xf32>
          tpu.vector_store %arg13[%swap3A_289, %swap3A_290], %swap3A_293 {strides = array<i32>} : memref<80x128xf32, #tpu.memory_space<vmem>>, vector<1x16xf32>,
          %mul3A_294 = arith.constant 1.000000e-01 : f32
          %mul3A_295 = vector.broadcast %mul3A_294 : f32 to vector<16xf32>
          %mul3A_296 = arith.mulf %mul3A_284, %mul3A_295 : vector<16xf32>
          %max3A_297 = arith.maximumf %mul3A_284, %mul3A_296 : vector<16xf32>
          %swap3A_298 = arith.index_cast %add3A_179 : i32 to index
          %swap3A_299 = arith.constant 32 : index
          %swap3A_300 = tpu.vector_load %arg13[%swap3A_298, %swap3A_299] {strides = array<i32>} : memref<80x128xf32, #tpu.memory_space<vmem>>, vector<1x16xf32>,
          %swap3A_301 = vector.shape_cast %swap3A_300 : vector<1x16xf32> to vector<16xf32>
          %swap3A_302 = vector.shape_cast %max3A_297 : vector<16xf32> to vector<1x16xf32>
          tpu.vector_store %arg13[%swap3A_298, %swap3A_299], %swap3A_302 {strides = array<i32>} : memref<80x128xf32, #tpu.memory_space<vmem>>, vector<1x16xf32>,
          %get3A_303 = arith.index_cast %scan3A_177 : i32 to index
          %get3A_304 = arith.constant 48 : index
          %get3A_305 = tpu.vector_load %arg10[%get3A_303, %get3A_304] {strides = array<i32>} : memref<40x128xi32, #tpu.memory_space<vmem>>, vector<1x16xi32>,
          %get3A_306 = vector.shape_cast %get3A_305 : vector<1x16xi32> to vector<16xi32>
          %shift_left3A_307 = arith.constant 16 : i32
          %shift_left3A_308 = vector.broadcast %shift_left3A_307 : i32 to vector<16xi32>
          %shift_left3A_309 = arith.shli %get3A_306, %shift_left3A_308 : vector<16xi32>
          %bitcast_convert_type3A_310 = tpu.bitcast %shift_left3A_309 : vector<16xi32> -> vector<16xf32>
          %shift_right_arithmetic3A_311 = arith.constant 16 : i32
          %shift_right_arithmetic3A_312 = vector.broadcast %shift_right_arithmetic3A_311 : i32 to vector<16xi32>
          %shift_right_arithmetic3A_313 = arith.shrsi %get3A_306, %shift_right_arithmetic3A_312 : vector<16xi32>
          %shift_left3A_314 = arith.constant 16 : i32
          %shift_left3A_315 = vector.broadcast %shift_left3A_314 : i32 to vector<16xi32>
          %shift_left3A_316 = arith.shli %shift_right_arithmetic3A_313, %shift_left3A_315 : vector<16xi32>
          %bitcast_convert_type3A_317 = tpu.bitcast %shift_left3A_316 : vector<16xi32> -> vector<16xf32>
          %get3A_318 = arith.index_cast %scan3A_177 : i32 to index
          %get3A_319 = arith.constant 48 : index
          %get3A_320 = tpu.vector_load %arg11[%get3A_318, %get3A_319] {strides = array<i32>} : memref<80x128xf32, #tpu.memory_space<vmem>>, vector<1x16xf32>,
          %get3A_321 = vector.shape_cast %get3A_320 : vector<1x16xf32> to vector<16xf32>
          %mul3A_322 = arith.mulf %bitcast_convert_type3A_310, %get3A_321 : vector<16xf32>
          %get3A_323 = arith.index_cast %add3A_179 : i32 to index
          %get3A_324 = arith.constant 48 : index
          %get3A_325 = tpu.vector_load %arg11[%get3A_323, %get3A_324] {strides = array<i32>} : memref<80x128xf32, #tpu.memory_space<vmem>>, vector<1x16xf32>,
          %get3A_326 = vector.shape_cast %get3A_325 : vector<1x16xf32> to vector<16xf32>
          %mul3A_327 = arith.mulf %bitcast_convert_type3A_317, %get3A_326 : vector<16xf32>
          %mul3A_328 = arith.constant 1.000000e-01 : f32
          %mul3A_329 = vector.broadcast %mul3A_328 : f32 to vector<16xf32>
          %mul3A_330 = arith.mulf %mul3A_322, %mul3A_329 : vector<16xf32>
          %max3A_331 = arith.maximumf %mul3A_322, %mul3A_330 : vector<16xf32>
          %swap3A_332 = arith.index_cast %scan3A_177 : i32 to index
          %swap3A_333 = arith.constant 48 : index
          %swap3A_334 = tpu.vector_load %arg13[%swap3A_332, %swap3A_333] {strides = array<i32>} : memref<80x128xf32, #tpu.memory_space<vmem>>, vector<1x16xf32>,
          %swap3A_335 = vector.shape_cast %swap3A_334 : vector<1x16xf32> to vector<16xf32>
          %swap3A_336 = vector.shape_cast %max3A_331 : vector<16xf32> to vector<1x16xf32>
          tpu.vector_store %arg13[%swap3A_332, %swap3A_333], %swap3A_336 {strides = array<i32>} : memref<80x128xf32, #tpu.memory_space<vmem>>, vector<1x16xf32>,
          %mul3A_337 = arith.constant 1.000000e-01 : f32
          %mul3A_338 = vector.broadcast %mul3A_337 : f32 to vector<16xf32>
          %mul3A_339 = arith.mulf %mul3A_327, %mul3A_338 : vector<16xf32>
          %max3A_340 = arith.maximumf %mul3A_327, %mul3A_339 : vector<16xf32>
          %swap3A_341 = arith.index_cast %add3A_179 : i32 to index
          %swap3A_342 = arith.constant 48 : index
          %swap3A_343 = tpu.vector_load %arg13[%swap3A_341, %swap3A_342] {strides = array<i32>} : memref<80x128xf32, #tpu.memory_space<vmem>>, vector<1x16xf32>,
          %swap3A_344 = vector.shape_cast %swap3A_343 : vector<1x16xf32> to vector<16xf32>
          %swap3A_345 = vector.shape_cast %max3A_340 : vector<16xf32> to vector<1x16xf32>
          tpu.vector_store %arg13[%swap3A_341, %swap3A_342], %swap3A_345 {strides = array<i32>} : memref<80x128xf32, #tpu.memory_space<vmem>>, vector<1x16xf32>,
          %get3A_346 = arith.index_cast %scan3A_177 : i32 to index
          %get3A_347 = arith.constant 64 : index
          %get3A_348 = tpu.vector_load %arg10[%get3A_346, %get3A_347] {strides = array<i32>} : memref<40x128xi32, #tpu.memory_space<vmem>>, vector<1x16xi32>,
          %get3A_349 = vector.shape_cast %get3A_348 : vector<1x16xi32> to vector<16xi32>
          %shift_left3A_350 = arith.constant 16 : i32
          %shift_left3A_351 = vector.broadcast %shift_left3A_350 : i32 to vector<16xi32>
          %shift_left3A_352 = arith.shli %get3A_349, %shift_left3A_351 : vector<16xi32>
          %bitcast_convert_type3A_353 = tpu.bitcast %shift_left3A_352 : vector<16xi32> -> vector<16xf32>
          %shift_right_arithmetic3A_354 = arith.constant 16 : i32
          %shift_right_arithmetic3A_355 = vector.broadcast %shift_right_arithmetic3A_354 : i32 to vector<16xi32>
          %shift_right_arithmetic3A_356 = arith.shrsi %get3A_349, %shift_right_arithmetic3A_355 : vector<16xi32>
          %shift_left3A_357 = arith.constant 16 : i32
          %shift_left3A_358 = vector.broadcast %shift_left3A_357 : i32 to vector<16xi32>
          %shift_left3A_359 = arith.shli %shift_right_arithmetic3A_356, %shift_left3A_358 : vector<16xi32>
          %bitcast_convert_type3A_360 = tpu.bitcast %shift_left3A_359 : vector<16xi32> -> vector<16xf32>
          %get3A_361 = arith.index_cast %scan3A_177 : i32 to index
          %get3A_362 = arith.constant 64 : index
          %get3A_363 = tpu.vector_load %arg11[%get3A_361, %get3A_362] {strides = array<i32>} : memref<80x128xf32, #tpu.memory_space<vmem>>, vector<1x16xf32>,
          %get3A_364 = vector.shape_cast %get3A_363 : vector<1x16xf32> to vector<16xf32>
          %mul3A_365 = arith.mulf %bitcast_convert_type3A_353, %get3A_364 : vector<16xf32>
          %get3A_366 = arith.index_cast %add3A_179 : i32 to index
          %get3A_367 = arith.constant 64 : index
          %get3A_368 = tpu.vector_load %arg11[%get3A_366, %get3A_367] {strides = array<i32>} : memref<80x128xf32, #tpu.memory_space<vmem>>, vector<1x16xf32>,
          %get3A_369 = vector.shape_cast %get3A_368 : vector<1x16xf32> to vector<16xf32>
          %mul3A_370 = arith.mulf %bitcast_convert_type3A_360, %get3A_369 : vector<16xf32>
          %mul3A_371 = arith.constant 1.000000e-01 : f32
          %mul3A_372 = vector.broadcast %mul3A_371 : f32 to vector<16xf32>
          %mul3A_373 = arith.mulf %mul3A_365, %mul3A_372 : vector<16xf32>
          %max3A_374 = arith.maximumf %mul3A_365, %mul3A_373 : vector<16xf32>
          %swap3A_375 = arith.index_cast %scan3A_177 : i32 to index
          %swap3A_376 = arith.constant 64 : index
          %swap3A_377 = tpu.vector_load %arg13[%swap3A_375, %swap3A_376] {strides = array<i32>} : memref<80x128xf32, #tpu.memory_space<vmem>>, vector<1x16xf32>,
          %swap3A_378 = vector.shape_cast %swap3A_377 : vector<1x16xf32> to vector<16xf32>
          %swap3A_379 = vector.shape_cast %max3A_374 : vector<16xf32> to vector<1x16xf32>
          tpu.vector_store %arg13[%swap3A_375, %swap3A_376], %swap3A_379 {strides = array<i32>} : memref<80x128xf32, #tpu.memory_space<vmem>>, vector<1x16xf32>,
          %mul3A_380 = arith.constant 1.000000e-01 : f32
          %mul3A_381 = vector.broadcast %mul3A_380 : f32 to vector<16xf32>
          %mul3A_382 = arith.mulf %mul3A_370, %mul3A_381 : vector<16xf32>
          %max3A_383 = arith.maximumf %mul3A_370, %mul3A_382 : vector<16xf32>
          %swap3A_384 = arith.index_cast %add3A_179 : i32 to index
          %swap3A_385 = arith.constant 64 : index
          %swap3A_386 = tpu.vector_load %arg13[%swap3A_384, %swap3A_385] {strides = array<i32>} : memref<80x128xf32, #tpu.memory_space<vmem>>, vector<1x16xf32>,
          %swap3A_387 = vector.shape_cast %swap3A_386 : vector<1x16xf32> to vector<16xf32>
          %swap3A_388 = vector.shape_cast %max3A_383 : vector<16xf32> to vector<1x16xf32>
          tpu.vector_store %arg13[%swap3A_384, %swap3A_385], %swap3A_388 {strides = array<i32>} : memref<80x128xf32, #tpu.memory_space<vmem>>, vector<1x16xf32>,
          %get3A_389 = arith.index_cast %scan3A_177 : i32 to index
          %get3A_390 = arith.constant 80 : index
          %get3A_391 = tpu.vector_load %arg10[%get3A_389, %get3A_390] {strides = array<i32>} : memref<40x128xi32, #tpu.memory_space<vmem>>, vector<1x16xi32>,
          %get3A_392 = vector.shape_cast %get3A_391 : vector<1x16xi32> to vector<16xi32>
          %shift_left3A_393 = arith.constant 16 : i32
          %shift_left3A_394 = vector.broadcast %shift_left3A_393 : i32 to vector<16xi32>
          %shift_left3A_395 = arith.shli %get3A_392, %shift_left3A_394 : vector<16xi32>
          %bitcast_convert_type3A_396 = tpu.bitcast %shift_left3A_395 : vector<16xi32> -> vector<16xf32>
          %shift_right_arithmetic3A_397 = arith.constant 16 : i32
          %shift_right_arithmetic3A_398 = vector.broadcast %shift_right_arithmetic3A_397 : i32 to vector<16xi32>
          %shift_right_arithmetic3A_399 = arith.shrsi %get3A_392, %shift_right_arithmetic3A_398 : vector<16xi32>
          %shift_left3A_400 = arith.constant 16 : i32
          %shift_left3A_401 = vector.broadcast %shift_left3A_400 : i32 to vector<16xi32>
          %shift_left3A_402 = arith.shli %shift_right_arithmetic3A_399, %shift_left3A_401 : vector<16xi32>
          %bitcast_convert_type3A_403 = tpu.bitcast %shift_left3A_402 : vector<16xi32> -> vector<16xf32>
          %get3A_404 = arith.index_cast %scan3A_177 : i32 to index
          %get3A_405 = arith.constant 80 : index
          %get3A_406 = tpu.vector_load %arg11[%get3A_404, %get3A_405] {strides = array<i32>} : memref<80x128xf32, #tpu.memory_space<vmem>>, vector<1x16xf32>,
          %get3A_407 = vector.shape_cast %get3A_406 : vector<1x16xf32> to vector<16xf32>
          %mul3A_408 = arith.mulf %bitcast_convert_type3A_396, %get3A_407 : vector<16xf32>
          %get3A_409 = arith.index_cast %add3A_179 : i32 to index
          %get3A_410 = arith.constant 80 : index
          %get3A_411 = tpu.vector_load %arg11[%get3A_409, %get3A_410] {strides = array<i32>} : memref<80x128xf32, #tpu.memory_space<vmem>>, vector<1x16xf32>,
          %get3A_412 = vector.shape_cast %get3A_411 : vector<1x16xf32> to vector<16xf32>
          %mul3A_413 = arith.mulf %bitcast_convert_type3A_403, %get3A_412 : vector<16xf32>
          %mul3A_414 = arith.constant 1.000000e-01 : f32
          %mul3A_415 = vector.broadcast %mul3A_414 : f32 to vector<16xf32>
          %mul3A_416 = arith.mulf %mul3A_408, %mul3A_415 : vector<16xf32>
          %max3A_417 = arith.maximumf %mul3A_408, %mul3A_416 : vector<16xf32>
          %swap3A_418 = arith.index_cast %scan3A_177 : i32 to index
          %swap3A_419 = arith.constant 80 : index
          %swap3A_420 = tpu.vector_load %arg13[%swap3A_418, %swap3A_419] {strides = array<i32>} : memref<80x128xf32, #tpu.memory_space<vmem>>, vector<1x16xf32>,
          %swap3A_421 = vector.shape_cast %swap3A_420 : vector<1x16xf32> to vector<16xf32>
          %swap3A_422 = vector.shape_cast %max3A_417 : vector<16xf32> to vector<1x16xf32>
          tpu.vector_store %arg13[%swap3A_418, %swap3A_419], %swap3A_422 {strides = array<i32>} : memref<80x128xf32, #tpu.memory_space<vmem>>, vector<1x16xf32>,
          %mul3A_423 = arith.constant 1.000000e-01 : f32
          %mul3A_424 = vector.broadcast %mul3A_423 : f32 to vector<16xf32>
          %mul3A_425 = arith.mulf %mul3A_413, %mul3A_424 : vector<16xf32>
          %max3A_426 = arith.maximumf %mul3A_413, %mul3A_425 : vector<16xf32>
          %swap3A_427 = arith.index_cast %add3A_179 : i32 to index
          %swap3A_428 = arith.constant 80 : index
          %swap3A_429 = tpu.vector_load %arg13[%swap3A_427, %swap3A_428] {strides = array<i32>} : memref<80x128xf32, #tpu.memory_space<vmem>>, vector<1x16xf32>,
          %swap3A_430 = vector.shape_cast %swap3A_429 : vector<1x16xf32> to vector<16xf32>
          %swap3A_431 = vector.shape_cast %max3A_426 : vector<16xf32> to vector<1x16xf32>
          tpu.vector_store %arg13[%swap3A_427, %swap3A_428], %swap3A_431 {strides = array<i32>} : memref<80x128xf32, #tpu.memory_space<vmem>>, vector<1x16xf32>,
          %get3A_432 = arith.index_cast %scan3A_177 : i32 to index
          %get3A_433 = arith.constant 96 : index
          %get3A_434 = tpu.vector_load %arg10[%get3A_432, %get3A_433] {strides = array<i32>} : memref<40x128xi32, #tpu.memory_space<vmem>>, vector<1x16xi32>,
          %get3A_435 = vector.shape_cast %get3A_434 : vector<1x16xi32> to vector<16xi32>
          %shift_left3A_436 = arith.constant 16 : i32
          %shift_left3A_437 = vector.broadcast %shift_left3A_436 : i32 to vector<16xi32>
          %shift_left3A_438 = arith.shli %get3A_435, %shift_left3A_437 : vector<16xi32>
          %bitcast_convert_type3A_439 = tpu.bitcast %shift_left3A_438 : vector<16xi32> -> vector<16xf32>
          %shift_right_arithmetic3A_440 = arith.constant 16 : i32
          %shift_right_arithmetic3A_441 = vector.broadcast %shift_right_arithmetic3A_440 : i32 to vector<16xi32>
          %shift_right_arithmetic3A_442 = arith.shrsi %get3A_435, %shift_right_arithmetic3A_441 : vector<16xi32>
          %shift_left3A_443 = arith.constant 16 : i32
          %shift_left3A_444 = vector.broadcast %shift_left3A_443 : i32 to vector<16xi32>
          %shift_left3A_445 = arith.shli %shift_right_arithmetic3A_442, %shift_left3A_444 : vector<16xi32>
          %bitcast_convert_type3A_446 = tpu.bitcast %shift_left3A_445 : vector<16xi32> -> vector<16xf32>
          %get3A_447 = arith.index_cast %scan3A_177 : i32 to index
          %get3A_448 = arith.constant 96 : index
          %get3A_449 = tpu.vector_load %arg11[%get3A_447, %get3A_448] {strides = array<i32>} : memref<80x128xf32, #tpu.memory_space<vmem>>, vector<1x16xf32>,
          %get3A_450 = vector.shape_cast %get3A_449 : vector<1x16xf32> to vector<16xf32>
          %mul3A_451 = arith.mulf %bitcast_convert_type3A_439, %get3A_450 : vector<16xf32>
          %get3A_452 = arith.index_cast %add3A_179 : i32 to index
          %get3A_453 = arith.constant 96 : index
          %get3A_454 = tpu.vector_load %arg11[%get3A_452, %get3A_453] {strides = array<i32>} : memref<80x128xf32, #tpu.memory_space<vmem>>, vector<1x16xf32>,
          %get3A_455 = vector.shape_cast %get3A_454 : vector<1x16xf32> to vector<16xf32>
          %mul3A_456 = arith.mulf %bitcast_convert_type3A_446, %get3A_455 : vector<16xf32>
          %mul3A_457 = arith.constant 1.000000e-01 : f32
          %mul3A_458 = vector.broadcast %mul3A_457 : f32 to vector<16xf32>
          %mul3A_459 = arith.mulf %mul3A_451, %mul3A_458 : vector<16xf32>
          %max3A_460 = arith.maximumf %mul3A_451, %mul3A_459 : vector<16xf32>
          %swap3A_461 = arith.index_cast %scan3A_177 : i32 to index
          %swap3A_462 = arith.constant 96 : index
          %swap3A_463 = tpu.vector_load %arg13[%swap3A_461, %swap3A_462] {strides = array<i32>} : memref<80x128xf32, #tpu.memory_space<vmem>>, vector<1x16xf32>,
          %swap3A_464 = vector.shape_cast %swap3A_463 : vector<1x16xf32> to vector<16xf32>
          %swap3A_465 = vector.shape_cast %max3A_460 : vector<16xf32> to vector<1x16xf32>
          tpu.vector_store %arg13[%swap3A_461, %swap3A_462], %swap3A_465 {strides = array<i32>} : memref<80x128xf32, #tpu.memory_space<vmem>>, vector<1x16xf32>,
          %mul3A_466 = arith.constant 1.000000e-01 : f32
          %mul3A_467 = vector.broadcast %mul3A_466 : f32 to vector<16xf32>
          %mul3A_468 = arith.mulf %mul3A_456, %mul3A_467 : vector<16xf32>
          %max3A_469 = arith.maximumf %mul3A_456, %mul3A_468 : vector<16xf32>
          %swap3A_470 = arith.index_cast %add3A_179 : i32 to index
          %swap3A_471 = arith.constant 96 : index
          %swap3A_472 = tpu.vector_load %arg13[%swap3A_470, %swap3A_471] {strides = array<i32>} : memref<80x128xf32, #tpu.memory_space<vmem>>, vector<1x16xf32>,
          %swap3A_473 = vector.shape_cast %swap3A_472 : vector<1x16xf32> to vector<16xf32>
          %swap3A_474 = vector.shape_cast %max3A_469 : vector<16xf32> to vector<1x16xf32>
          tpu.vector_store %arg13[%swap3A_470, %swap3A_471], %swap3A_474 {strides = array<i32>} : memref<80x128xf32, #tpu.memory_space<vmem>>, vector<1x16xf32>,
          %get3A_475 = arith.index_cast %scan3A_177 : i32 to index
          %get3A_476 = arith.constant 112 : index
          %get3A_477 = tpu.vector_load %arg10[%get3A_475, %get3A_476] {strides = array<i32>} : memref<40x128xi32, #tpu.memory_space<vmem>>, vector<1x16xi32>,
          %get3A_478 = vector.shape_cast %get3A_477 : vector<1x16xi32> to vector<16xi32>
          %shift_left3A_479 = arith.constant 16 : i32
          %shift_left3A_480 = vector.broadcast %shift_left3A_479 : i32 to vector<16xi32>
          %shift_left3A_481 = arith.shli %get3A_478, %shift_left3A_480 : vector<16xi32>
          %bitcast_convert_type3A_482 = tpu.bitcast %shift_left3A_481 : vector<16xi32> -> vector<16xf32>
          %shift_right_arithmetic3A_483 = arith.constant 16 : i32
          %shift_right_arithmetic3A_484 = vector.broadcast %shift_right_arithmetic3A_483 : i32 to vector<16xi32>
          %shift_right_arithmetic3A_485 = arith.shrsi %get3A_478, %shift_right_arithmetic3A_484 : vector<16xi32>
          %shift_left3A_486 = arith.constant 16 : i32
          %shift_left3A_487 = vector.broadcast %shift_left3A_486 : i32 to vector<16xi32>
          %shift_left3A_488 = arith.shli %shift_right_arithmetic3A_485, %shift_left3A_487 : vector<16xi32>
          %bitcast_convert_type3A_489 = tpu.bitcast %shift_left3A_488 : vector<16xi32> -> vector<16xf32>
          %get3A_490 = arith.index_cast %scan3A_177 : i32 to index
          %get3A_491 = arith.constant 112 : index
          %get3A_492 = tpu.vector_load %arg11[%get3A_490, %get3A_491] {strides = array<i32>} : memref<80x128xf32, #tpu.memory_space<vmem>>, vector<1x16xf32>,
          %get3A_493 = vector.shape_cast %get3A_492 : vector<1x16xf32> to vector<16xf32>
          %mul3A_494 = arith.mulf %bitcast_convert_type3A_482, %get3A_493 : vector<16xf32>
          %get3A_495 = arith.index_cast %add3A_179 : i32 to index
          %get3A_496 = arith.constant 112 : index
          %get3A_497 = tpu.vector_load %arg11[%get3A_495, %get3A_496] {strides = array<i32>} : memref<80x128xf32, #tpu.memory_space<vmem>>, vector<1x16xf32>,
          %get3A_498 = vector.shape_cast %get3A_497 : vector<1x16xf32> to vector<16xf32>
          %mul3A_499 = arith.mulf %bitcast_convert_type3A_489, %get3A_498 : vector<16xf32>
          %mul3A_500 = arith.constant 1.000000e-01 : f32
          %mul3A_501 = vector.broadcast %mul3A_500 : f32 to vector<16xf32>
          %mul3A_502 = arith.mulf %mul3A_494, %mul3A_501 : vector<16xf32>
          %max3A_503 = arith.maximumf %mul3A_494, %mul3A_502 : vector<16xf32>
          %swap3A_504 = arith.index_cast %scan3A_177 : i32 to index
          %swap3A_505 = arith.constant 112 : index
          %swap3A_506 = tpu.vector_load %arg13[%swap3A_504, %swap3A_505] {strides = array<i32>} : memref<80x128xf32, #tpu.memory_space<vmem>>, vector<1x16xf32>,
          %swap3A_507 = vector.shape_cast %swap3A_506 : vector<1x16xf32> to vector<16xf32>
          %swap3A_508 = vector.shape_cast %max3A_503 : vector<16xf32> to vector<1x16xf32>
          tpu.vector_store %arg13[%swap3A_504, %swap3A_505], %swap3A_508 {strides = array<i32>} : memref<80x128xf32, #tpu.memory_space<vmem>>, vector<1x16xf32>,
          %mul3A_509 = arith.constant 1.000000e-01 : f32
          %mul3A_510 = vector.broadcast %mul3A_509 : f32 to vector<16xf32>
          %mul3A_511 = arith.mulf %mul3A_499, %mul3A_510 : vector<16xf32>
          %max3A_512 = arith.maximumf %mul3A_499, %mul3A_511 : vector<16xf32>
          %swap3A_513 = arith.index_cast %add3A_179 : i32 to index
          %swap3A_514 = arith.constant 112 : index
          %swap3A_515 = tpu.vector_load %arg13[%swap3A_513, %swap3A_514] {strides = array<i32>} : memref<80x128xf32, #tpu.memory_space<vmem>>, vector<1x16xf32>,
          %swap3A_516 = vector.shape_cast %swap3A_515 : vector<1x16xf32> to vector<16xf32>
          %swap3A_517 = vector.shape_cast %max3A_512 : vector<16xf32> to vector<1x16xf32>
          tpu.vector_store %arg13[%swap3A_513, %swap3A_514], %swap3A_517 {strides = array<i32>} : memref<80x128xf32, #tpu.memory_space<vmem>>, vector<1x16xf32>,
        }
        %scan3A_166 = arith.constant 40 : i32
        %add3A_167 = arith.constant 1 : i32
        %add3A_168 = arith.addi %add3A_96, %add3A_167 : i32
        %lt3A_169 = arith.constant 125 : i32
        %lt3A_170 = arith.cmpi slt, %add3A_168, %lt3A_169 : i32
        %convert_element_type3A_171 = arith.extui %lt3A_170 : i1 to i32
        %cond3A_172 = arith.constant 0 : i32
        %cond3A_173 = arith.cmpi ne, %convert_element_type3A_171, %cond3A_172 : i32
        scf.if %cond3A_173 {
          %add3A_177 = arith.constant 1 : i32
          %add3A_178 = arith.addi %add3A_96, %add3A_177 : i32
          %mul3A_179 = arith.constant 40 : i32
          %mul3A_180 = arith.muli %add3A_178, %mul3A_179 : i32
          %add3A_181 = arith.addi %mul3A_40, %mul3A_180 : i32
          %dma_start3A_182 = arith.constant 0 : i32
          %dma_start3A_183 = tpu.memref_slice %arg2[%add3A_181, %dma_start3A_182] : memref<160000x128xi32, #tpu.memory_space<hbm>> -> memref<40x128xi32, #tpu.memory_space<hbm>>
          %dma_start3A_184 = arith.constant 0 : i32
          %dma_start3A_185 = tpu.memref_slice %arg2[%add3A_181, %dma_start3A_184] : memref<160000x128xi32, #tpu.memory_space<hbm>> -> memref<40x128xi32, #tpu.memory_space<hbm>>
          tpu.enqueue_dma source(%dma_start3A_185 : memref<40x128xi32, #tpu.memory_space<hbm>>) target(%arg10 : memref<40x128xi32, #tpu.memory_space<vmem>>) target_semaphore(%arg18 : memref<!tpu.dma_semaphore, #tpu.memory_space<semaphore_mem>>)
        } else {
        }
        %dma_start3A_174 = arith.constant 0 : i32
        %dma_start3A_175 = arith.constant 0 : i32
        %dma_start3A_176 = tpu.memref_slice %arg15[%dma_start3A_174, %dma_start3A_175] : memref<10112x128xf32, #tpu.memory_space<vmem_shared>> -> memref<10112x128xf32, #tpu.memory_space<vmem_shared>>
        tpu.enqueue_indirect_dma source(%arg13 : memref<80x128xf32, #tpu.memory_space<vmem>>) target(%dma_start3A_176 : memref<10112x128xf32, #tpu.memory_space<vmem_shared>>) offsets(%arg8 : memref<80xi32, #tpu.memory_space<vmem>>) semaphore(%arg21 : memref<!tpu.dma_semaphore, #tpu.memory_space<semaphore_mem>>) {add = true}
      } else {
      }
      %add3A_99 = arith.constant 1 : i32
      %add3A_100 = arith.addi %add3A_94, %add3A_99 : i32
      %lt3A_101 = arith.constant 125 : i32
      %lt3A_102 = arith.cmpi slt, %add3A_100, %lt3A_101 : i32
      %convert_element_type3A_103 = arith.extui %lt3A_102 : i1 to i32
      %cond3A_104 = arith.constant 0 : i32
      %cond3A_105 = arith.cmpi ne, %convert_element_type3A_103, %cond3A_104 : i32
      scf.if %cond3A_105 {
        %dma_wait3A_106 = arith.constant 0 : i32
        %dma_wait3A_107 = tpu.memref_slice %arg7[%dma_wait3A_106] : memref<80xi32, #tpu.memory_space<vmem>> -> memref<40xi32, #tpu.memory_space<vmem>>
        %dma_wait3A_108 = arith.constant 0 : i32
        %dma_wait3A_109 = tpu.memref_slice %arg4[%dma_wait3A_108] : memref<640000xi32, #tpu.memory_space<hbm>> -> memref<40xi32, #tpu.memory_space<hbm>>
        %dma_wait3A_110 = arith.constant 0 : i32
        %dma_wait3A_111 = tpu.memref_slice %arg7[%dma_wait3A_110] : memref<80xi32, #tpu.memory_space<vmem>> -> memref<40xi32, #tpu.memory_space<vmem>>
        %dma_wait3A_112 = arith.constant 0 : i32
        %dma_wait3A_113 = tpu.memref_slice %arg4[%dma_wait3A_112] : memref<640000xi32, #tpu.memory_space<hbm>> -> memref<40xi32, #tpu.memory_space<hbm>>
        tpu.wait_dma2 semaphore(%arg17 : memref<!tpu.dma_semaphore, #tpu.memory_space<semaphore_mem>>) src(%dma_wait3A_113 : memref<40xi32, #tpu.memory_space<hbm>>) dst(%dma_wait3A_111 : memref<40xi32, #tpu.memory_space<vmem>>)
        %dma_wait3A_114 = arith.constant 0 : i32
        %dma_wait3A_115 = tpu.memref_slice %arg9[%dma_wait3A_114] : memref<80xi32, #tpu.memory_space<vmem>> -> memref<40xi32, #tpu.memory_space<vmem>>
        %dma_wait3A_116 = arith.constant 0 : i32
        %dma_wait3A_117 = tpu.memref_slice %arg4[%dma_wait3A_116] : memref<640000xi32, #tpu.memory_space<hbm>> -> memref<40xi32, #tpu.memory_space<hbm>>
        %dma_wait3A_118 = arith.constant 0 : i32
        %dma_wait3A_119 = tpu.memref_slice %arg9[%dma_wait3A_118] : memref<80xi32, #tpu.memory_space<vmem>> -> memref<40xi32, #tpu.memory_space<vmem>>
        %dma_wait3A_120 = arith.constant 0 : i32
        %dma_wait3A_121 = tpu.memref_slice %arg4[%dma_wait3A_120] : memref<640000xi32, #tpu.memory_space<hbm>> -> memref<40xi32, #tpu.memory_space<hbm>>
        tpu.wait_dma2 semaphore(%arg17 : memref<!tpu.dma_semaphore, #tpu.memory_space<semaphore_mem>>) src(%dma_wait3A_121 : memref<40xi32, #tpu.memory_space<hbm>>) dst(%dma_wait3A_119 : memref<40xi32, #tpu.memory_space<vmem>>)
        %dma_wait3A_122 = arith.constant 0 : i32
        %dma_wait3A_123 = tpu.memref_slice %arg7[%dma_wait3A_122] : memref<80xi32, #tpu.memory_space<vmem>> -> memref<40xi32, #tpu.memory_space<vmem>>
        %dma_wait3A_124 = arith.constant 0 : i32
        %dma_wait3A_125 = tpu.memref_slice %arg4[%dma_wait3A_124] : memref<640000xi32, #tpu.memory_space<hbm>> -> memref<40xi32, #tpu.memory_space<hbm>>
        %dma_wait3A_126 = arith.constant 0 : i32
        %dma_wait3A_127 = tpu.memref_slice %arg7[%dma_wait3A_126] : memref<80xi32, #tpu.memory_space<vmem>> -> memref<40xi32, #tpu.memory_space<vmem>>
        %dma_wait3A_128 = arith.constant 0 : i32
        %dma_wait3A_129 = tpu.memref_slice %arg4[%dma_wait3A_128] : memref<640000xi32, #tpu.memory_space<hbm>> -> memref<40xi32, #tpu.memory_space<hbm>>
        tpu.wait_dma2 semaphore(%arg17 : memref<!tpu.dma_semaphore, #tpu.memory_space<semaphore_mem>>) src(%dma_wait3A_129 : memref<40xi32, #tpu.memory_space<hbm>>) dst(%dma_wait3A_127 : memref<40xi32, #tpu.memory_space<vmem>>)
        %dma_wait3A_130 = arith.constant 0 : i32
        %dma_wait3A_131 = tpu.memref_slice %arg9[%dma_wait3A_130] : memref<80xi32, #tpu.memory_space<vmem>> -> memref<40xi32, #tpu.memory_space<vmem>>
        %dma_wait3A_132 = arith.constant 0 : i32
        %dma_wait3A_133 = tpu.memref_slice %arg4[%dma_wait3A_132] : memref<640000xi32, #tpu.memory_space<hbm>> -> memref<40xi32, #tpu.memory_space<hbm>>
        %dma_wait3A_134 = arith.constant 0 : i32
        %dma_wait3A_135 = tpu.memref_slice %arg9[%dma_wait3A_134] : memref<80xi32, #tpu.memory_space<vmem>> -> memref<40xi32, #tpu.memory_space<vmem>>
        %dma_wait3A_136 = arith.constant 0 : i32
        %dma_wait3A_137 = tpu.memref_slice %arg4[%dma_wait3A_136] : memref<640000xi32, #tpu.memory_space<hbm>> -> memref<40xi32, #tpu.memory_space<hbm>>
        tpu.wait_dma2 semaphore(%arg17 : memref<!tpu.dma_semaphore, #tpu.memory_space<semaphore_mem>>) src(%dma_wait3A_137 : memref<40xi32, #tpu.memory_space<hbm>>) dst(%dma_wait3A_135 : memref<40xi32, #tpu.memory_space<vmem>>)
        %dma_start3A_138 = arith.constant 0 : i32
        %dma_start3A_139 = arith.constant 0 : i32
        %dma_start3A_140 = tpu.memref_slice %arg3[%dma_start3A_138, %dma_start3A_139] : memref<10000x128xf32, #tpu.memory_space<hbm>> -> memref<10000x128xf32, #tpu.memory_space<hbm>>
        tpu.enqueue_indirect_dma source(%dma_start3A_140 : memref<10000x128xf32, #tpu.memory_space<hbm>>) target(%arg12 : memref<80x128xf32, #tpu.memory_space<vmem>>) offsets(%arg7 : memref<80xi32, #tpu.memory_space<vmem>>) semaphore(%arg20 : memref<!tpu.dma_semaphore, #tpu.memory_space<semaphore_mem>>)
        %ge3A = arith.constant 1 : i32
        %ge3A_141 = arith.cmpi sge, %add3A_100, %ge3A : i32
        %convert_element_type3A_142 = arith.extui %ge3A_141 : i1 to i32
        %cond3A_143 = arith.constant 0 : i32
        %cond3A_144 = arith.cmpi ne, %convert_element_type3A_142, %cond3A_143 : i32
        scf.if %cond3A_144 {
          %dma_wait3A_177 = arith.constant 0 : i32
          %dma_wait3A_178 = arith.constant 0 : i32
          %dma_wait3A_179 = tpu.memref_slice %arg15[%dma_wait3A_177, %dma_wait3A_178] : memref<10112x128xf32, #tpu.memory_space<vmem_shared>> -> memref<10112x128xf32, #tpu.memory_space<vmem_shared>>
          tpu.wait_indirect_dma semaphore(%arg21 : memref<!tpu.dma_semaphore, #tpu.memory_space<semaphore_mem>>) src(%arg13 : memref<80x128xf32, #tpu.memory_space<vmem>>) dst(%dma_wait3A_179 : memref<10112x128xf32, #tpu.memory_space<vmem_shared>>)
        } else {
        }
        %add3A_145 = arith.constant 1 : i32
        %add3A_146 = arith.addi %add3A_100, %add3A_145 : i32
        %lt3A_147 = arith.constant 125 : i32
        %lt3A_148 = arith.cmpi slt, %add3A_146, %lt3A_147 : i32
        %convert_element_type3A_149 = arith.extui %lt3A_148 : i1 to i32
        %cond3A_150 = arith.constant 0 : i32
        %cond3A_151 = arith.cmpi ne, %convert_element_type3A_149, %cond3A_150 : i32
        scf.if %cond3A_151 {
          %add3A_177 = arith.constant 1 : i32
          %add3A_178 = arith.addi %add3A_100, %add3A_177 : i32
          %mul3A_179 = arith.constant 40 : i32
          %mul3A_180 = arith.muli %add3A_178, %mul3A_179 : i32
          %add3A_181 = arith.addi %mul3A_40, %mul3A_180 : i32
          %dma_start3A_182 = arith.constant 0 : i32
          %dma_start3A_183 = tpu.memref_slice %arg6[%dma_start3A_182] : memref<80xi32, #tpu.memory_space<vmem>> -> memref<40xi32, #tpu.memory_space<vmem>>
          %dma_start3A_184 = tpu.memref_slice %arg4[%add3A_181] : memref<640000xi32, #tpu.memory_space<hbm>> -> memref<40xi32, #tpu.memory_space<hbm>>
          %dma_start3A_185 = arith.constant 0 : i32
          %dma_start3A_186 = tpu.memref_slice %arg6[%dma_start3A_185] : memref<80xi32, #tpu.memory_space<vmem>> -> memref<40xi32, #tpu.memory_space<vmem>>
          %dma_start3A_187 = tpu.memref_slice %arg4[%add3A_181] : memref<640000xi32, #tpu.memory_space<hbm>> -> memref<40xi32, #tpu.memory_space<hbm>>
          tpu.enqueue_dma source(%dma_start3A_187 : memref<40xi32, #tpu.memory_space<hbm>>) target(%dma_start3A_186 : memref<40xi32, #tpu.memory_space<vmem>>) target_semaphore(%arg16 : memref<!tpu.dma_semaphore, #tpu.memory_space<semaphore_mem>>)
          %add3A_188 = arith.constant 160000 : i32
          %add3A_189 = arith.addi %add3A_188, %add3A_181 : i32
          %dma_start3A_190 = arith.constant 40 : i32
          %dma_start3A_191 = tpu.memref_slice %arg6[%dma_start3A_190] : memref<80xi32, #tpu.memory_space<vmem>> -> memref<40xi32, #tpu.memory_space<vmem>>
          %dma_start3A_192 = tpu.memref_slice %arg4[%add3A_189] : memref<640000xi32, #tpu.memory_space<hbm>> -> memref<40xi32, #tpu.memory_space<hbm>>
          %dma_start3A_193 = arith.constant 40 : i32
          %dma_start3A_194 = tpu.memref_slice %arg6[%dma_start3A_193] : memref<80xi32, #tpu.memory_space<vmem>> -> memref<40xi32, #tpu.memory_space<vmem>>
          %dma_start3A_195 = tpu.memref_slice %arg4[%add3A_189] : memref<640000xi32, #tpu.memory_space<hbm>> -> memref<40xi32, #tpu.memory_space<hbm>>
          tpu.enqueue_dma source(%dma_start3A_195 : memref<40xi32, #tpu.memory_space<hbm>>) target(%dma_start3A_194 : memref<40xi32, #tpu.memory_space<vmem>>) target_semaphore(%arg16 : memref<!tpu.dma_semaphore, #tpu.memory_space<semaphore_mem>>)
          %add3A_196 = arith.constant 320000 : i32
          %add3A_197 = arith.addi %add3A_196, %add3A_181 : i32
          %dma_start3A_198 = arith.constant 0 : i32
          %dma_start3A_199 = tpu.memref_slice %arg8[%dma_start3A_198] : memref<80xi32, #tpu.memory_space<vmem>> -> memref<40xi32, #tpu.memory_space<vmem>>
          %dma_start3A_200 = tpu.memref_slice %arg4[%add3A_197] : memref<640000xi32, #tpu.memory_space<hbm>> -> memref<40xi32, #tpu.memory_space<hbm>>
          %dma_start3A_201 = arith.constant 0 : i32
          %dma_start3A_202 = tpu.memref_slice %arg8[%dma_start3A_201] : memref<80xi32, #tpu.memory_space<vmem>> -> memref<40xi32, #tpu.memory_space<vmem>>
          %dma_start3A_203 = tpu.memref_slice %arg4[%add3A_197] : memref<640000xi32, #tpu.memory_space<hbm>> -> memref<40xi32, #tpu.memory_space<hbm>>
          tpu.enqueue_dma source(%dma_start3A_203 : memref<40xi32, #tpu.memory_space<hbm>>) target(%dma_start3A_202 : memref<40xi32, #tpu.memory_space<vmem>>) target_semaphore(%arg16 : memref<!tpu.dma_semaphore, #tpu.memory_space<semaphore_mem>>)
          %add3A_204 = arith.constant 480000 : i32
          %add3A_205 = arith.addi %add3A_204, %add3A_181 : i32
          %dma_start3A_206 = arith.constant 40 : i32
          %dma_start3A_207 = tpu.memref_slice %arg8[%dma_start3A_206] : memref<80xi32, #tpu.memory_space<vmem>> -> memref<40xi32, #tpu.memory_space<vmem>>
          %dma_start3A_208 = tpu.memref_slice %arg4[%add3A_205] : memref<640000xi32, #tpu.memory_space<hbm>> -> memref<40xi32, #tpu.memory_space<hbm>>
          %dma_start3A_209 = arith.constant 40 : i32
          %dma_start3A_210 = tpu.memref_slice %arg8[%dma_start3A_209] : memref<80xi32, #tpu.memory_space<vmem>> -> memref<40xi32, #tpu.memory_space<vmem>>
          %dma_start3A_211 = tpu.memref_slice %arg4[%add3A_205] : memref<640000xi32, #tpu.memory_space<hbm>> -> memref<40xi32, #tpu.memory_space<hbm>>
          tpu.enqueue_dma source(%dma_start3A_211 : memref<40xi32, #tpu.memory_space<hbm>>) target(%dma_start3A_210 : memref<40xi32, #tpu.memory_space<vmem>>) target_semaphore(%arg16 : memref<!tpu.dma_semaphore, #tpu.memory_space<semaphore_mem>>)
        } else {
        }
        %dma_wait3A_152 = arith.constant 0 : i32
        %dma_wait3A_153 = arith.constant 0 : i32
        %dma_wait3A_154 = tpu.memref_slice %arg2[%dma_wait3A_152, %dma_wait3A_153] : memref<160000x128xi32, #tpu.memory_space<hbm>> -> memref<40x128xi32, #tpu.memory_space<hbm>>
        %dma_wait3A_155 = arith.constant 0 : i32
        %dma_wait3A_156 = arith.constant 0 : i32
        %dma_wait3A_157 = tpu.memref_slice %arg2[%dma_wait3A_155, %dma_wait3A_156] : memref<160000x128xi32, #tpu.memory_space<hbm>> -> memref<40x128xi32, #tpu.memory_space<hbm>>
        tpu.wait_dma2 semaphore(%arg18 : memref<!tpu.dma_semaphore, #tpu.memory_space<semaphore_mem>>) src(%dma_wait3A_157 : memref<40x128xi32, #tpu.memory_space<hbm>>) dst(%arg10 : memref<40x128xi32, #tpu.memory_space<vmem>>)
        %dma_wait3A_158 = arith.constant 0 : i32
        %dma_wait3A_159 = arith.constant 0 : i32
        %dma_wait3A_160 = tpu.memref_slice %arg3[%dma_wait3A_158, %dma_wait3A_159] : memref<10000x128xf32, #tpu.memory_space<hbm>> -> memref<10000x128xf32, #tpu.memory_space<hbm>>
        tpu.wait_indirect_dma semaphore(%arg20 : memref<!tpu.dma_semaphore, #tpu.memory_space<semaphore_mem>>) src(%dma_wait3A_160 : memref<10000x128xf32, #tpu.memory_space<hbm>>) dst(%arg12 : memref<80x128xf32, #tpu.memory_space<vmem>>)
        %scan3A_161 = arith.constant 0 : i32
        %scan3A_162 = arith.constant 0 : i32
        %scan3A_163 = arith.constant 40 : i32
        %scan3A_164 = arith.addi %scan3A_162, %scan3A_163 : i32
        %scan3A_165 = arith.constant 1 : i32
        scf.for %scan3A_177 = %scan3A_162 to %scan3A_164 step %scan3A_165  : i32 {
          %add3A_178 = arith.constant 40 : i32
          %add3A_179 = arith.addi %scan3A_177, %add3A_178 : i32
          %get3A = arith.index_cast %scan3A_177 : i32 to index
          %get3A_180 = arith.constant 0 : index
          %get3A_181 = tpu.vector_load %arg10[%get3A, %get3A_180] {strides = array<i32>} : memref<40x128xi32, #tpu.memory_space<vmem>>, vector<1x16xi32>,
          %get3A_182 = vector.shape_cast %get3A_181 : vector<1x16xi32> to vector<16xi32>
          %shift_left3A = arith.constant 16 : i32
          %shift_left3A_183 = vector.broadcast %shift_left3A : i32 to vector<16xi32>
          %shift_left3A_184 = arith.shli %get3A_182, %shift_left3A_183 : vector<16xi32>
          %bitcast_convert_type3A = tpu.bitcast %shift_left3A_184 : vector<16xi32> -> vector<16xf32>
          %shift_right_arithmetic3A = arith.constant 16 : i32
          %shift_right_arithmetic3A_185 = vector.broadcast %shift_right_arithmetic3A : i32 to vector<16xi32>
          %shift_right_arithmetic3A_186 = arith.shrsi %get3A_182, %shift_right_arithmetic3A_185 : vector<16xi32>
          %shift_left3A_187 = arith.constant 16 : i32
          %shift_left3A_188 = vector.broadcast %shift_left3A_187 : i32 to vector<16xi32>
          %shift_left3A_189 = arith.shli %shift_right_arithmetic3A_186, %shift_left3A_188 : vector<16xi32>
          %bitcast_convert_type3A_190 = tpu.bitcast %shift_left3A_189 : vector<16xi32> -> vector<16xf32>
          %get3A_191 = arith.index_cast %scan3A_177 : i32 to index
          %get3A_192 = arith.constant 0 : index
          %get3A_193 = tpu.vector_load %arg12[%get3A_191, %get3A_192] {strides = array<i32>} : memref<80x128xf32, #tpu.memory_space<vmem>>, vector<1x16xf32>,
          %get3A_194 = vector.shape_cast %get3A_193 : vector<1x16xf32> to vector<16xf32>
          %mul3A_195 = arith.mulf %bitcast_convert_type3A, %get3A_194 : vector<16xf32>
          %get3A_196 = arith.index_cast %add3A_179 : i32 to index
          %get3A_197 = arith.constant 0 : index
          %get3A_198 = tpu.vector_load %arg12[%get3A_196, %get3A_197] {strides = array<i32>} : memref<80x128xf32, #tpu.memory_space<vmem>>, vector<1x16xf32>,
          %get3A_199 = vector.shape_cast %get3A_198 : vector<1x16xf32> to vector<16xf32>
          %mul3A_200 = arith.mulf %bitcast_convert_type3A_190, %get3A_199 : vector<16xf32>
          %mul3A_201 = arith.constant 1.000000e-01 : f32
          %mul3A_202 = vector.broadcast %mul3A_201 : f32 to vector<16xf32>
          %mul3A_203 = arith.mulf %mul3A_195, %mul3A_202 : vector<16xf32>
          %max3A = arith.maximumf %mul3A_195, %mul3A_203 : vector<16xf32>
          %swap3A = arith.index_cast %scan3A_177 : i32 to index
          %swap3A_204 = arith.constant 0 : index
          %swap3A_205 = tpu.vector_load %arg14[%swap3A, %swap3A_204] {strides = array<i32>} : memref<80x128xf32, #tpu.memory_space<vmem>>, vector<1x16xf32>,
          %swap3A_206 = vector.shape_cast %swap3A_205 : vector<1x16xf32> to vector<16xf32>
          %swap3A_207 = vector.shape_cast %max3A : vector<16xf32> to vector<1x16xf32>
          tpu.vector_store %arg14[%swap3A, %swap3A_204], %swap3A_207 {strides = array<i32>} : memref<80x128xf32, #tpu.memory_space<vmem>>, vector<1x16xf32>,
          %mul3A_208 = arith.constant 1.000000e-01 : f32
          %mul3A_209 = vector.broadcast %mul3A_208 : f32 to vector<16xf32>
          %mul3A_210 = arith.mulf %mul3A_200, %mul3A_209 : vector<16xf32>
          %max3A_211 = arith.maximumf %mul3A_200, %mul3A_210 : vector<16xf32>
          %swap3A_212 = arith.index_cast %add3A_179 : i32 to index
          %swap3A_213 = arith.constant 0 : index
          %swap3A_214 = tpu.vector_load %arg14[%swap3A_212, %swap3A_213] {strides = array<i32>} : memref<80x128xf32, #tpu.memory_space<vmem>>, vector<1x16xf32>,
          %swap3A_215 = vector.shape_cast %swap3A_214 : vector<1x16xf32> to vector<16xf32>
          %swap3A_216 = vector.shape_cast %max3A_211 : vector<16xf32> to vector<1x16xf32>
          tpu.vector_store %arg14[%swap3A_212, %swap3A_213], %swap3A_216 {strides = array<i32>} : memref<80x128xf32, #tpu.memory_space<vmem>>, vector<1x16xf32>,
          %get3A_217 = arith.index_cast %scan3A_177 : i32 to index
          %get3A_218 = arith.constant 16 : index
          %get3A_219 = tpu.vector_load %arg10[%get3A_217, %get3A_218] {strides = array<i32>} : memref<40x128xi32, #tpu.memory_space<vmem>>, vector<1x16xi32>,
          %get3A_220 = vector.shape_cast %get3A_219 : vector<1x16xi32> to vector<16xi32>
          %shift_left3A_221 = arith.constant 16 : i32
          %shift_left3A_222 = vector.broadcast %shift_left3A_221 : i32 to vector<16xi32>
          %shift_left3A_223 = arith.shli %get3A_220, %shift_left3A_222 : vector<16xi32>
          %bitcast_convert_type3A_224 = tpu.bitcast %shift_left3A_223 : vector<16xi32> -> vector<16xf32>
          %shift_right_arithmetic3A_225 = arith.constant 16 : i32
          %shift_right_arithmetic3A_226 = vector.broadcast %shift_right_arithmetic3A_225 : i32 to vector<16xi32>
          %shift_right_arithmetic3A_227 = arith.shrsi %get3A_220, %shift_right_arithmetic3A_226 : vector<16xi32>
          %shift_left3A_228 = arith.constant 16 : i32
          %shift_left3A_229 = vector.broadcast %shift_left3A_228 : i32 to vector<16xi32>
          %shift_left3A_230 = arith.shli %shift_right_arithmetic3A_227, %shift_left3A_229 : vector<16xi32>
          %bitcast_convert_type3A_231 = tpu.bitcast %shift_left3A_230 : vector<16xi32> -> vector<16xf32>
          %get3A_232 = arith.index_cast %scan3A_177 : i32 to index
          %get3A_233 = arith.constant 16 : index
          %get3A_234 = tpu.vector_load %arg12[%get3A_232, %get3A_233] {strides = array<i32>} : memref<80x128xf32, #tpu.memory_space<vmem>>, vector<1x16xf32>,
          %get3A_235 = vector.shape_cast %get3A_234 : vector<1x16xf32> to vector<16xf32>
          %mul3A_236 = arith.mulf %bitcast_convert_type3A_224, %get3A_235 : vector<16xf32>
          %get3A_237 = arith.index_cast %add3A_179 : i32 to index
          %get3A_238 = arith.constant 16 : index
          %get3A_239 = tpu.vector_load %arg12[%get3A_237, %get3A_238] {strides = array<i32>} : memref<80x128xf32, #tpu.memory_space<vmem>>, vector<1x16xf32>,
          %get3A_240 = vector.shape_cast %get3A_239 : vector<1x16xf32> to vector<16xf32>
          %mul3A_241 = arith.mulf %bitcast_convert_type3A_231, %get3A_240 : vector<16xf32>
          %mul3A_242 = arith.constant 1.000000e-01 : f32
          %mul3A_243 = vector.broadcast %mul3A_242 : f32 to vector<16xf32>
          %mul3A_244 = arith.mulf %mul3A_236, %mul3A_243 : vector<16xf32>
          %max3A_245 = arith.maximumf %mul3A_236, %mul3A_244 : vector<16xf32>
          %swap3A_246 = arith.index_cast %scan3A_177 : i32 to index
          %swap3A_247 = arith.constant 16 : index
          %swap3A_248 = tpu.vector_load %arg14[%swap3A_246, %swap3A_247] {strides = array<i32>} : memref<80x128xf32, #tpu.memory_space<vmem>>, vector<1x16xf32>,
          %swap3A_249 = vector.shape_cast %swap3A_248 : vector<1x16xf32> to vector<16xf32>
          %swap3A_250 = vector.shape_cast %max3A_245 : vector<16xf32> to vector<1x16xf32>
          tpu.vector_store %arg14[%swap3A_246, %swap3A_247], %swap3A_250 {strides = array<i32>} : memref<80x128xf32, #tpu.memory_space<vmem>>, vector<1x16xf32>,
          %mul3A_251 = arith.constant 1.000000e-01 : f32
          %mul3A_252 = vector.broadcast %mul3A_251 : f32 to vector<16xf32>
          %mul3A_253 = arith.mulf %mul3A_241, %mul3A_252 : vector<16xf32>
          %max3A_254 = arith.maximumf %mul3A_241, %mul3A_253 : vector<16xf32>
          %swap3A_255 = arith.index_cast %add3A_179 : i32 to index
          %swap3A_256 = arith.constant 16 : index
          %swap3A_257 = tpu.vector_load %arg14[%swap3A_255, %swap3A_256] {strides = array<i32>} : memref<80x128xf32, #tpu.memory_space<vmem>>, vector<1x16xf32>,
          %swap3A_258 = vector.shape_cast %swap3A_257 : vector<1x16xf32> to vector<16xf32>
          %swap3A_259 = vector.shape_cast %max3A_254 : vector<16xf32> to vector<1x16xf32>
          tpu.vector_store %arg14[%swap3A_255, %swap3A_256], %swap3A_259 {strides = array<i32>} : memref<80x128xf32, #tpu.memory_space<vmem>>, vector<1x16xf32>,
          %get3A_260 = arith.index_cast %scan3A_177 : i32 to index
          %get3A_261 = arith.constant 32 : index
          %get3A_262 = tpu.vector_load %arg10[%get3A_260, %get3A_261] {strides = array<i32>} : memref<40x128xi32, #tpu.memory_space<vmem>>, vector<1x16xi32>,
          %get3A_263 = vector.shape_cast %get3A_262 : vector<1x16xi32> to vector<16xi32>
          %shift_left3A_264 = arith.constant 16 : i32
          %shift_left3A_265 = vector.broadcast %shift_left3A_264 : i32 to vector<16xi32>
          %shift_left3A_266 = arith.shli %get3A_263, %shift_left3A_265 : vector<16xi32>
          %bitcast_convert_type3A_267 = tpu.bitcast %shift_left3A_266 : vector<16xi32> -> vector<16xf32>
          %shift_right_arithmetic3A_268 = arith.constant 16 : i32
          %shift_right_arithmetic3A_269 = vector.broadcast %shift_right_arithmetic3A_268 : i32 to vector<16xi32>
          %shift_right_arithmetic3A_270 = arith.shrsi %get3A_263, %shift_right_arithmetic3A_269 : vector<16xi32>
          %shift_left3A_271 = arith.constant 16 : i32
          %shift_left3A_272 = vector.broadcast %shift_left3A_271 : i32 to vector<16xi32>
          %shift_left3A_273 = arith.shli %shift_right_arithmetic3A_270, %shift_left3A_272 : vector<16xi32>
          %bitcast_convert_type3A_274 = tpu.bitcast %shift_left3A_273 : vector<16xi32> -> vector<16xf32>
          %get3A_275 = arith.index_cast %scan3A_177 : i32 to index
          %get3A_276 = arith.constant 32 : index
          %get3A_277 = tpu.vector_load %arg12[%get3A_275, %get3A_276] {strides = array<i32>} : memref<80x128xf32, #tpu.memory_space<vmem>>, vector<1x16xf32>,
          %get3A_278 = vector.shape_cast %get3A_277 : vector<1x16xf32> to vector<16xf32>
          %mul3A_279 = arith.mulf %bitcast_convert_type3A_267, %get3A_278 : vector<16xf32>
          %get3A_280 = arith.index_cast %add3A_179 : i32 to index
          %get3A_281 = arith.constant 32 : index
          %get3A_282 = tpu.vector_load %arg12[%get3A_280, %get3A_281] {strides = array<i32>} : memref<80x128xf32, #tpu.memory_space<vmem>>, vector<1x16xf32>,
          %get3A_283 = vector.shape_cast %get3A_282 : vector<1x16xf32> to vector<16xf32>
          %mul3A_284 = arith.mulf %bitcast_convert_type3A_274, %get3A_283 : vector<16xf32>
          %mul3A_285 = arith.constant 1.000000e-01 : f32
          %mul3A_286 = vector.broadcast %mul3A_285 : f32 to vector<16xf32>
          %mul3A_287 = arith.mulf %mul3A_279, %mul3A_286 : vector<16xf32>
          %max3A_288 = arith.maximumf %mul3A_279, %mul3A_287 : vector<16xf32>
          %swap3A_289 = arith.index_cast %scan3A_177 : i32 to index
          %swap3A_290 = arith.constant 32 : index
          %swap3A_291 = tpu.vector_load %arg14[%swap3A_289, %swap3A_290] {strides = array<i32>} : memref<80x128xf32, #tpu.memory_space<vmem>>, vector<1x16xf32>,
          %swap3A_292 = vector.shape_cast %swap3A_291 : vector<1x16xf32> to vector<16xf32>
          %swap3A_293 = vector.shape_cast %max3A_288 : vector<16xf32> to vector<1x16xf32>
          tpu.vector_store %arg14[%swap3A_289, %swap3A_290], %swap3A_293 {strides = array<i32>} : memref<80x128xf32, #tpu.memory_space<vmem>>, vector<1x16xf32>,
          %mul3A_294 = arith.constant 1.000000e-01 : f32
          %mul3A_295 = vector.broadcast %mul3A_294 : f32 to vector<16xf32>
          %mul3A_296 = arith.mulf %mul3A_284, %mul3A_295 : vector<16xf32>
          %max3A_297 = arith.maximumf %mul3A_284, %mul3A_296 : vector<16xf32>
          %swap3A_298 = arith.index_cast %add3A_179 : i32 to index
          %swap3A_299 = arith.constant 32 : index
          %swap3A_300 = tpu.vector_load %arg14[%swap3A_298, %swap3A_299] {strides = array<i32>} : memref<80x128xf32, #tpu.memory_space<vmem>>, vector<1x16xf32>,
          %swap3A_301 = vector.shape_cast %swap3A_300 : vector<1x16xf32> to vector<16xf32>
          %swap3A_302 = vector.shape_cast %max3A_297 : vector<16xf32> to vector<1x16xf32>
          tpu.vector_store %arg14[%swap3A_298, %swap3A_299], %swap3A_302 {strides = array<i32>} : memref<80x128xf32, #tpu.memory_space<vmem>>, vector<1x16xf32>,
          %get3A_303 = arith.index_cast %scan3A_177 : i32 to index
          %get3A_304 = arith.constant 48 : index
          %get3A_305 = tpu.vector_load %arg10[%get3A_303, %get3A_304] {strides = array<i32>} : memref<40x128xi32, #tpu.memory_space<vmem>>, vector<1x16xi32>,
          %get3A_306 = vector.shape_cast %get3A_305 : vector<1x16xi32> to vector<16xi32>
          %shift_left3A_307 = arith.constant 16 : i32
          %shift_left3A_308 = vector.broadcast %shift_left3A_307 : i32 to vector<16xi32>
          %shift_left3A_309 = arith.shli %get3A_306, %shift_left3A_308 : vector<16xi32>
          %bitcast_convert_type3A_310 = tpu.bitcast %shift_left3A_309 : vector<16xi32> -> vector<16xf32>
          %shift_right_arithmetic3A_311 = arith.constant 16 : i32
          %shift_right_arithmetic3A_312 = vector.broadcast %shift_right_arithmetic3A_311 : i32 to vector<16xi32>
          %shift_right_arithmetic3A_313 = arith.shrsi %get3A_306, %shift_right_arithmetic3A_312 : vector<16xi32>
          %shift_left3A_314 = arith.constant 16 : i32
          %shift_left3A_315 = vector.broadcast %shift_left3A_314 : i32 to vector<16xi32>
          %shift_left3A_316 = arith.shli %shift_right_arithmetic3A_313, %shift_left3A_315 : vector<16xi32>
          %bitcast_convert_type3A_317 = tpu.bitcast %shift_left3A_316 : vector<16xi32> -> vector<16xf32>
          %get3A_318 = arith.index_cast %scan3A_177 : i32 to index
          %get3A_319 = arith.constant 48 : index
          %get3A_320 = tpu.vector_load %arg12[%get3A_318, %get3A_319] {strides = array<i32>} : memref<80x128xf32, #tpu.memory_space<vmem>>, vector<1x16xf32>,
          %get3A_321 = vector.shape_cast %get3A_320 : vector<1x16xf32> to vector<16xf32>
          %mul3A_322 = arith.mulf %bitcast_convert_type3A_310, %get3A_321 : vector<16xf32>
          %get3A_323 = arith.index_cast %add3A_179 : i32 to index
          %get3A_324 = arith.constant 48 : index
          %get3A_325 = tpu.vector_load %arg12[%get3A_323, %get3A_324] {strides = array<i32>} : memref<80x128xf32, #tpu.memory_space<vmem>>, vector<1x16xf32>,
          %get3A_326 = vector.shape_cast %get3A_325 : vector<1x16xf32> to vector<16xf32>
          %mul3A_327 = arith.mulf %bitcast_convert_type3A_317, %get3A_326 : vector<16xf32>
          %mul3A_328 = arith.constant 1.000000e-01 : f32
          %mul3A_329 = vector.broadcast %mul3A_328 : f32 to vector<16xf32>
          %mul3A_330 = arith.mulf %mul3A_322, %mul3A_329 : vector<16xf32>
          %max3A_331 = arith.maximumf %mul3A_322, %mul3A_330 : vector<16xf32>
          %swap3A_332 = arith.index_cast %scan3A_177 : i32 to index
          %swap3A_333 = arith.constant 48 : index
          %swap3A_334 = tpu.vector_load %arg14[%swap3A_332, %swap3A_333] {strides = array<i32>} : memref<80x128xf32, #tpu.memory_space<vmem>>, vector<1x16xf32>,
          %swap3A_335 = vector.shape_cast %swap3A_334 : vector<1x16xf32> to vector<16xf32>
          %swap3A_336 = vector.shape_cast %max3A_331 : vector<16xf32> to vector<1x16xf32>
          tpu.vector_store %arg14[%swap3A_332, %swap3A_333], %swap3A_336 {strides = array<i32>} : memref<80x128xf32, #tpu.memory_space<vmem>>, vector<1x16xf32>,
          %mul3A_337 = arith.constant 1.000000e-01 : f32
          %mul3A_338 = vector.broadcast %mul3A_337 : f32 to vector<16xf32>
          %mul3A_339 = arith.mulf %mul3A_327, %mul3A_338 : vector<16xf32>
          %max3A_340 = arith.maximumf %mul3A_327, %mul3A_339 : vector<16xf32>
          %swap3A_341 = arith.index_cast %add3A_179 : i32 to index
          %swap3A_342 = arith.constant 48 : index
          %swap3A_343 = tpu.vector_load %arg14[%swap3A_341, %swap3A_342] {strides = array<i32>} : memref<80x128xf32, #tpu.memory_space<vmem>>, vector<1x16xf32>,
          %swap3A_344 = vector.shape_cast %swap3A_343 : vector<1x16xf32> to vector<16xf32>
          %swap3A_345 = vector.shape_cast %max3A_340 : vector<16xf32> to vector<1x16xf32>
          tpu.vector_store %arg14[%swap3A_341, %swap3A_342], %swap3A_345 {strides = array<i32>} : memref<80x128xf32, #tpu.memory_space<vmem>>, vector<1x16xf32>,
          %get3A_346 = arith.index_cast %scan3A_177 : i32 to index
          %get3A_347 = arith.constant 64 : index
          %get3A_348 = tpu.vector_load %arg10[%get3A_346, %get3A_347] {strides = array<i32>} : memref<40x128xi32, #tpu.memory_space<vmem>>, vector<1x16xi32>,
          %get3A_349 = vector.shape_cast %get3A_348 : vector<1x16xi32> to vector<16xi32>
          %shift_left3A_350 = arith.constant 16 : i32
          %shift_left3A_351 = vector.broadcast %shift_left3A_350 : i32 to vector<16xi32>
          %shift_left3A_352 = arith.shli %get3A_349, %shift_left3A_351 : vector<16xi32>
          %bitcast_convert_type3A_353 = tpu.bitcast %shift_left3A_352 : vector<16xi32> -> vector<16xf32>
          %shift_right_arithmetic3A_354 = arith.constant 16 : i32
          %shift_right_arithmetic3A_355 = vector.broadcast %shift_right_arithmetic3A_354 : i32 to vector<16xi32>
          %shift_right_arithmetic3A_356 = arith.shrsi %get3A_349, %shift_right_arithmetic3A_355 : vector<16xi32>
          %shift_left3A_357 = arith.constant 16 : i32
          %shift_left3A_358 = vector.broadcast %shift_left3A_357 : i32 to vector<16xi32>
          %shift_left3A_359 = arith.shli %shift_right_arithmetic3A_356, %shift_left3A_358 : vector<16xi32>
          %bitcast_convert_type3A_360 = tpu.bitcast %shift_left3A_359 : vector<16xi32> -> vector<16xf32>
          %get3A_361 = arith.index_cast %scan3A_177 : i32 to index
          %get3A_362 = arith.constant 64 : index
          %get3A_363 = tpu.vector_load %arg12[%get3A_361, %get3A_362] {strides = array<i32>} : memref<80x128xf32, #tpu.memory_space<vmem>>, vector<1x16xf32>,
          %get3A_364 = vector.shape_cast %get3A_363 : vector<1x16xf32> to vector<16xf32>
          %mul3A_365 = arith.mulf %bitcast_convert_type3A_353, %get3A_364 : vector<16xf32>
          %get3A_366 = arith.index_cast %add3A_179 : i32 to index
          %get3A_367 = arith.constant 64 : index
          %get3A_368 = tpu.vector_load %arg12[%get3A_366, %get3A_367] {strides = array<i32>} : memref<80x128xf32, #tpu.memory_space<vmem>>, vector<1x16xf32>,
          %get3A_369 = vector.shape_cast %get3A_368 : vector<1x16xf32> to vector<16xf32>
          %mul3A_370 = arith.mulf %bitcast_convert_type3A_360, %get3A_369 : vector<16xf32>
          %mul3A_371 = arith.constant 1.000000e-01 : f32
          %mul3A_372 = vector.broadcast %mul3A_371 : f32 to vector<16xf32>
          %mul3A_373 = arith.mulf %mul3A_365, %mul3A_372 : vector<16xf32>
          %max3A_374 = arith.maximumf %mul3A_365, %mul3A_373 : vector<16xf32>
          %swap3A_375 = arith.index_cast %scan3A_177 : i32 to index
          %swap3A_376 = arith.constant 64 : index
          %swap3A_377 = tpu.vector_load %arg14[%swap3A_375, %swap3A_376] {strides = array<i32>} : memref<80x128xf32, #tpu.memory_space<vmem>>, vector<1x16xf32>,
          %swap3A_378 = vector.shape_cast %swap3A_377 : vector<1x16xf32> to vector<16xf32>
          %swap3A_379 = vector.shape_cast %max3A_374 : vector<16xf32> to vector<1x16xf32>
          tpu.vector_store %arg14[%swap3A_375, %swap3A_376], %swap3A_379 {strides = array<i32>} : memref<80x128xf32, #tpu.memory_space<vmem>>, vector<1x16xf32>,
          %mul3A_380 = arith.constant 1.000000e-01 : f32
          %mul3A_381 = vector.broadcast %mul3A_380 : f32 to vector<16xf32>
          %mul3A_382 = arith.mulf %mul3A_370, %mul3A_381 : vector<16xf32>
          %max3A_383 = arith.maximumf %mul3A_370, %mul3A_382 : vector<16xf32>
          %swap3A_384 = arith.index_cast %add3A_179 : i32 to index
          %swap3A_385 = arith.constant 64 : index
          %swap3A_386 = tpu.vector_load %arg14[%swap3A_384, %swap3A_385] {strides = array<i32>} : memref<80x128xf32, #tpu.memory_space<vmem>>, vector<1x16xf32>,
          %swap3A_387 = vector.shape_cast %swap3A_386 : vector<1x16xf32> to vector<16xf32>
          %swap3A_388 = vector.shape_cast %max3A_383 : vector<16xf32> to vector<1x16xf32>
          tpu.vector_store %arg14[%swap3A_384, %swap3A_385], %swap3A_388 {strides = array<i32>} : memref<80x128xf32, #tpu.memory_space<vmem>>, vector<1x16xf32>,
          %get3A_389 = arith.index_cast %scan3A_177 : i32 to index
          %get3A_390 = arith.constant 80 : index
          %get3A_391 = tpu.vector_load %arg10[%get3A_389, %get3A_390] {strides = array<i32>} : memref<40x128xi32, #tpu.memory_space<vmem>>, vector<1x16xi32>,
          %get3A_392 = vector.shape_cast %get3A_391 : vector<1x16xi32> to vector<16xi32>
          %shift_left3A_393 = arith.constant 16 : i32
          %shift_left3A_394 = vector.broadcast %shift_left3A_393 : i32 to vector<16xi32>
          %shift_left3A_395 = arith.shli %get3A_392, %shift_left3A_394 : vector<16xi32>
          %bitcast_convert_type3A_396 = tpu.bitcast %shift_left3A_395 : vector<16xi32> -> vector<16xf32>
          %shift_right_arithmetic3A_397 = arith.constant 16 : i32
          %shift_right_arithmetic3A_398 = vector.broadcast %shift_right_arithmetic3A_397 : i32 to vector<16xi32>
          %shift_right_arithmetic3A_399 = arith.shrsi %get3A_392, %shift_right_arithmetic3A_398 : vector<16xi32>
          %shift_left3A_400 = arith.constant 16 : i32
          %shift_left3A_401 = vector.broadcast %shift_left3A_400 : i32 to vector<16xi32>
          %shift_left3A_402 = arith.shli %shift_right_arithmetic3A_399, %shift_left3A_401 : vector<16xi32>
          %bitcast_convert_type3A_403 = tpu.bitcast %shift_left3A_402 : vector<16xi32> -> vector<16xf32>
          %get3A_404 = arith.index_cast %scan3A_177 : i32 to index
          %get3A_405 = arith.constant 80 : index
          %get3A_406 = tpu.vector_load %arg12[%get3A_404, %get3A_405] {strides = array<i32>} : memref<80x128xf32, #tpu.memory_space<vmem>>, vector<1x16xf32>,
          %get3A_407 = vector.shape_cast %get3A_406 : vector<1x16xf32> to vector<16xf32>
          %mul3A_408 = arith.mulf %bitcast_convert_type3A_396, %get3A_407 : vector<16xf32>
          %get3A_409 = arith.index_cast %add3A_179 : i32 to index
          %get3A_410 = arith.constant 80 : index
          %get3A_411 = tpu.vector_load %arg12[%get3A_409, %get3A_410] {strides = array<i32>} : memref<80x128xf32, #tpu.memory_space<vmem>>, vector<1x16xf32>,
          %get3A_412 = vector.shape_cast %get3A_411 : vector<1x16xf32> to vector<16xf32>
          %mul3A_413 = arith.mulf %bitcast_convert_type3A_403, %get3A_412 : vector<16xf32>
          %mul3A_414 = arith.constant 1.000000e-01 : f32
          %mul3A_415 = vector.broadcast %mul3A_414 : f32 to vector<16xf32>
          %mul3A_416 = arith.mulf %mul3A_408, %mul3A_415 : vector<16xf32>
          %max3A_417 = arith.maximumf %mul3A_408, %mul3A_416 : vector<16xf32>
          %swap3A_418 = arith.index_cast %scan3A_177 : i32 to index
          %swap3A_419 = arith.constant 80 : index
          %swap3A_420 = tpu.vector_load %arg14[%swap3A_418, %swap3A_419] {strides = array<i32>} : memref<80x128xf32, #tpu.memory_space<vmem>>, vector<1x16xf32>,
          %swap3A_421 = vector.shape_cast %swap3A_420 : vector<1x16xf32> to vector<16xf32>
          %swap3A_422 = vector.shape_cast %max3A_417 : vector<16xf32> to vector<1x16xf32>
          tpu.vector_store %arg14[%swap3A_418, %swap3A_419], %swap3A_422 {strides = array<i32>} : memref<80x128xf32, #tpu.memory_space<vmem>>, vector<1x16xf32>,
          %mul3A_423 = arith.constant 1.000000e-01 : f32
          %mul3A_424 = vector.broadcast %mul3A_423 : f32 to vector<16xf32>
          %mul3A_425 = arith.mulf %mul3A_413, %mul3A_424 : vector<16xf32>
          %max3A_426 = arith.maximumf %mul3A_413, %mul3A_425 : vector<16xf32>
          %swap3A_427 = arith.index_cast %add3A_179 : i32 to index
          %swap3A_428 = arith.constant 80 : index
          %swap3A_429 = tpu.vector_load %arg14[%swap3A_427, %swap3A_428] {strides = array<i32>} : memref<80x128xf32, #tpu.memory_space<vmem>>, vector<1x16xf32>,
          %swap3A_430 = vector.shape_cast %swap3A_429 : vector<1x16xf32> to vector<16xf32>
          %swap3A_431 = vector.shape_cast %max3A_426 : vector<16xf32> to vector<1x16xf32>
          tpu.vector_store %arg14[%swap3A_427, %swap3A_428], %swap3A_431 {strides = array<i32>} : memref<80x128xf32, #tpu.memory_space<vmem>>, vector<1x16xf32>,
          %get3A_432 = arith.index_cast %scan3A_177 : i32 to index
          %get3A_433 = arith.constant 96 : index
          %get3A_434 = tpu.vector_load %arg10[%get3A_432, %get3A_433] {strides = array<i32>} : memref<40x128xi32, #tpu.memory_space<vmem>>, vector<1x16xi32>,
          %get3A_435 = vector.shape_cast %get3A_434 : vector<1x16xi32> to vector<16xi32>
          %shift_left3A_436 = arith.constant 16 : i32
          %shift_left3A_437 = vector.broadcast %shift_left3A_436 : i32 to vector<16xi32>
          %shift_left3A_438 = arith.shli %get3A_435, %shift_left3A_437 : vector<16xi32>
          %bitcast_convert_type3A_439 = tpu.bitcast %shift_left3A_438 : vector<16xi32> -> vector<16xf32>
          %shift_right_arithmetic3A_440 = arith.constant 16 : i32
          %shift_right_arithmetic3A_441 = vector.broadcast %shift_right_arithmetic3A_440 : i32 to vector<16xi32>
          %shift_right_arithmetic3A_442 = arith.shrsi %get3A_435, %shift_right_arithmetic3A_441 : vector<16xi32>
          %shift_left3A_443 = arith.constant 16 : i32
          %shift_left3A_444 = vector.broadcast %shift_left3A_443 : i32 to vector<16xi32>
          %shift_left3A_445 = arith.shli %shift_right_arithmetic3A_442, %shift_left3A_444 : vector<16xi32>
          %bitcast_convert_type3A_446 = tpu.bitcast %shift_left3A_445 : vector<16xi32> -> vector<16xf32>
          %get3A_447 = arith.index_cast %scan3A_177 : i32 to index
          %get3A_448 = arith.constant 96 : index
          %get3A_449 = tpu.vector_load %arg12[%get3A_447, %get3A_448] {strides = array<i32>} : memref<80x128xf32, #tpu.memory_space<vmem>>, vector<1x16xf32>,
          %get3A_450 = vector.shape_cast %get3A_449 : vector<1x16xf32> to vector<16xf32>
          %mul3A_451 = arith.mulf %bitcast_convert_type3A_439, %get3A_450 : vector<16xf32>
          %get3A_452 = arith.index_cast %add3A_179 : i32 to index
          %get3A_453 = arith.constant 96 : index
          %get3A_454 = tpu.vector_load %arg12[%get3A_452, %get3A_453] {strides = array<i32>} : memref<80x128xf32, #tpu.memory_space<vmem>>, vector<1x16xf32>,
          %get3A_455 = vector.shape_cast %get3A_454 : vector<1x16xf32> to vector<16xf32>
          %mul3A_456 = arith.mulf %bitcast_convert_type3A_446, %get3A_455 : vector<16xf32>
          %mul3A_457 = arith.constant 1.000000e-01 : f32
          %mul3A_458 = vector.broadcast %mul3A_457 : f32 to vector<16xf32>
          %mul3A_459 = arith.mulf %mul3A_451, %mul3A_458 : vector<16xf32>
          %max3A_460 = arith.maximumf %mul3A_451, %mul3A_459 : vector<16xf32>
          %swap3A_461 = arith.index_cast %scan3A_177 : i32 to index
          %swap3A_462 = arith.constant 96 : index
          %swap3A_463 = tpu.vector_load %arg14[%swap3A_461, %swap3A_462] {strides = array<i32>} : memref<80x128xf32, #tpu.memory_space<vmem>>, vector<1x16xf32>,
          %swap3A_464 = vector.shape_cast %swap3A_463 : vector<1x16xf32> to vector<16xf32>
          %swap3A_465 = vector.shape_cast %max3A_460 : vector<16xf32> to vector<1x16xf32>
          tpu.vector_store %arg14[%swap3A_461, %swap3A_462], %swap3A_465 {strides = array<i32>} : memref<80x128xf32, #tpu.memory_space<vmem>>, vector<1x16xf32>,
          %mul3A_466 = arith.constant 1.000000e-01 : f32
          %mul3A_467 = vector.broadcast %mul3A_466 : f32 to vector<16xf32>
          %mul3A_468 = arith.mulf %mul3A_456, %mul3A_467 : vector<16xf32>
          %max3A_469 = arith.maximumf %mul3A_456, %mul3A_468 : vector<16xf32>
          %swap3A_470 = arith.index_cast %add3A_179 : i32 to index
          %swap3A_471 = arith.constant 96 : index
          %swap3A_472 = tpu.vector_load %arg14[%swap3A_470, %swap3A_471] {strides = array<i32>} : memref<80x128xf32, #tpu.memory_space<vmem>>, vector<1x16xf32>,
          %swap3A_473 = vector.shape_cast %swap3A_472 : vector<1x16xf32> to vector<16xf32>
          %swap3A_474 = vector.shape_cast %max3A_469 : vector<16xf32> to vector<1x16xf32>
          tpu.vector_store %arg14[%swap3A_470, %swap3A_471], %swap3A_474 {strides = array<i32>} : memref<80x128xf32, #tpu.memory_space<vmem>>, vector<1x16xf32>,
          %get3A_475 = arith.index_cast %scan3A_177 : i32 to index
          %get3A_476 = arith.constant 112 : index
          %get3A_477 = tpu.vector_load %arg10[%get3A_475, %get3A_476] {strides = array<i32>} : memref<40x128xi32, #tpu.memory_space<vmem>>, vector<1x16xi32>,
          %get3A_478 = vector.shape_cast %get3A_477 : vector<1x16xi32> to vector<16xi32>
          %shift_left3A_479 = arith.constant 16 : i32
          %shift_left3A_480 = vector.broadcast %shift_left3A_479 : i32 to vector<16xi32>
          %shift_left3A_481 = arith.shli %get3A_478, %shift_left3A_480 : vector<16xi32>
          %bitcast_convert_type3A_482 = tpu.bitcast %shift_left3A_481 : vector<16xi32> -> vector<16xf32>
          %shift_right_arithmetic3A_483 = arith.constant 16 : i32
          %shift_right_arithmetic3A_484 = vector.broadcast %shift_right_arithmetic3A_483 : i32 to vector<16xi32>
          %shift_right_arithmetic3A_485 = arith.shrsi %get3A_478, %shift_right_arithmetic3A_484 : vector<16xi32>
          %shift_left3A_486 = arith.constant 16 : i32
          %shift_left3A_487 = vector.broadcast %shift_left3A_486 : i32 to vector<16xi32>
          %shift_left3A_488 = arith.shli %shift_right_arithmetic3A_485, %shift_left3A_487 : vector<16xi32>
          %bitcast_convert_type3A_489 = tpu.bitcast %shift_left3A_488 : vector<16xi32> -> vector<16xf32>
          %get3A_490 = arith.index_cast %scan3A_177 : i32 to index
          %get3A_491 = arith.constant 112 : index
          %get3A_492 = tpu.vector_load %arg12[%get3A_490, %get3A_491] {strides = array<i32>} : memref<80x128xf32, #tpu.memory_space<vmem>>, vector<1x16xf32>,
          %get3A_493 = vector.shape_cast %get3A_492 : vector<1x16xf32> to vector<16xf32>
          %mul3A_494 = arith.mulf %bitcast_convert_type3A_482, %get3A_493 : vector<16xf32>
          %get3A_495 = arith.index_cast %add3A_179 : i32 to index
          %get3A_496 = arith.constant 112 : index
          %get3A_497 = tpu.vector_load %arg12[%get3A_495, %get3A_496] {strides = array<i32>} : memref<80x128xf32, #tpu.memory_space<vmem>>, vector<1x16xf32>,
          %get3A_498 = vector.shape_cast %get3A_497 : vector<1x16xf32> to vector<16xf32>
          %mul3A_499 = arith.mulf %bitcast_convert_type3A_489, %get3A_498 : vector<16xf32>
          %mul3A_500 = arith.constant 1.000000e-01 : f32
          %mul3A_501 = vector.broadcast %mul3A_500 : f32 to vector<16xf32>
          %mul3A_502 = arith.mulf %mul3A_494, %mul3A_501 : vector<16xf32>
          %max3A_503 = arith.maximumf %mul3A_494, %mul3A_502 : vector<16xf32>
          %swap3A_504 = arith.index_cast %scan3A_177 : i32 to index
          %swap3A_505 = arith.constant 112 : index
          %swap3A_506 = tpu.vector_load %arg14[%swap3A_504, %swap3A_505] {strides = array<i32>} : memref<80x128xf32, #tpu.memory_space<vmem>>, vector<1x16xf32>,
          %swap3A_507 = vector.shape_cast %swap3A_506 : vector<1x16xf32> to vector<16xf32>
          %swap3A_508 = vector.shape_cast %max3A_503 : vector<16xf32> to vector<1x16xf32>
          tpu.vector_store %arg14[%swap3A_504, %swap3A_505], %swap3A_508 {strides = array<i32>} : memref<80x128xf32, #tpu.memory_space<vmem>>, vector<1x16xf32>,
          %mul3A_509 = arith.constant 1.000000e-01 : f32
          %mul3A_510 = vector.broadcast %mul3A_509 : f32 to vector<16xf32>
          %mul3A_511 = arith.mulf %mul3A_499, %mul3A_510 : vector<16xf32>
          %max3A_512 = arith.maximumf %mul3A_499, %mul3A_511 : vector<16xf32>
          %swap3A_513 = arith.index_cast %add3A_179 : i32 to index
          %swap3A_514 = arith.constant 112 : index
          %swap3A_515 = tpu.vector_load %arg14[%swap3A_513, %swap3A_514] {strides = array<i32>} : memref<80x128xf32, #tpu.memory_space<vmem>>, vector<1x16xf32>,
          %swap3A_516 = vector.shape_cast %swap3A_515 : vector<1x16xf32> to vector<16xf32>
          %swap3A_517 = vector.shape_cast %max3A_512 : vector<16xf32> to vector<1x16xf32>
          tpu.vector_store %arg14[%swap3A_513, %swap3A_514], %swap3A_517 {strides = array<i32>} : memref<80x128xf32, #tpu.memory_space<vmem>>, vector<1x16xf32>,
        }
        %scan3A_166 = arith.constant 40 : i32
        %add3A_167 = arith.constant 1 : i32
        %add3A_168 = arith.addi %add3A_100, %add3A_167 : i32
        %lt3A_169 = arith.constant 125 : i32
        %lt3A_170 = arith.cmpi slt, %add3A_168, %lt3A_169 : i32
        %convert_element_type3A_171 = arith.extui %lt3A_170 : i1 to i32
        %cond3A_172 = arith.constant 0 : i32
        %cond3A_173 = arith.cmpi ne, %convert_element_type3A_171, %cond3A_172 : i32
        scf.if %cond3A_173 {
          %add3A_177 = arith.constant 1 : i32
          %add3A_178 = arith.addi %add3A_100, %add3A_177 : i32
          %mul3A_179 = arith.constant 40 : i32
          %mul3A_180 = arith.muli %add3A_178, %mul3A_179 : i32
          %add3A_181 = arith.addi %mul3A_40, %mul3A_180 : i32
          %dma_start3A_182 = arith.constant 0 : i32
          %dma_start3A_183 = tpu.memref_slice %arg2[%add3A_181, %dma_start3A_182] : memref<160000x128xi32, #tpu.memory_space<hbm>> -> memref<40x128xi32, #tpu.memory_space<hbm>>
          %dma_start3A_184 = arith.constant 0 : i32
          %dma_start3A_185 = tpu.memref_slice %arg2[%add3A_181, %dma_start3A_184] : memref<160000x128xi32, #tpu.memory_space<hbm>> -> memref<40x128xi32, #tpu.memory_space<hbm>>
          tpu.enqueue_dma source(%dma_start3A_185 : memref<40x128xi32, #tpu.memory_space<hbm>>) target(%arg10 : memref<40x128xi32, #tpu.memory_space<vmem>>) target_semaphore(%arg18 : memref<!tpu.dma_semaphore, #tpu.memory_space<semaphore_mem>>)
        } else {
        }
        %dma_start3A_174 = arith.constant 0 : i32
        %dma_start3A_175 = arith.constant 0 : i32
        %dma_start3A_176 = tpu.memref_slice %arg15[%dma_start3A_174, %dma_start3A_175] : memref<10112x128xf32, #tpu.memory_space<vmem_shared>> -> memref<10112x128xf32, #tpu.memory_space<vmem_shared>>
        tpu.enqueue_indirect_dma source(%arg14 : memref<80x128xf32, #tpu.memory_space<vmem>>) target(%dma_start3A_176 : memref<10112x128xf32, #tpu.memory_space<vmem_shared>>) offsets(%arg9 : memref<80xi32, #tpu.memory_space<vmem>>) semaphore(%arg22 : memref<!tpu.dma_semaphore, #tpu.memory_space<semaphore_mem>>) {add = true}
      } else {
      }
    }
    %scan3A_82 = arith.constant 63 : i32
    %dma_wait3A = arith.constant 0 : i32
    %dma_wait3A_83 = arith.constant 0 : i32
    %dma_wait3A_84 = tpu.memref_slice %arg15[%dma_wait3A, %dma_wait3A_83] : memref<10112x128xf32, #tpu.memory_space<vmem_shared>> -> memref<10112x128xf32, #tpu.memory_space<vmem_shared>>
    tpu.wait_indirect_dma semaphore(%arg21 : memref<!tpu.dma_semaphore, #tpu.memory_space<semaphore_mem>>) src(%arg13 : memref<80x128xf32, #tpu.memory_space<vmem>>) dst(%dma_wait3A_84 : memref<10112x128xf32, #tpu.memory_space<vmem_shared>>)
    %barrier3A_85 = arith.constant 0 : index
    tpu.barrier barrier_id(%barrier3A_85)
    %mul3A_86 = arith.constant 632 : i32
    %mul3A_87 = arith.muli %arg1, %mul3A_86 : i32
    %mul3A_88 = arith.constant 632 : i32
    %mul3A_89 = arith.muli %arg1, %mul3A_88 : i32
    "tpu.region"() ({
      %run_scoped3A = tpu.sem_alloc : memref<!tpu.dma_semaphore, #tpu.memory_space<semaphore_mem>>
      %dma_start3A_90 = arith.constant 0 : i32
      %dma_start3A_91 = tpu.memref_slice %arg5[%arg0, %mul3A_89, %dma_start3A_90] : memref<2x10112x128xf32, #tpu.memory_space<hbm>> -> memref<1x632x128xf32, #tpu.memory_space<hbm>>
      %dma_start3A_92 = tpu.memref_squeeze %dma_start3A_91 : memref<1x632x128xf32, #tpu.memory_space<hbm>> -> memref<632x128xf32, #tpu.memory_space<hbm>>
      %dma_start3A_93 = arith.constant 0 : i32
      %dma_start3A_94 = tpu.memref_slice %arg15[%mul3A_87, %dma_start3A_93] : memref<10112x128xf32, #tpu.memory_space<vmem_shared>> -> memref<632x128xf32, #tpu.memory_space<vmem_shared>>
      tpu.enqueue_dma source(%dma_start3A_94 : memref<632x128xf32, #tpu.memory_space<vmem_shared>>) target(%dma_start3A_92 : memref<632x128xf32, #tpu.memory_space<hbm>>) target_semaphore(%run_scoped3A : memref<!tpu.dma_semaphore, #tpu.memory_space<semaphore_mem>>)
      %dma_wait3A_95 = arith.constant 0 : i32
      %dma_wait3A_96 = tpu.memref_slice %arg5[%arg0, %mul3A_89, %dma_wait3A_95] : memref<2x10112x128xf32, #tpu.memory_space<hbm>> -> memref<1x632x128xf32, #tpu.memory_space<hbm>>
      %dma_wait3A_97 = tpu.memref_squeeze %dma_wait3A_96 : memref<1x632x128xf32, #tpu.memory_space<hbm>> -> memref<632x128xf32, #tpu.memory_space<hbm>>
      %dma_wait3A_98 = arith.constant 0 : i32
      %dma_wait3A_99 = tpu.memref_slice %arg15[%mul3A_87, %dma_wait3A_98] : memref<10112x128xf32, #tpu.memory_space<vmem_shared>> -> memref<632x128xf32, #tpu.memory_space<vmem_shared>>
      tpu.wait_dma2 semaphore(%run_scoped3A : memref<!tpu.dma_semaphore, #tpu.memory_space<semaphore_mem>>) src(%dma_wait3A_99 : memref<632x128xf32, #tpu.memory_space<vmem_shared>>) dst(%dma_wait3A_97 : memref<632x128xf32, #tpu.memory_space<hbm>>)
      tpu.yield
    }) : () -> ()
    return
  }
}

module attributes {stable_mosaic.version = 14 : i64} {
  func.func @body(%arg0: i32, %arg1: memref<16x6400xf32, #tpu.memory_space<vmem>>, %arg2: memref<16x6400xf32, #tpu.memory_space<vmem>>, %arg3: memref<128x16xf32, #tpu.memory_space<vmem>>, %arg4: memref<1x128xf32, #tpu.memory_space<vmem>>, %arg5: memref<6400x128xi32, #tpu.memory_space<vmem>>) attributes {dimension_semantics = [#tpu.dimension_semantics<arbitrary>], iteration_bounds = array<i64: 25>, scalar_prefetch = 0 : i64, scratch_operands = 0 : i64, tpu.core_type = #tpu.core_type<tc>, window_params = [{transform_indices = @transform_0, window_bounds = array<i64: 16, 6400>}, {transform_indices = @transform_1, window_bounds = array<i64: 16, 6400>}, {pipeline_mode = #tpu.pipeline_mode<synchronous>, transform_indices = @transform_2, window_bounds = array<i64: 128, 16>}, {pipeline_mode = #tpu.pipeline_mode<synchronous>, transform_indices = @transform_3, window_bounds = array<i64: 1, 128>}, {transform_indices = @transform_4, window_bounds = array<i64: 6400, 128>}]} {
    %get3A = arith.constant 0 : index
    %get3A_0 = arith.constant 0 : index
    %get3A_1 = vector.load %arg3[%get3A, %get3A_0] : memref<128x16xf32, #tpu.memory_space<vmem>>, vector<128x16xf32>
    %convert_element_type3A = arith.truncf %get3A_1 : vector<128x16xf32> to vector<128x16xbf16>
    %get3A_2 = arith.constant 0 : index
    %get3A_3 = arith.constant 0 : index
    %get3A_4 = vector.load %arg1[%get3A_2, %get3A_3] : memref<16x6400xf32, #tpu.memory_space<vmem>>, vector<16x6400xf32>
    %convert_element_type3A_5 = arith.truncf %get3A_4 : vector<16x6400xf32> to vector<16x6400xbf16>
    %dot_general3A = arith.constant dense<0.000000e+00> : vector<6400x128xf32>
    %dot_general3A_6 = tpu.matmul %convert_element_type3A_5, %convert_element_type3A, %dot_general3A {dimension_numbers = #tpu.dot_dimension_numbers<[0], [1], [1], [0], [0, 1, 1, 0], [], []>, transpose_lhs_hint = false} : vector<16x6400xbf16>, vector<128x16xbf16>, vector<6400x128xf32> -> vector<6400x128xf32>
    %get3A_7 = arith.constant 0 : index
    %get3A_8 = arith.constant 0 : index
    %get3A_9 = vector.load %arg4[%get3A_7, %get3A_8] : memref<1x128xf32, #tpu.memory_space<vmem>>, vector<1x128xf32>
    %add3A = vector.broadcast %get3A_9 : vector<1x128xf32> to vector<6400x128xf32>
    %add3A_10 = arith.addf %dot_general3A_6, %add3A : vector<6400x128xf32>
    %get3A_11 = arith.constant 0 : index
    %get3A_12 = arith.constant 0 : index
    %get3A_13 = vector.load %arg2[%get3A_11, %get3A_12] : memref<16x6400xf32, #tpu.memory_space<vmem>>, vector<16x6400xf32>
    %convert_element_type3A_14 = arith.truncf %get3A_13 : vector<16x6400xf32> to vector<16x6400xbf16>
    %dot_general3A_15 = arith.constant dense<0.000000e+00> : vector<6400x128xf32>
    %dot_general3A_16 = tpu.matmul %convert_element_type3A_14, %convert_element_type3A, %dot_general3A_15 {dimension_numbers = #tpu.dot_dimension_numbers<[0], [1], [1], [0], [0, 1, 1, 0], [], []>, transpose_lhs_hint = false} : vector<16x6400xbf16>, vector<128x16xbf16>, vector<6400x128xf32> -> vector<6400x128xf32>
    %get3A_17 = arith.constant 0 : index
    %get3A_18 = arith.constant 0 : index
    %get3A_19 = vector.load %arg4[%get3A_17, %get3A_18] : memref<1x128xf32, #tpu.memory_space<vmem>>, vector<1x128xf32>
    %add3A_20 = vector.broadcast %get3A_19 : vector<1x128xf32> to vector<6400x128xf32>
    %add3A_21 = arith.addf %dot_general3A_16, %add3A_20 : vector<6400x128xf32>
    %bitcast_convert_type3A = tpu.bitcast %add3A_10 : vector<6400x128xf32> -> vector<6400x128xi32>
    %bitcast_convert_type3A_22 = tpu.bitcast %add3A_21 : vector<6400x128xf32> -> vector<6400x128xi32>
    %add3A_23 = arith.constant 32768 : i32
    %add3A_24 = vector.broadcast %add3A_23 : i32 to vector<6400x128xi32>
    %add3A_25 = arith.addi %bitcast_convert_type3A, %add3A_24 : vector<6400x128xi32>
    %shift_right_logical3A = arith.constant 16 : i32
    %shift_right_logical3A_26 = vector.broadcast %shift_right_logical3A : i32 to vector<6400x128xi32>
    %shift_right_logical3A_27 = arith.shrui %add3A_25, %shift_right_logical3A_26 : vector<6400x128xi32>
    %add3A_28 = arith.constant 32768 : i32
    %add3A_29 = vector.broadcast %add3A_28 : i32 to vector<6400x128xi32>
    %add3A_30 = arith.addi %bitcast_convert_type3A_22, %add3A_29 : vector<6400x128xi32>
    %shift_right_logical3A_31 = arith.constant 16 : i32
    %shift_right_logical3A_32 = vector.broadcast %shift_right_logical3A_31 : i32 to vector<6400x128xi32>
    %shift_right_logical3A_33 = arith.shrui %add3A_30, %shift_right_logical3A_32 : vector<6400x128xi32>
    %shift_left3A = arith.constant 16 : i32
    %shift_left3A_34 = vector.broadcast %shift_left3A : i32 to vector<6400x128xi32>
    %shift_left3A_35 = arith.shli %shift_right_logical3A_33, %shift_left3A_34 : vector<6400x128xi32>
    %or3A = arith.ori %shift_right_logical3A_27, %shift_left3A_35 : vector<6400x128xi32>
    %bitcast_convert_type3A_36 = tpu.bitcast %or3A : vector<6400x128xi32> -> vector<6400x128xi32>
    %swap3A = arith.constant 0 : index
    %swap3A_37 = arith.constant 0 : index
    %swap3A_38 = vector.load %arg5[%swap3A, %swap3A_37] : memref<6400x128xi32, #tpu.memory_space<vmem>>, vector<6400x128xi32>
    tpu.vector_store %arg5[%swap3A, %swap3A_37], %bitcast_convert_type3A_36 {strides = array<i32>} : memref<6400x128xi32, #tpu.memory_space<vmem>>, vector<6400x128xi32>,
    return
  }
  func.func @transform_0(%arg0: i32) -> (i32, i32) {
    %c0_i32 = arith.constant 0 : i32
    %c0_i32_0 = arith.constant 0 : i32
    return %c0_i32, %arg0 : i32, i32
  }
  func.func @transform_1(%arg0: i32) -> (i32, i32) {
    %add3A = arith.constant 25 : i32
    %add3A_0 = arith.addi %arg0, %add3A : i32
    %c0_i32 = arith.constant 0 : i32
    %c0_i32_1 = arith.constant 0 : i32
    return %c0_i32, %add3A_0 : i32, i32
  }
  func.func @transform_2(%arg0: i32) -> (i32, i32) {
    %c0_i32 = arith.constant 0 : i32
    %c0_i32_0 = arith.constant 0 : i32
    %c0_i32_1 = arith.constant 0 : i32
    return %c0_i32, %c0_i32_0 : i32, i32
  }
  func.func @transform_3(%arg0: i32) -> (i32, i32) {
    %c0_i32 = arith.constant 0 : i32
    %c0_i32_0 = arith.constant 0 : i32
    %c0_i32_1 = arith.constant 0 : i32
    return %c0_i32, %c0_i32_0 : i32, i32
  }
  func.func @transform_4(%arg0: i32) -> (i32, i32) {
    %c0_i32 = arith.constant 0 : i32
    %c0_i32_0 = arith.constant 0 : i32
    return %arg0, %c0_i32 : i32, i32
  }
}

module attributes {stable_mosaic.version = 14 : i64} {
  func.func @body(%arg0: memref<64x128xf32, #tpu.memory_space<vmem>>, %arg1: memref<128x128xf32, #tpu.memory_space<vmem>>, %arg2: memref<1x128xf32, #tpu.memory_space<vmem>>, %arg3: memref<4x128x128xf32, #tpu.memory_space<vmem>>, %arg4: memref<4x1x128xf32, #tpu.memory_space<vmem>>, %arg5: memref<4x1x128xf32, #tpu.memory_space<vmem>>, %arg6: memref<128x128xf32, #tpu.memory_space<vmem>>, %arg7: memref<1x128xf32, #tpu.memory_space<vmem>>, %arg8: memref<64x128xf32, #tpu.memory_space<vmem>>, %arg9: memref<4x64x128xf32, #tpu.memory_space<vmem>>, %arg10: memref<64x128xf32, #tpu.memory_space<vmem>>) attributes {dimension_semantics = [], scalar_prefetch = 0 : i64, scratch_operands = 0 : i64, tpu.core_type = #tpu.core_type<tc>} {
    %get3A = arith.constant 0 : index
    %get3A_0 = arith.constant 0 : index
    %get3A_1 = vector.load %arg0[%get3A, %get3A_0] : memref<64x128xf32, #tpu.memory_space<vmem>>, vector<64x128xf32>
    %get3A_2 = arith.constant 0 : index
    %get3A_3 = arith.constant 0 : index
    %get3A_4 = vector.load %arg1[%get3A_2, %get3A_3] : memref<128x128xf32, #tpu.memory_space<vmem>>, vector<128x128xf32>
    %dot_general3A = arith.constant dense<0.000000e+00> : vector<64x128xf32>
    %dot_general3A_5 = tpu.matmul %get3A_1, %get3A_4, %dot_general3A {dimension_numbers = #tpu.dot_dimension_numbers<[1], [1], [0], [0], [0, 0, 1, 0], [], []>, transpose_lhs_hint = false} : vector<64x128xf32>, vector<128x128xf32>, vector<64x128xf32> -> vector<64x128xf32>
    %get3A_6 = arith.constant 0 : index
    %get3A_7 = arith.constant 0 : index
    %get3A_8 = vector.load %arg2[%get3A_6, %get3A_7] : memref<1x128xf32, #tpu.memory_space<vmem>>, vector<1x128xf32>
    %add3A = vector.broadcast %get3A_8 : vector<1x128xf32> to vector<64x128xf32>
    %add3A_9 = arith.addf %dot_general3A_5, %add3A : vector<64x128xf32>
    %tanh3A = math.tanh %add3A_9 : vector<64x128xf32>
    %swap3A = arith.constant 0 : index
    %swap3A_10 = arith.constant 0 : index
    %swap3A_11 = vector.load %arg8[%swap3A, %swap3A_10] : memref<64x128xf32, #tpu.memory_space<vmem>>, vector<64x128xf32>
    tpu.vector_store %arg8[%swap3A, %swap3A_10], %tanh3A {strides = array<i32>} : memref<64x128xf32, #tpu.memory_space<vmem>>, vector<64x128xf32>,
    %get3A_12 = arith.constant 0 : index
    %get3A_13 = arith.constant 0 : index
    %get3A_14 = arith.constant 0 : index
    %get3A_15 = vector.load %arg3[%get3A_12, %get3A_13, %get3A_14] : memref<4x128x128xf32, #tpu.memory_space<vmem>>, vector<1x128x128xf32>
    %get3A_16 = vector.shape_cast %get3A_15 : vector<1x128x128xf32> to vector<128x128xf32>
    %dot_general3A_17 = arith.constant dense<0.000000e+00> : vector<64x128xf32>
    %dot_general3A_18 = tpu.matmul %get3A_1, %get3A_16, %dot_general3A_17 {dimension_numbers = #tpu.dot_dimension_numbers<[1], [1], [0], [0], [0, 0, 1, 0], [], []>, transpose_lhs_hint = false} : vector<64x128xf32>, vector<128x128xf32>, vector<64x128xf32> -> vector<64x128xf32>
    %get3A_19 = arith.constant 0 : index
    %get3A_20 = arith.constant 0 : index
    %get3A_21 = arith.constant 0 : index
    %get3A_22 = vector.load %arg4[%get3A_19, %get3A_20, %get3A_21] : memref<4x1x128xf32, #tpu.memory_space<vmem>>, vector<1x1x128xf32>
    %get3A_23 = vector.shape_cast %get3A_22 : vector<1x1x128xf32> to vector<1x128xf32>
    %add3A_24 = vector.broadcast %get3A_23 : vector<1x128xf32> to vector<64x128xf32>
    %add3A_25 = arith.addf %dot_general3A_18, %add3A_24 : vector<64x128xf32>
    %tanh3A_26 = math.tanh %add3A_25 : vector<64x128xf32>
    %get3A_27 = arith.constant 0 : index
    %get3A_28 = arith.constant 0 : index
    %get3A_29 = arith.constant 0 : index
    %get3A_30 = vector.load %arg5[%get3A_27, %get3A_28, %get3A_29] : memref<4x1x128xf32, #tpu.memory_space<vmem>>, vector<1x1x128xf32>
    %get3A_31 = vector.shape_cast %get3A_30 : vector<1x1x128xf32> to vector<1x128xf32>
    %mul3A = vector.broadcast %get3A_31 : vector<1x128xf32> to vector<64x128xf32>
    %mul3A_32 = arith.mulf %tanh3A_26, %mul3A : vector<64x128xf32>
    %swap3A_33 = arith.constant 0 : index
    %swap3A_34 = arith.constant 0 : index
    %swap3A_35 = arith.constant 0 : index
    %swap3A_36 = vector.load %arg9[%swap3A_33, %swap3A_34, %swap3A_35] : memref<4x64x128xf32, #tpu.memory_space<vmem>>, vector<1x64x128xf32>
    %swap3A_37 = vector.shape_cast %swap3A_36 : vector<1x64x128xf32> to vector<64x128xf32>
    %swap3A_38 = vector.shape_cast %mul3A_32 : vector<64x128xf32> to vector<1x64x128xf32>
    tpu.vector_store %arg9[%swap3A_33, %swap3A_34, %swap3A_35], %swap3A_38 {strides = array<i32>} : memref<4x64x128xf32, #tpu.memory_space<vmem>>, vector<1x64x128xf32>,
    %get3A_39 = arith.constant 1 : index
    %get3A_40 = arith.constant 0 : index
    %get3A_41 = arith.constant 0 : index
    %get3A_42 = vector.load %arg3[%get3A_39, %get3A_40, %get3A_41] : memref<4x128x128xf32, #tpu.memory_space<vmem>>, vector<1x128x128xf32>
    %get3A_43 = vector.shape_cast %get3A_42 : vector<1x128x128xf32> to vector<128x128xf32>
    %dot_general3A_44 = arith.constant dense<0.000000e+00> : vector<64x128xf32>
    %dot_general3A_45 = tpu.matmul %get3A_1, %get3A_43, %dot_general3A_44 {dimension_numbers = #tpu.dot_dimension_numbers<[1], [1], [0], [0], [0, 0, 1, 0], [], []>, transpose_lhs_hint = false} : vector<64x128xf32>, vector<128x128xf32>, vector<64x128xf32> -> vector<64x128xf32>
    %get3A_46 = arith.constant 1 : index
    %get3A_47 = arith.constant 0 : index
    %get3A_48 = arith.constant 0 : index
    %get3A_49 = vector.load %arg4[%get3A_46, %get3A_47, %get3A_48] : memref<4x1x128xf32, #tpu.memory_space<vmem>>, vector<1x1x128xf32>
    %get3A_50 = vector.shape_cast %get3A_49 : vector<1x1x128xf32> to vector<1x128xf32>
    %add3A_51 = vector.broadcast %get3A_50 : vector<1x128xf32> to vector<64x128xf32>
    %add3A_52 = arith.addf %dot_general3A_45, %add3A_51 : vector<64x128xf32>
    %tanh3A_53 = math.tanh %add3A_52 : vector<64x128xf32>
    %get3A_54 = arith.constant 1 : index
    %get3A_55 = arith.constant 0 : index
    %get3A_56 = arith.constant 0 : index
    %get3A_57 = vector.load %arg5[%get3A_54, %get3A_55, %get3A_56] : memref<4x1x128xf32, #tpu.memory_space<vmem>>, vector<1x1x128xf32>
    %get3A_58 = vector.shape_cast %get3A_57 : vector<1x1x128xf32> to vector<1x128xf32>
    %mul3A_59 = vector.broadcast %get3A_58 : vector<1x128xf32> to vector<64x128xf32>
    %mul3A_60 = arith.mulf %tanh3A_53, %mul3A_59 : vector<64x128xf32>
    %swap3A_61 = arith.constant 1 : index
    %swap3A_62 = arith.constant 0 : index
    %swap3A_63 = arith.constant 0 : index
    %swap3A_64 = vector.load %arg9[%swap3A_61, %swap3A_62, %swap3A_63] : memref<4x64x128xf32, #tpu.memory_space<vmem>>, vector<1x64x128xf32>
    %swap3A_65 = vector.shape_cast %swap3A_64 : vector<1x64x128xf32> to vector<64x128xf32>
    %swap3A_66 = vector.shape_cast %mul3A_60 : vector<64x128xf32> to vector<1x64x128xf32>
    tpu.vector_store %arg9[%swap3A_61, %swap3A_62, %swap3A_63], %swap3A_66 {strides = array<i32>} : memref<4x64x128xf32, #tpu.memory_space<vmem>>, vector<1x64x128xf32>,
    %get3A_67 = arith.constant 2 : index
    %get3A_68 = arith.constant 0 : index
    %get3A_69 = arith.constant 0 : index
    %get3A_70 = vector.load %arg3[%get3A_67, %get3A_68, %get3A_69] : memref<4x128x128xf32, #tpu.memory_space<vmem>>, vector<1x128x128xf32>
    %get3A_71 = vector.shape_cast %get3A_70 : vector<1x128x128xf32> to vector<128x128xf32>
    %dot_general3A_72 = arith.constant dense<0.000000e+00> : vector<64x128xf32>
    %dot_general3A_73 = tpu.matmul %get3A_1, %get3A_71, %dot_general3A_72 {dimension_numbers = #tpu.dot_dimension_numbers<[1], [1], [0], [0], [0, 0, 1, 0], [], []>, transpose_lhs_hint = false} : vector<64x128xf32>, vector<128x128xf32>, vector<64x128xf32> -> vector<64x128xf32>
    %get3A_74 = arith.constant 2 : index
    %get3A_75 = arith.constant 0 : index
    %get3A_76 = arith.constant 0 : index
    %get3A_77 = vector.load %arg4[%get3A_74, %get3A_75, %get3A_76] : memref<4x1x128xf32, #tpu.memory_space<vmem>>, vector<1x1x128xf32>
    %get3A_78 = vector.shape_cast %get3A_77 : vector<1x1x128xf32> to vector<1x128xf32>
    %add3A_79 = vector.broadcast %get3A_78 : vector<1x128xf32> to vector<64x128xf32>
    %add3A_80 = arith.addf %dot_general3A_73, %add3A_79 : vector<64x128xf32>
    %tanh3A_81 = math.tanh %add3A_80 : vector<64x128xf32>
    %get3A_82 = arith.constant 2 : index
    %get3A_83 = arith.constant 0 : index
    %get3A_84 = arith.constant 0 : index
    %get3A_85 = vector.load %arg5[%get3A_82, %get3A_83, %get3A_84] : memref<4x1x128xf32, #tpu.memory_space<vmem>>, vector<1x1x128xf32>
    %get3A_86 = vector.shape_cast %get3A_85 : vector<1x1x128xf32> to vector<1x128xf32>
    %mul3A_87 = vector.broadcast %get3A_86 : vector<1x128xf32> to vector<64x128xf32>
    %mul3A_88 = arith.mulf %tanh3A_81, %mul3A_87 : vector<64x128xf32>
    %swap3A_89 = arith.constant 2 : index
    %swap3A_90 = arith.constant 0 : index
    %swap3A_91 = arith.constant 0 : index
    %swap3A_92 = vector.load %arg9[%swap3A_89, %swap3A_90, %swap3A_91] : memref<4x64x128xf32, #tpu.memory_space<vmem>>, vector<1x64x128xf32>
    %swap3A_93 = vector.shape_cast %swap3A_92 : vector<1x64x128xf32> to vector<64x128xf32>
    %swap3A_94 = vector.shape_cast %mul3A_88 : vector<64x128xf32> to vector<1x64x128xf32>
    tpu.vector_store %arg9[%swap3A_89, %swap3A_90, %swap3A_91], %swap3A_94 {strides = array<i32>} : memref<4x64x128xf32, #tpu.memory_space<vmem>>, vector<1x64x128xf32>,
    %get3A_95 = arith.constant 3 : index
    %get3A_96 = arith.constant 0 : index
    %get3A_97 = arith.constant 0 : index
    %get3A_98 = vector.load %arg3[%get3A_95, %get3A_96, %get3A_97] : memref<4x128x128xf32, #tpu.memory_space<vmem>>, vector<1x128x128xf32>
    %get3A_99 = vector.shape_cast %get3A_98 : vector<1x128x128xf32> to vector<128x128xf32>
    %dot_general3A_100 = arith.constant dense<0.000000e+00> : vector<64x128xf32>
    %dot_general3A_101 = tpu.matmul %get3A_1, %get3A_99, %dot_general3A_100 {dimension_numbers = #tpu.dot_dimension_numbers<[1], [1], [0], [0], [0, 0, 1, 0], [], []>, transpose_lhs_hint = false} : vector<64x128xf32>, vector<128x128xf32>, vector<64x128xf32> -> vector<64x128xf32>
    %get3A_102 = arith.constant 3 : index
    %get3A_103 = arith.constant 0 : index
    %get3A_104 = arith.constant 0 : index
    %get3A_105 = vector.load %arg4[%get3A_102, %get3A_103, %get3A_104] : memref<4x1x128xf32, #tpu.memory_space<vmem>>, vector<1x1x128xf32>
    %get3A_106 = vector.shape_cast %get3A_105 : vector<1x1x128xf32> to vector<1x128xf32>
    %add3A_107 = vector.broadcast %get3A_106 : vector<1x128xf32> to vector<64x128xf32>
    %add3A_108 = arith.addf %dot_general3A_101, %add3A_107 : vector<64x128xf32>
    %tanh3A_109 = math.tanh %add3A_108 : vector<64x128xf32>
    %get3A_110 = arith.constant 3 : index
    %get3A_111 = arith.constant 0 : index
    %get3A_112 = arith.constant 0 : index
    %get3A_113 = vector.load %arg5[%get3A_110, %get3A_111, %get3A_112] : memref<4x1x128xf32, #tpu.memory_space<vmem>>, vector<1x1x128xf32>
    %get3A_114 = vector.shape_cast %get3A_113 : vector<1x1x128xf32> to vector<1x128xf32>
    %mul3A_115 = vector.broadcast %get3A_114 : vector<1x128xf32> to vector<64x128xf32>
    %mul3A_116 = arith.mulf %tanh3A_109, %mul3A_115 : vector<64x128xf32>
    %swap3A_117 = arith.constant 3 : index
    %swap3A_118 = arith.constant 0 : index
    %swap3A_119 = arith.constant 0 : index
    %swap3A_120 = vector.load %arg9[%swap3A_117, %swap3A_118, %swap3A_119] : memref<4x64x128xf32, #tpu.memory_space<vmem>>, vector<1x64x128xf32>
    %swap3A_121 = vector.shape_cast %swap3A_120 : vector<1x64x128xf32> to vector<64x128xf32>
    %swap3A_122 = vector.shape_cast %mul3A_116 : vector<64x128xf32> to vector<1x64x128xf32>
    tpu.vector_store %arg9[%swap3A_117, %swap3A_118, %swap3A_119], %swap3A_122 {strides = array<i32>} : memref<4x64x128xf32, #tpu.memory_space<vmem>>, vector<1x64x128xf32>,
    %get3A_123 = arith.constant 0 : index
    %get3A_124 = arith.constant 0 : index
    %get3A_125 = vector.load %arg6[%get3A_123, %get3A_124] : memref<128x128xf32, #tpu.memory_space<vmem>>, vector<128x128xf32>
    %dot_general3A_126 = arith.constant dense<0.000000e+00> : vector<64x128xf32>
    %dot_general3A_127 = tpu.matmul %get3A_1, %get3A_125, %dot_general3A_126 {dimension_numbers = #tpu.dot_dimension_numbers<[1], [1], [0], [0], [0, 0, 1, 0], [], []>, transpose_lhs_hint = false} : vector<64x128xf32>, vector<128x128xf32>, vector<64x128xf32> -> vector<64x128xf32>
    %get3A_128 = arith.constant 0 : index
    %get3A_129 = arith.constant 0 : index
    %get3A_130 = vector.load %arg7[%get3A_128, %get3A_129] : memref<1x128xf32, #tpu.memory_space<vmem>>, vector<1x128xf32>
    %add3A_131 = vector.broadcast %get3A_130 : vector<1x128xf32> to vector<64x128xf32>
    %add3A_132 = arith.addf %dot_general3A_127, %add3A_131 : vector<64x128xf32>
    %tanh3A_133 = math.tanh %add3A_132 : vector<64x128xf32>
    %swap3A_134 = arith.constant 0 : index
    %swap3A_135 = arith.constant 0 : index
    %swap3A_136 = vector.load %arg10[%swap3A_134, %swap3A_135] : memref<64x128xf32, #tpu.memory_space<vmem>>, vector<64x128xf32>
    tpu.vector_store %arg10[%swap3A_134, %swap3A_135], %tanh3A_133 {strides = array<i32>} : memref<64x128xf32, #tpu.memory_space<vmem>>, vector<64x128xf32>,
    return
  }
}

module attributes {stable_mosaic.version = 14 : i64} {
  func.func @body(%arg0: i32, %arg1: memref<1000x128xf32, #tpu.memory_space<vmem>>, %arg2: memref<1x1x1000xi32, #tpu.memory_space<vmem>>, %arg3: memref<4x128x128xf32, #tpu.memory_space<vmem>>, %arg4: memref<4x1x128xf32, #tpu.memory_space<vmem>>, %arg5: memref<4x64x128xf32, #tpu.memory_space<vmem>>, %arg6: memref<4x128x128xf32, #tpu.memory_space<vmem>>, %arg7: memref<4x1x128xf32, #tpu.memory_space<vmem>>, %arg8: memref<4x64x128xf32, #tpu.memory_space<vmem>>, %arg9: memref<64x128xf32, #tpu.memory_space<vmem>>) attributes {dimension_semantics = [#tpu.dimension_semantics<arbitrary>], iteration_bounds = array<i64: 10>, scalar_prefetch = 0 : i64, scratch_operands = 0 : i64, tpu.core_type = #tpu.core_type<tc>, window_params = [{transform_indices = @transform_0, window_bounds = array<i64: 1000, 128>}, {transform_indices = @transform_1, window_bounds = array<i64: 1, 1, 1000>}, {pipeline_mode = #tpu.pipeline_mode<synchronous>, transform_indices = @transform_2, window_bounds = array<i64: 4, 128, 128>}, {pipeline_mode = #tpu.pipeline_mode<synchronous>, transform_indices = @transform_3, window_bounds = array<i64: 4, 1, 128>}, {pipeline_mode = #tpu.pipeline_mode<synchronous>, transform_indices = @transform_4, window_bounds = array<i64: 4, 64, 128>}, {pipeline_mode = #tpu.pipeline_mode<synchronous>, transform_indices = @transform_5, window_bounds = array<i64: 4, 128, 128>}, {pipeline_mode = #tpu.pipeline_mode<synchronous>, transform_indices = @transform_6, window_bounds = array<i64: 4, 1, 128>}, {pipeline_mode = #tpu.pipeline_mode<synchronous>, transform_indices = @transform_7, window_bounds = array<i64: 4, 64, 128>}, {pipeline_mode = #tpu.pipeline_mode<synchronous>, transform_indices = @transform_8, window_bounds = array<i64: 64, 128>}]} {
    %eq3A = arith.constant 0 : i32
    %eq3A_0 = arith.cmpi eq, %arg0, %eq3A : i32
    %convert_element_type3A = arith.extui %eq3A_0 : i1 to i32
    %cond3A = arith.constant 0 : i32
    %cond3A_1 = arith.cmpi ne, %convert_element_type3A, %cond3A : i32
    scf.if %cond3A_1 {
      %broadcast_in_dim3A_249 = arith.constant 0.000000e+00 : f32
      %broadcast_in_dim3A_250 = vector.broadcast %broadcast_in_dim3A_249 : f32 to vector<4x64x128xf32>
      %swap3A_251 = arith.constant 0 : index
      %swap3A_252 = arith.constant 0 : index
      %swap3A_253 = arith.constant 0 : index
      %swap3A_254 = vector.load %arg8[%swap3A_251, %swap3A_252, %swap3A_253] : memref<4x64x128xf32, #tpu.memory_space<vmem>>, vector<4x64x128xf32>
      tpu.vector_store %arg8[%swap3A_251, %swap3A_252, %swap3A_253], %broadcast_in_dim3A_250 {strides = array<i32>} : memref<4x64x128xf32, #tpu.memory_space<vmem>>, vector<4x64x128xf32>,
      %broadcast_in_dim3A_255 = arith.constant 0.000000e+00 : f32
      %broadcast_in_dim3A_256 = vector.broadcast %broadcast_in_dim3A_255 : f32 to vector<64x128xf32>
      %swap3A_257 = arith.constant 0 : index
      %swap3A_258 = arith.constant 0 : index
      %swap3A_259 = vector.load %arg9[%swap3A_257, %swap3A_258] : memref<64x128xf32, #tpu.memory_space<vmem>>, vector<64x128xf32>
      tpu.vector_store %arg9[%swap3A_257, %swap3A_258], %broadcast_in_dim3A_256 {strides = array<i32>} : memref<64x128xf32, #tpu.memory_space<vmem>>, vector<64x128xf32>,
    } else {
    }
    %get3A = arith.constant 0 : index
    %get3A_2 = arith.constant 0 : index
    %get3A_3 = vector.load %arg1[%get3A, %get3A_2] : memref<1000x128xf32, #tpu.memory_space<vmem>>, vector<1000x128xf32>
    %get3A_4 = arith.constant 0 : index
    %get3A_5 = arith.constant 0 : index
    %get3A_6 = arith.constant 0 : index
    %get3A_7 = vector.load %arg2[%get3A_4, %get3A_5, %get3A_6] : memref<1x1x1000xi32, #tpu.memory_space<vmem>>, vector<1x1x1000xi32>
    %get3A_8 = vector.shape_cast %get3A_7 : vector<1x1x1000xi32> to vector<1000xi32>
    %broadcast_in_dim3A = vector.shape_cast %get3A_8 : vector<1000xi32> to vector<1000x1xi32>
    %iota3A = tpu.iota {dimensions = array<i32: 1>} : vector<1000x64xi32>
    %eq3A_9 = vector.broadcast %broadcast_in_dim3A : vector<1000x1xi32> to vector<1000x64xi32>
    %eq3A_10 = arith.cmpi eq, %eq3A_9, %iota3A : vector<1000x64xi32>
    %convert_element_type3A_11 = arith.extui %eq3A_10 : vector<1000x64xi1> to vector<1000x64xi32>
    %convert_element_type3A_12 = arith.sitofp %convert_element_type3A_11 : vector<1000x64xi32> to vector<1000x64xf32>
    %get3A_13 = arith.constant 0 : index
    %get3A_14 = arith.constant 0 : index
    %get3A_15 = arith.constant 0 : index
    %get3A_16 = vector.load %arg3[%get3A_13, %get3A_14, %get3A_15] : memref<4x128x128xf32, #tpu.memory_space<vmem>>, vector<1x128x128xf32>
    %get3A_17 = vector.shape_cast %get3A_16 : vector<1x128x128xf32> to vector<128x128xf32>
    %dot_general3A = arith.constant dense<0.000000e+00> : vector<1000x128xf32>
    %dot_general3A_18 = tpu.matmul %get3A_3, %get3A_17, %dot_general3A {dimension_numbers = #tpu.dot_dimension_numbers<[1], [1], [0], [0], [0, 0, 1, 0], [], []>, transpose_lhs_hint = false} : vector<1000x128xf32>, vector<128x128xf32>, vector<1000x128xf32> -> vector<1000x128xf32>
    %get3A_19 = arith.constant 0 : index
    %get3A_20 = arith.constant 0 : index
    %get3A_21 = arith.constant 0 : index
    %get3A_22 = vector.load %arg4[%get3A_19, %get3A_20, %get3A_21] : memref<4x1x128xf32, #tpu.memory_space<vmem>>, vector<1x1x128xf32>
    %get3A_23 = vector.shape_cast %get3A_22 : vector<1x1x128xf32> to vector<1x128xf32>
    %add3A = vector.broadcast %get3A_23 : vector<1x128xf32> to vector<1000x128xf32>
    %add3A_24 = arith.addf %dot_general3A_18, %add3A : vector<1000x128xf32>
    %tanh3A = math.tanh %add3A_24 : vector<1000x128xf32>
    %get3A_25 = arith.constant 0 : index
    %get3A_26 = arith.constant 0 : index
    %get3A_27 = arith.constant 0 : index
    %get3A_28 = vector.load %arg5[%get3A_25, %get3A_26, %get3A_27] : memref<4x64x128xf32, #tpu.memory_space<vmem>>, vector<1x64x128xf32>
    %get3A_29 = vector.shape_cast %get3A_28 : vector<1x64x128xf32> to vector<64x128xf32>
    %dot_general3A_30 = arith.constant dense<0.000000e+00> : vector<1000x64xf32>
    %dot_general3A_31 = tpu.matmul %tanh3A, %get3A_29, %dot_general3A_30 {dimension_numbers = #tpu.dot_dimension_numbers<[1], [1], [0], [0], [0, 0, 1, 0], [], []>, transpose_lhs_hint = false} : vector<1000x128xf32>, vector<64x128xf32>, vector<1000x64xf32> -> vector<1000x64xf32>
    %mul3A = arith.mulf %dot_general3A_31, %convert_element_type3A_12 : vector<1000x64xf32>
    %reduce_sum3A = arith.constant dense<0.000000e+00> : vector<1000xf32>
    %reduce_sum3A_32 = vector.multi_reduction <add>, %mul3A, %reduce_sum3A [1] : vector<1000x64xf32> to vector<1000xf32>
    %exp3A = math.exp %reduce_sum3A_32 : vector<1000xf32>
    %get3A_33 = arith.constant 0 : index
    %get3A_34 = arith.constant 0 : index
    %get3A_35 = arith.constant 0 : index
    %get3A_36 = vector.load %arg6[%get3A_33, %get3A_34, %get3A_35] : memref<4x128x128xf32, #tpu.memory_space<vmem>>, vector<1x128x128xf32>
    %get3A_37 = vector.shape_cast %get3A_36 : vector<1x128x128xf32> to vector<128x128xf32>
    %dot_general3A_38 = arith.constant dense<0.000000e+00> : vector<1000x128xf32>
    %dot_general3A_39 = tpu.matmul %get3A_3, %get3A_37, %dot_general3A_38 {dimension_numbers = #tpu.dot_dimension_numbers<[1], [1], [0], [0], [0, 0, 1, 0], [], []>, transpose_lhs_hint = false} : vector<1000x128xf32>, vector<128x128xf32>, vector<1000x128xf32> -> vector<1000x128xf32>
    %get3A_40 = arith.constant 0 : index
    %get3A_41 = arith.constant 0 : index
    %get3A_42 = arith.constant 0 : index
    %get3A_43 = vector.load %arg7[%get3A_40, %get3A_41, %get3A_42] : memref<4x1x128xf32, #tpu.memory_space<vmem>>, vector<1x1x128xf32>
    %get3A_44 = vector.shape_cast %get3A_43 : vector<1x1x128xf32> to vector<1x128xf32>
    %add3A_45 = vector.broadcast %get3A_44 : vector<1x128xf32> to vector<1000x128xf32>
    %add3A_46 = arith.addf %dot_general3A_39, %add3A_45 : vector<1000x128xf32>
    %get3A_47 = arith.constant 0 : index
    %get3A_48 = arith.constant 0 : index
    %get3A_49 = arith.constant 0 : index
    %get3A_50 = vector.load %arg8[%get3A_47, %get3A_48, %get3A_49] : memref<4x64x128xf32, #tpu.memory_space<vmem>>, vector<1x64x128xf32>
    %get3A_51 = vector.shape_cast %get3A_50 : vector<1x64x128xf32> to vector<64x128xf32>
    %broadcast_in_dim3A_52 = vector.shape_cast %exp3A : vector<1000xf32> to vector<1000x1xf32>
    %mul3A_53 = vector.broadcast %broadcast_in_dim3A_52 : vector<1000x1xf32> to vector<1000x128xf32>
    %mul3A_54 = arith.mulf %add3A_46, %mul3A_53 : vector<1000x128xf32>
    %dot_general3A_55 = arith.constant dense<0.000000e+00> : vector<64x128xf32>
    %dot_general3A_56 = tpu.matmul %convert_element_type3A_12, %mul3A_54, %dot_general3A_55 {dimension_numbers = #tpu.dot_dimension_numbers<[0], [0], [1], [1], [0, 1, 1, 1], [], []>, transpose_lhs_hint = false} : vector<1000x64xf32>, vector<1000x128xf32>, vector<64x128xf32> -> vector<64x128xf32>
    %add3A_57 = arith.addf %get3A_51, %dot_general3A_56 : vector<64x128xf32>
    %swap3A = arith.constant 0 : index
    %swap3A_58 = arith.constant 0 : index
    %swap3A_59 = arith.constant 0 : index
    %swap3A_60 = vector.load %arg8[%swap3A, %swap3A_58, %swap3A_59] : memref<4x64x128xf32, #tpu.memory_space<vmem>>, vector<1x64x128xf32>
    %swap3A_61 = vector.shape_cast %swap3A_60 : vector<1x64x128xf32> to vector<64x128xf32>
    %swap3A_62 = vector.shape_cast %add3A_57 : vector<64x128xf32> to vector<1x64x128xf32>
    tpu.vector_store %arg8[%swap3A, %swap3A_58, %swap3A_59], %swap3A_62 {strides = array<i32>} : memref<4x64x128xf32, #tpu.memory_space<vmem>>, vector<1x64x128xf32>,
    %get3A_63 = arith.constant 1 : index
    %get3A_64 = arith.constant 0 : index
    %get3A_65 = arith.constant 0 : index
    %get3A_66 = vector.load %arg3[%get3A_63, %get3A_64, %get3A_65] : memref<4x128x128xf32, #tpu.memory_space<vmem>>, vector<1x128x128xf32>
    %get3A_67 = vector.shape_cast %get3A_66 : vector<1x128x128xf32> to vector<128x128xf32>
    %dot_general3A_68 = arith.constant dense<0.000000e+00> : vector<1000x128xf32>
    %dot_general3A_69 = tpu.matmul %get3A_3, %get3A_67, %dot_general3A_68 {dimension_numbers = #tpu.dot_dimension_numbers<[1], [1], [0], [0], [0, 0, 1, 0], [], []>, transpose_lhs_hint = false} : vector<1000x128xf32>, vector<128x128xf32>, vector<1000x128xf32> -> vector<1000x128xf32>
    %get3A_70 = arith.constant 1 : index
    %get3A_71 = arith.constant 0 : index
    %get3A_72 = arith.constant 0 : index
    %get3A_73 = vector.load %arg4[%get3A_70, %get3A_71, %get3A_72] : memref<4x1x128xf32, #tpu.memory_space<vmem>>, vector<1x1x128xf32>
    %get3A_74 = vector.shape_cast %get3A_73 : vector<1x1x128xf32> to vector<1x128xf32>
    %add3A_75 = vector.broadcast %get3A_74 : vector<1x128xf32> to vector<1000x128xf32>
    %add3A_76 = arith.addf %dot_general3A_69, %add3A_75 : vector<1000x128xf32>
    %tanh3A_77 = math.tanh %add3A_76 : vector<1000x128xf32>
    %get3A_78 = arith.constant 1 : index
    %get3A_79 = arith.constant 0 : index
    %get3A_80 = arith.constant 0 : index
    %get3A_81 = vector.load %arg5[%get3A_78, %get3A_79, %get3A_80] : memref<4x64x128xf32, #tpu.memory_space<vmem>>, vector<1x64x128xf32>
    %get3A_82 = vector.shape_cast %get3A_81 : vector<1x64x128xf32> to vector<64x128xf32>
    %dot_general3A_83 = arith.constant dense<0.000000e+00> : vector<1000x64xf32>
    %dot_general3A_84 = tpu.matmul %tanh3A_77, %get3A_82, %dot_general3A_83 {dimension_numbers = #tpu.dot_dimension_numbers<[1], [1], [0], [0], [0, 0, 1, 0], [], []>, transpose_lhs_hint = false} : vector<1000x128xf32>, vector<64x128xf32>, vector<1000x64xf32> -> vector<1000x64xf32>
    %mul3A_85 = arith.mulf %dot_general3A_84, %convert_element_type3A_12 : vector<1000x64xf32>
    %reduce_sum3A_86 = arith.constant dense<0.000000e+00> : vector<1000xf32>
    %reduce_sum3A_87 = vector.multi_reduction <add>, %mul3A_85, %reduce_sum3A_86 [1] : vector<1000x64xf32> to vector<1000xf32>
    %exp3A_88 = math.exp %reduce_sum3A_87 : vector<1000xf32>
    %get3A_89 = arith.constant 1 : index
    %get3A_90 = arith.constant 0 : index
    %get3A_91 = arith.constant 0 : index
    %get3A_92 = vector.load %arg6[%get3A_89, %get3A_90, %get3A_91] : memref<4x128x128xf32, #tpu.memory_space<vmem>>, vector<1x128x128xf32>
    %get3A_93 = vector.shape_cast %get3A_92 : vector<1x128x128xf32> to vector<128x128xf32>
    %dot_general3A_94 = arith.constant dense<0.000000e+00> : vector<1000x128xf32>
    %dot_general3A_95 = tpu.matmul %get3A_3, %get3A_93, %dot_general3A_94 {dimension_numbers = #tpu.dot_dimension_numbers<[1], [1], [0], [0], [0, 0, 1, 0], [], []>, transpose_lhs_hint = false} : vector<1000x128xf32>, vector<128x128xf32>, vector<1000x128xf32> -> vector<1000x128xf32>
    %get3A_96 = arith.constant 1 : index
    %get3A_97 = arith.constant 0 : index
    %get3A_98 = arith.constant 0 : index
    %get3A_99 = vector.load %arg7[%get3A_96, %get3A_97, %get3A_98] : memref<4x1x128xf32, #tpu.memory_space<vmem>>, vector<1x1x128xf32>
    %get3A_100 = vector.shape_cast %get3A_99 : vector<1x1x128xf32> to vector<1x128xf32>
    %add3A_101 = vector.broadcast %get3A_100 : vector<1x128xf32> to vector<1000x128xf32>
    %add3A_102 = arith.addf %dot_general3A_95, %add3A_101 : vector<1000x128xf32>
    %get3A_103 = arith.constant 1 : index
    %get3A_104 = arith.constant 0 : index
    %get3A_105 = arith.constant 0 : index
    %get3A_106 = vector.load %arg8[%get3A_103, %get3A_104, %get3A_105] : memref<4x64x128xf32, #tpu.memory_space<vmem>>, vector<1x64x128xf32>
    %get3A_107 = vector.shape_cast %get3A_106 : vector<1x64x128xf32> to vector<64x128xf32>
    %broadcast_in_dim3A_108 = vector.shape_cast %exp3A_88 : vector<1000xf32> to vector<1000x1xf32>
    %mul3A_109 = vector.broadcast %broadcast_in_dim3A_108 : vector<1000x1xf32> to vector<1000x128xf32>
    %mul3A_110 = arith.mulf %add3A_102, %mul3A_109 : vector<1000x128xf32>
    %dot_general3A_111 = arith.constant dense<0.000000e+00> : vector<64x128xf32>
    %dot_general3A_112 = tpu.matmul %convert_element_type3A_12, %mul3A_110, %dot_general3A_111 {dimension_numbers = #tpu.dot_dimension_numbers<[0], [0], [1], [1], [0, 1, 1, 1], [], []>, transpose_lhs_hint = false} : vector<1000x64xf32>, vector<1000x128xf32>, vector<64x128xf32> -> vector<64x128xf32>
    %add3A_113 = arith.addf %get3A_107, %dot_general3A_112 : vector<64x128xf32>
    %swap3A_114 = arith.constant 1 : index
    %swap3A_115 = arith.constant 0 : index
    %swap3A_116 = arith.constant 0 : index
    %swap3A_117 = vector.load %arg8[%swap3A_114, %swap3A_115, %swap3A_116] : memref<4x64x128xf32, #tpu.memory_space<vmem>>, vector<1x64x128xf32>
    %swap3A_118 = vector.shape_cast %swap3A_117 : vector<1x64x128xf32> to vector<64x128xf32>
    %swap3A_119 = vector.shape_cast %add3A_113 : vector<64x128xf32> to vector<1x64x128xf32>
    tpu.vector_store %arg8[%swap3A_114, %swap3A_115, %swap3A_116], %swap3A_119 {strides = array<i32>} : memref<4x64x128xf32, #tpu.memory_space<vmem>>, vector<1x64x128xf32>,
    %get3A_120 = arith.constant 2 : index
    %get3A_121 = arith.constant 0 : index
    %get3A_122 = arith.constant 0 : index
    %get3A_123 = vector.load %arg3[%get3A_120, %get3A_121, %get3A_122] : memref<4x128x128xf32, #tpu.memory_space<vmem>>, vector<1x128x128xf32>
    %get3A_124 = vector.shape_cast %get3A_123 : vector<1x128x128xf32> to vector<128x128xf32>
    %dot_general3A_125 = arith.constant dense<0.000000e+00> : vector<1000x128xf32>
    %dot_general3A_126 = tpu.matmul %get3A_3, %get3A_124, %dot_general3A_125 {dimension_numbers = #tpu.dot_dimension_numbers<[1], [1], [0], [0], [0, 0, 1, 0], [], []>, transpose_lhs_hint = false} : vector<1000x128xf32>, vector<128x128xf32>, vector<1000x128xf32> -> vector<1000x128xf32>
    %get3A_127 = arith.constant 2 : index
    %get3A_128 = arith.constant 0 : index
    %get3A_129 = arith.constant 0 : index
    %get3A_130 = vector.load %arg4[%get3A_127, %get3A_128, %get3A_129] : memref<4x1x128xf32, #tpu.memory_space<vmem>>, vector<1x1x128xf32>
    %get3A_131 = vector.shape_cast %get3A_130 : vector<1x1x128xf32> to vector<1x128xf32>
    %add3A_132 = vector.broadcast %get3A_131 : vector<1x128xf32> to vector<1000x128xf32>
    %add3A_133 = arith.addf %dot_general3A_126, %add3A_132 : vector<1000x128xf32>
    %tanh3A_134 = math.tanh %add3A_133 : vector<1000x128xf32>
    %get3A_135 = arith.constant 2 : index
    %get3A_136 = arith.constant 0 : index
    %get3A_137 = arith.constant 0 : index
    %get3A_138 = vector.load %arg5[%get3A_135, %get3A_136, %get3A_137] : memref<4x64x128xf32, #tpu.memory_space<vmem>>, vector<1x64x128xf32>
    %get3A_139 = vector.shape_cast %get3A_138 : vector<1x64x128xf32> to vector<64x128xf32>
    %dot_general3A_140 = arith.constant dense<0.000000e+00> : vector<1000x64xf32>
    %dot_general3A_141 = tpu.matmul %tanh3A_134, %get3A_139, %dot_general3A_140 {dimension_numbers = #tpu.dot_dimension_numbers<[1], [1], [0], [0], [0, 0, 1, 0], [], []>, transpose_lhs_hint = false} : vector<1000x128xf32>, vector<64x128xf32>, vector<1000x64xf32> -> vector<1000x64xf32>
    %mul3A_142 = arith.mulf %dot_general3A_141, %convert_element_type3A_12 : vector<1000x64xf32>
    %reduce_sum3A_143 = arith.constant dense<0.000000e+00> : vector<1000xf32>
    %reduce_sum3A_144 = vector.multi_reduction <add>, %mul3A_142, %reduce_sum3A_143 [1] : vector<1000x64xf32> to vector<1000xf32>
    %exp3A_145 = math.exp %reduce_sum3A_144 : vector<1000xf32>
    %get3A_146 = arith.constant 2 : index
    %get3A_147 = arith.constant 0 : index
    %get3A_148 = arith.constant 0 : index
    %get3A_149 = vector.load %arg6[%get3A_146, %get3A_147, %get3A_148] : memref<4x128x128xf32, #tpu.memory_space<vmem>>, vector<1x128x128xf32>
    %get3A_150 = vector.shape_cast %get3A_149 : vector<1x128x128xf32> to vector<128x128xf32>
    %dot_general3A_151 = arith.constant dense<0.000000e+00> : vector<1000x128xf32>
    %dot_general3A_152 = tpu.matmul %get3A_3, %get3A_150, %dot_general3A_151 {dimension_numbers = #tpu.dot_dimension_numbers<[1], [1], [0], [0], [0, 0, 1, 0], [], []>, transpose_lhs_hint = false} : vector<1000x128xf32>, vector<128x128xf32>, vector<1000x128xf32> -> vector<1000x128xf32>
    %get3A_153 = arith.constant 2 : index
    %get3A_154 = arith.constant 0 : index
    %get3A_155 = arith.constant 0 : index
    %get3A_156 = vector.load %arg7[%get3A_153, %get3A_154, %get3A_155] : memref<4x1x128xf32, #tpu.memory_space<vmem>>, vector<1x1x128xf32>
    %get3A_157 = vector.shape_cast %get3A_156 : vector<1x1x128xf32> to vector<1x128xf32>
    %add3A_158 = vector.broadcast %get3A_157 : vector<1x128xf32> to vector<1000x128xf32>
    %add3A_159 = arith.addf %dot_general3A_152, %add3A_158 : vector<1000x128xf32>
    %get3A_160 = arith.constant 2 : index
    %get3A_161 = arith.constant 0 : index
    %get3A_162 = arith.constant 0 : index
    %get3A_163 = vector.load %arg8[%get3A_160, %get3A_161, %get3A_162] : memref<4x64x128xf32, #tpu.memory_space<vmem>>, vector<1x64x128xf32>
    %get3A_164 = vector.shape_cast %get3A_163 : vector<1x64x128xf32> to vector<64x128xf32>
    %broadcast_in_dim3A_165 = vector.shape_cast %exp3A_145 : vector<1000xf32> to vector<1000x1xf32>
    %mul3A_166 = vector.broadcast %broadcast_in_dim3A_165 : vector<1000x1xf32> to vector<1000x128xf32>
    %mul3A_167 = arith.mulf %add3A_159, %mul3A_166 : vector<1000x128xf32>
    %dot_general3A_168 = arith.constant dense<0.000000e+00> : vector<64x128xf32>
    %dot_general3A_169 = tpu.matmul %convert_element_type3A_12, %mul3A_167, %dot_general3A_168 {dimension_numbers = #tpu.dot_dimension_numbers<[0], [0], [1], [1], [0, 1, 1, 1], [], []>, transpose_lhs_hint = false} : vector<1000x64xf32>, vector<1000x128xf32>, vector<64x128xf32> -> vector<64x128xf32>
    %add3A_170 = arith.addf %get3A_164, %dot_general3A_169 : vector<64x128xf32>
    %swap3A_171 = arith.constant 2 : index
    %swap3A_172 = arith.constant 0 : index
    %swap3A_173 = arith.constant 0 : index
    %swap3A_174 = vector.load %arg8[%swap3A_171, %swap3A_172, %swap3A_173] : memref<4x64x128xf32, #tpu.memory_space<vmem>>, vector<1x64x128xf32>
    %swap3A_175 = vector.shape_cast %swap3A_174 : vector<1x64x128xf32> to vector<64x128xf32>
    %swap3A_176 = vector.shape_cast %add3A_170 : vector<64x128xf32> to vector<1x64x128xf32>
    tpu.vector_store %arg8[%swap3A_171, %swap3A_172, %swap3A_173], %swap3A_176 {strides = array<i32>} : memref<4x64x128xf32, #tpu.memory_space<vmem>>, vector<1x64x128xf32>,
    %get3A_177 = arith.constant 3 : index
    %get3A_178 = arith.constant 0 : index
    %get3A_179 = arith.constant 0 : index
    %get3A_180 = vector.load %arg3[%get3A_177, %get3A_178, %get3A_179] : memref<4x128x128xf32, #tpu.memory_space<vmem>>, vector<1x128x128xf32>
    %get3A_181 = vector.shape_cast %get3A_180 : vector<1x128x128xf32> to vector<128x128xf32>
    %dot_general3A_182 = arith.constant dense<0.000000e+00> : vector<1000x128xf32>
    %dot_general3A_183 = tpu.matmul %get3A_3, %get3A_181, %dot_general3A_182 {dimension_numbers = #tpu.dot_dimension_numbers<[1], [1], [0], [0], [0, 0, 1, 0], [], []>, transpose_lhs_hint = false} : vector<1000x128xf32>, vector<128x128xf32>, vector<1000x128xf32> -> vector<1000x128xf32>
    %get3A_184 = arith.constant 3 : index
    %get3A_185 = arith.constant 0 : index
    %get3A_186 = arith.constant 0 : index
    %get3A_187 = vector.load %arg4[%get3A_184, %get3A_185, %get3A_186] : memref<4x1x128xf32, #tpu.memory_space<vmem>>, vector<1x1x128xf32>
    %get3A_188 = vector.shape_cast %get3A_187 : vector<1x1x128xf32> to vector<1x128xf32>
    %add3A_189 = vector.broadcast %get3A_188 : vector<1x128xf32> to vector<1000x128xf32>
    %add3A_190 = arith.addf %dot_general3A_183, %add3A_189 : vector<1000x128xf32>
    %tanh3A_191 = math.tanh %add3A_190 : vector<1000x128xf32>
    %get3A_192 = arith.constant 3 : index
    %get3A_193 = arith.constant 0 : index
    %get3A_194 = arith.constant 0 : index
    %get3A_195 = vector.load %arg5[%get3A_192, %get3A_193, %get3A_194] : memref<4x64x128xf32, #tpu.memory_space<vmem>>, vector<1x64x128xf32>
    %get3A_196 = vector.shape_cast %get3A_195 : vector<1x64x128xf32> to vector<64x128xf32>
    %dot_general3A_197 = arith.constant dense<0.000000e+00> : vector<1000x64xf32>
    %dot_general3A_198 = tpu.matmul %tanh3A_191, %get3A_196, %dot_general3A_197 {dimension_numbers = #tpu.dot_dimension_numbers<[1], [1], [0], [0], [0, 0, 1, 0], [], []>, transpose_lhs_hint = false} : vector<1000x128xf32>, vector<64x128xf32>, vector<1000x64xf32> -> vector<1000x64xf32>
    %mul3A_199 = arith.mulf %dot_general3A_198, %convert_element_type3A_12 : vector<1000x64xf32>
    %reduce_sum3A_200 = arith.constant dense<0.000000e+00> : vector<1000xf32>
    %reduce_sum3A_201 = vector.multi_reduction <add>, %mul3A_199, %reduce_sum3A_200 [1] : vector<1000x64xf32> to vector<1000xf32>
    %exp3A_202 = math.exp %reduce_sum3A_201 : vector<1000xf32>
    %get3A_203 = arith.constant 3 : index
    %get3A_204 = arith.constant 0 : index
    %get3A_205 = arith.constant 0 : index
    %get3A_206 = vector.load %arg6[%get3A_203, %get3A_204, %get3A_205] : memref<4x128x128xf32, #tpu.memory_space<vmem>>, vector<1x128x128xf32>
    %get3A_207 = vector.shape_cast %get3A_206 : vector<1x128x128xf32> to vector<128x128xf32>
    %dot_general3A_208 = arith.constant dense<0.000000e+00> : vector<1000x128xf32>
    %dot_general3A_209 = tpu.matmul %get3A_3, %get3A_207, %dot_general3A_208 {dimension_numbers = #tpu.dot_dimension_numbers<[1], [1], [0], [0], [0, 0, 1, 0], [], []>, transpose_lhs_hint = false} : vector<1000x128xf32>, vector<128x128xf32>, vector<1000x128xf32> -> vector<1000x128xf32>
    %get3A_210 = arith.constant 3 : index
    %get3A_211 = arith.constant 0 : index
    %get3A_212 = arith.constant 0 : index
    %get3A_213 = vector.load %arg7[%get3A_210, %get3A_211, %get3A_212] : memref<4x1x128xf32, #tpu.memory_space<vmem>>, vector<1x1x128xf32>
    %get3A_214 = vector.shape_cast %get3A_213 : vector<1x1x128xf32> to vector<1x128xf32>
    %add3A_215 = vector.broadcast %get3A_214 : vector<1x128xf32> to vector<1000x128xf32>
    %add3A_216 = arith.addf %dot_general3A_209, %add3A_215 : vector<1000x128xf32>
    %get3A_217 = arith.constant 3 : index
    %get3A_218 = arith.constant 0 : index
    %get3A_219 = arith.constant 0 : index
    %get3A_220 = vector.load %arg8[%get3A_217, %get3A_218, %get3A_219] : memref<4x64x128xf32, #tpu.memory_space<vmem>>, vector<1x64x128xf32>
    %get3A_221 = vector.shape_cast %get3A_220 : vector<1x64x128xf32> to vector<64x128xf32>
    %broadcast_in_dim3A_222 = vector.shape_cast %exp3A_202 : vector<1000xf32> to vector<1000x1xf32>
    %mul3A_223 = vector.broadcast %broadcast_in_dim3A_222 : vector<1000x1xf32> to vector<1000x128xf32>
    %mul3A_224 = arith.mulf %add3A_216, %mul3A_223 : vector<1000x128xf32>
    %dot_general3A_225 = arith.constant dense<0.000000e+00> : vector<64x128xf32>
    %dot_general3A_226 = tpu.matmul %convert_element_type3A_12, %mul3A_224, %dot_general3A_225 {dimension_numbers = #tpu.dot_dimension_numbers<[0], [0], [1], [1], [0, 1, 1, 1], [], []>, transpose_lhs_hint = false} : vector<1000x64xf32>, vector<1000x128xf32>, vector<64x128xf32> -> vector<64x128xf32>
    %add3A_227 = arith.addf %get3A_221, %dot_general3A_226 : vector<64x128xf32>
    %swap3A_228 = arith.constant 3 : index
    %swap3A_229 = arith.constant 0 : index
    %swap3A_230 = arith.constant 0 : index
    %swap3A_231 = vector.load %arg8[%swap3A_228, %swap3A_229, %swap3A_230] : memref<4x64x128xf32, #tpu.memory_space<vmem>>, vector<1x64x128xf32>
    %swap3A_232 = vector.shape_cast %swap3A_231 : vector<1x64x128xf32> to vector<64x128xf32>
    %swap3A_233 = vector.shape_cast %add3A_227 : vector<64x128xf32> to vector<1x64x128xf32>
    tpu.vector_store %arg8[%swap3A_228, %swap3A_229, %swap3A_230], %swap3A_233 {strides = array<i32>} : memref<4x64x128xf32, #tpu.memory_space<vmem>>, vector<1x64x128xf32>,
    %stack3A = vector.shape_cast %exp3A : vector<1000xf32> to vector<1000x1xf32>
    %stack3A_234 = vector.shape_cast %exp3A_88 : vector<1000xf32> to vector<1000x1xf32>
    %stack3A_235 = vector.shape_cast %exp3A_145 : vector<1000xf32> to vector<1000x1xf32>
    %stack3A_236 = vector.shape_cast %exp3A_202 : vector<1000xf32> to vector<1000x1xf32>
    %stack3A_237 = tpu.concatenate %stack3A, %stack3A_234, %stack3A_235, %stack3A_236 in 1 : vector<1000x1xf32>, vector<1000x1xf32>, vector<1000x1xf32>, vector<1000x1xf32> -> vector<1000x4xf32>
    %broadcast_in_dim3A_238 = arith.constant 0.000000e+00 : f32
    %broadcast_in_dim3A_239 = vector.broadcast %broadcast_in_dim3A_238 : f32 to vector<1000x124xf32>
    %concatenate3A = tpu.concatenate %stack3A_237, %broadcast_in_dim3A_239 in 1 : vector<1000x4xf32>, vector<1000x124xf32> -> vector<1000x128xf32>
    %get3A_240 = arith.constant 0 : index
    %get3A_241 = arith.constant 0 : index
    %get3A_242 = vector.load %arg9[%get3A_240, %get3A_241] : memref<64x128xf32, #tpu.memory_space<vmem>>, vector<64x128xf32>
    %dot_general3A_243 = arith.constant dense<0.000000e+00> : vector<64x128xf32>
    %dot_general3A_244 = tpu.matmul %convert_element_type3A_12, %concatenate3A, %dot_general3A_243 {dimension_numbers = #tpu.dot_dimension_numbers<[0], [0], [1], [1], [0, 1, 1, 1], [], []>, transpose_lhs_hint = false} : vector<1000x64xf32>, vector<1000x128xf32>, vector<64x128xf32> -> vector<64x128xf32>
    %add3A_245 = arith.addf %get3A_242, %dot_general3A_244 : vector<64x128xf32>
    %swap3A_246 = arith.constant 0 : index
    %swap3A_247 = arith.constant 0 : index
    %swap3A_248 = vector.load %arg9[%swap3A_246, %swap3A_247] : memref<64x128xf32, #tpu.memory_space<vmem>>, vector<64x128xf32>
    tpu.vector_store %arg9[%swap3A_246, %swap3A_247], %add3A_245 {strides = array<i32>} : memref<64x128xf32, #tpu.memory_space<vmem>>, vector<64x128xf32>,
    return
  }
  func.func @transform_0(%arg0: i32) -> (i32, i32) {
    %c0_i32 = arith.constant 0 : i32
    %c0_i32_0 = arith.constant 0 : i32
    return %arg0, %c0_i32 : i32, i32
  }
  func.func @transform_1(%arg0: i32) -> (i32, i32, i32) {
    %c0_i32 = arith.constant 0 : i32
    %c0_i32_0 = arith.constant 0 : i32
    %c0_i32_1 = arith.constant 0 : i32
    return %arg0, %c0_i32, %c0_i32_0 : i32, i32, i32
  }
  func.func @transform_2(%arg0: i32) -> (i32, i32, i32) {
    %c0_i32 = arith.constant 0 : i32
    %c0_i32_0 = arith.constant 0 : i32
    %c0_i32_1 = arith.constant 0 : i32
    %c0_i32_2 = arith.constant 0 : i32
    return %c0_i32, %c0_i32_0, %c0_i32_1 : i32, i32, i32
  }
  func.func @transform_3(%arg0: i32) -> (i32, i32, i32) {
    %c0_i32 = arith.constant 0 : i32
    %c0_i32_0 = arith.constant 0 : i32
    %c0_i32_1 = arith.constant 0 : i32
    %c0_i32_2 = arith.constant 0 : i32
    return %c0_i32, %c0_i32_0, %c0_i32_1 : i32, i32, i32
  }
  func.func @transform_4(%arg0: i32) -> (i32, i32, i32) {
    %c0_i32 = arith.constant 0 : i32
    %c0_i32_0 = arith.constant 0 : i32
    %c0_i32_1 = arith.constant 0 : i32
    %c0_i32_2 = arith.constant 0 : i32
    return %c0_i32, %c0_i32_0, %c0_i32_1 : i32, i32, i32
  }
  func.func @transform_5(%arg0: i32) -> (i32, i32, i32) {
    %c0_i32 = arith.constant 0 : i32
    %c0_i32_0 = arith.constant 0 : i32
    %c0_i32_1 = arith.constant 0 : i32
    %c0_i32_2 = arith.constant 0 : i32
    return %c0_i32, %c0_i32_0, %c0_i32_1 : i32, i32, i32
  }
  func.func @transform_6(%arg0: i32) -> (i32, i32, i32) {
    %c0_i32 = arith.constant 0 : i32
    %c0_i32_0 = arith.constant 0 : i32
    %c0_i32_1 = arith.constant 0 : i32
    %c0_i32_2 = arith.constant 0 : i32
    return %c0_i32, %c0_i32_0, %c0_i32_1 : i32, i32, i32
  }
  func.func @transform_7(%arg0: i32) -> (i32, i32, i32) {
    %c0_i32 = arith.constant 0 : i32
    %c0_i32_0 = arith.constant 0 : i32
    %c0_i32_1 = arith.constant 0 : i32
    %c0_i32_2 = arith.constant 0 : i32
    return %c0_i32, %c0_i32_0, %c0_i32_1 : i32, i32, i32
  }
  func.func @transform_8(%arg0: i32) -> (i32, i32) {
    %c0_i32 = arith.constant 0 : i32
    %c0_i32_0 = arith.constant 0 : i32
    %c0_i32_1 = arith.constant 0 : i32
    return %c0_i32, %c0_i32_0 : i32, i32
  }
}

module attributes {stable_mosaic.version = 14 : i64} {
  func.func @body(%arg0: memref<4x64x128xf32, #tpu.memory_space<vmem>>, %arg1: memref<64x128xf32, #tpu.memory_space<vmem>>, %arg2: memref<64x128xf32, #tpu.memory_space<vmem>>, %arg3: memref<64x128xf32, #tpu.memory_space<vmem>>, %arg4: memref<128x512xf32, #tpu.memory_space<vmem>>, %arg5: memref<1x128xf32, #tpu.memory_space<vmem>>, %arg6: memref<128x128xf32, #tpu.memory_space<vmem>>, %arg7: memref<1x128xf32, #tpu.memory_space<vmem>>, %arg8: memref<128x128xf32, #tpu.memory_space<vmem>>, %arg9: memref<1x128xf32, #tpu.memory_space<vmem>>, %arg10: memref<384x128xf32, #tpu.memory_space<vmem>>, %arg11: memref<1x384xf32, #tpu.memory_space<vmem>>, %arg12: memref<384x128xf32, #tpu.memory_space<vmem>>, %arg13: memref<1x384xf32, #tpu.memory_space<vmem>>, %arg14: memref<64x128xf32, #tpu.memory_space<vmem>>) attributes {dimension_semantics = [], scalar_prefetch = 0 : i64, scratch_operands = 0 : i64, tpu.core_type = #tpu.core_type<tc>} {
    %get3A = arith.constant 0 : index
    %get3A_0 = arith.constant 0 : index
    %get3A_1 = vector.load %arg1[%get3A, %get3A_0] : memref<64x128xf32, #tpu.memory_space<vmem>>, vector<64x128xf32>
    %slice3A = vector.extract_strided_slice %get3A_1 {offsets = [0, 0], sizes = [64, 1], strides = [1, 1]} : vector<64x128xf32> to vector<64x1xf32>
    %get3A_2 = arith.constant 0 : index
    %get3A_3 = arith.constant 0 : index
    %get3A_4 = arith.constant 0 : index
    %get3A_5 = vector.load %arg0[%get3A_2, %get3A_3, %get3A_4] : memref<4x64x128xf32, #tpu.memory_space<vmem>>, vector<1x64x128xf32>
    %get3A_6 = vector.shape_cast %get3A_5 : vector<1x64x128xf32> to vector<64x128xf32>
    %gt3A = arith.constant 0.000000e+00 : f32
    %gt3A_7 = vector.broadcast %gt3A : f32 to vector<64x1xf32>
    %gt3A_8 = arith.cmpf ogt, %slice3A, %gt3A_7 : vector<64x1xf32>
    %jit3A = arith.constant 1.000000e+00 : f32
    %broadcast_in_dim3A = vector.broadcast %jit3A : f32 to vector<64x1xf32>
    %select_n3A = arith.select %gt3A_8, %slice3A, %broadcast_in_dim3A : vector<64x1xi1>, vector<64x1xf32>
    %div3A = vector.broadcast %select_n3A : vector<64x1xf32> to vector<64x128xf32>
    %div3A_9 = arith.divf %get3A_6, %div3A : vector<64x128xf32>
    %slice3A_10 = vector.extract_strided_slice %get3A_1 {offsets = [0, 1], sizes = [64, 1], strides = [1, 1]} : vector<64x128xf32> to vector<64x1xf32>
    %get3A_11 = arith.constant 1 : index
    %get3A_12 = arith.constant 0 : index
    %get3A_13 = arith.constant 0 : index
    %get3A_14 = vector.load %arg0[%get3A_11, %get3A_12, %get3A_13] : memref<4x64x128xf32, #tpu.memory_space<vmem>>, vector<1x64x128xf32>
    %get3A_15 = vector.shape_cast %get3A_14 : vector<1x64x128xf32> to vector<64x128xf32>
    %gt3A_16 = arith.constant 0.000000e+00 : f32
    %gt3A_17 = vector.broadcast %gt3A_16 : f32 to vector<64x1xf32>
    %gt3A_18 = arith.cmpf ogt, %slice3A_10, %gt3A_17 : vector<64x1xf32>
    %jit3A_19 = arith.constant 1.000000e+00 : f32
    %broadcast_in_dim3A_20 = vector.broadcast %jit3A_19 : f32 to vector<64x1xf32>
    %select_n3A_21 = arith.select %gt3A_18, %slice3A_10, %broadcast_in_dim3A_20 : vector<64x1xi1>, vector<64x1xf32>
    %div3A_22 = vector.broadcast %select_n3A_21 : vector<64x1xf32> to vector<64x128xf32>
    %div3A_23 = arith.divf %get3A_15, %div3A_22 : vector<64x128xf32>
    %slice3A_24 = vector.extract_strided_slice %get3A_1 {offsets = [0, 2], sizes = [64, 1], strides = [1, 1]} : vector<64x128xf32> to vector<64x1xf32>
    %get3A_25 = arith.constant 2 : index
    %get3A_26 = arith.constant 0 : index
    %get3A_27 = arith.constant 0 : index
    %get3A_28 = vector.load %arg0[%get3A_25, %get3A_26, %get3A_27] : memref<4x64x128xf32, #tpu.memory_space<vmem>>, vector<1x64x128xf32>
    %get3A_29 = vector.shape_cast %get3A_28 : vector<1x64x128xf32> to vector<64x128xf32>
    %gt3A_30 = arith.constant 0.000000e+00 : f32
    %gt3A_31 = vector.broadcast %gt3A_30 : f32 to vector<64x1xf32>
    %gt3A_32 = arith.cmpf ogt, %slice3A_24, %gt3A_31 : vector<64x1xf32>
    %jit3A_33 = arith.constant 1.000000e+00 : f32
    %broadcast_in_dim3A_34 = vector.broadcast %jit3A_33 : f32 to vector<64x1xf32>
    %select_n3A_35 = arith.select %gt3A_32, %slice3A_24, %broadcast_in_dim3A_34 : vector<64x1xi1>, vector<64x1xf32>
    %div3A_36 = vector.broadcast %select_n3A_35 : vector<64x1xf32> to vector<64x128xf32>
    %div3A_37 = arith.divf %get3A_29, %div3A_36 : vector<64x128xf32>
    %slice3A_38 = vector.extract_strided_slice %get3A_1 {offsets = [0, 3], sizes = [64, 1], strides = [1, 1]} : vector<64x128xf32> to vector<64x1xf32>
    %get3A_39 = arith.constant 3 : index
    %get3A_40 = arith.constant 0 : index
    %get3A_41 = arith.constant 0 : index
    %get3A_42 = vector.load %arg0[%get3A_39, %get3A_40, %get3A_41] : memref<4x64x128xf32, #tpu.memory_space<vmem>>, vector<1x64x128xf32>
    %get3A_43 = vector.shape_cast %get3A_42 : vector<1x64x128xf32> to vector<64x128xf32>
    %gt3A_44 = arith.constant 0.000000e+00 : f32
    %gt3A_45 = vector.broadcast %gt3A_44 : f32 to vector<64x1xf32>
    %gt3A_46 = arith.cmpf ogt, %slice3A_38, %gt3A_45 : vector<64x1xf32>
    %jit3A_47 = arith.constant 1.000000e+00 : f32
    %broadcast_in_dim3A_48 = vector.broadcast %jit3A_47 : f32 to vector<64x1xf32>
    %select_n3A_49 = arith.select %gt3A_46, %slice3A_38, %broadcast_in_dim3A_48 : vector<64x1xi1>, vector<64x1xf32>
    %div3A_50 = vector.broadcast %select_n3A_49 : vector<64x1xf32> to vector<64x128xf32>
    %div3A_51 = arith.divf %get3A_43, %div3A_50 : vector<64x128xf32>
    %concatenate3A = tpu.concatenate %div3A_9, %div3A_23, %div3A_37, %div3A_51 in 1 : vector<64x128xf32>, vector<64x128xf32>, vector<64x128xf32>, vector<64x128xf32> -> vector<64x512xf32>
    %get3A_52 = arith.constant 0 : index
    %get3A_53 = arith.constant 0 : index
    %get3A_54 = vector.load %arg4[%get3A_52, %get3A_53] : memref<128x512xf32, #tpu.memory_space<vmem>>, vector<128x512xf32>
    %dot_general3A = arith.constant dense<0.000000e+00> : vector<64x128xf32>
    %dot_general3A_55 = tpu.matmul %concatenate3A, %get3A_54, %dot_general3A {dimension_numbers = #tpu.dot_dimension_numbers<[1], [1], [0], [0], [0, 0, 1, 0], [], []>, transpose_lhs_hint = false} : vector<64x512xf32>, vector<128x512xf32>, vector<64x128xf32> -> vector<64x128xf32>
    %get3A_56 = arith.constant 0 : index
    %get3A_57 = arith.constant 0 : index
    %get3A_58 = vector.load %arg5[%get3A_56, %get3A_57] : memref<1x128xf32, #tpu.memory_space<vmem>>, vector<1x128xf32>
    %add3A = vector.broadcast %get3A_58 : vector<1x128xf32> to vector<64x128xf32>
    %add3A_59 = arith.addf %dot_general3A_55, %add3A : vector<64x128xf32>
    %tanh3A = math.tanh %add3A_59 : vector<64x128xf32>
    %get3A_60 = arith.constant 0 : index
    %get3A_61 = arith.constant 0 : index
    %get3A_62 = vector.load %arg2[%get3A_60, %get3A_61] : memref<64x128xf32, #tpu.memory_space<vmem>>, vector<64x128xf32>
    %get3A_63 = arith.constant 0 : index
    %get3A_64 = arith.constant 0 : index
    %get3A_65 = vector.load %arg6[%get3A_63, %get3A_64] : memref<128x128xf32, #tpu.memory_space<vmem>>, vector<128x128xf32>
    %dot_general3A_66 = arith.constant dense<0.000000e+00> : vector<64x128xf32>
    %dot_general3A_67 = tpu.matmul %get3A_62, %get3A_65, %dot_general3A_66 {dimension_numbers = #tpu.dot_dimension_numbers<[1], [1], [0], [0], [0, 0, 1, 0], [], []>, transpose_lhs_hint = false} : vector<64x128xf32>, vector<128x128xf32>, vector<64x128xf32> -> vector<64x128xf32>
    %get3A_68 = arith.constant 0 : index
    %get3A_69 = arith.constant 0 : index
    %get3A_70 = vector.load %arg7[%get3A_68, %get3A_69] : memref<1x128xf32, #tpu.memory_space<vmem>>, vector<1x128xf32>
    %add3A_71 = vector.broadcast %get3A_70 : vector<1x128xf32> to vector<64x128xf32>
    %add3A_72 = arith.addf %dot_general3A_67, %add3A_71 : vector<64x128xf32>
    %get3A_73 = arith.constant 0 : index
    %get3A_74 = arith.constant 0 : index
    %get3A_75 = vector.load %arg8[%get3A_73, %get3A_74] : memref<128x128xf32, #tpu.memory_space<vmem>>, vector<128x128xf32>
    %dot_general3A_76 = arith.constant dense<0.000000e+00> : vector<64x128xf32>
    %dot_general3A_77 = tpu.matmul %tanh3A, %get3A_75, %dot_general3A_76 {dimension_numbers = #tpu.dot_dimension_numbers<[1], [1], [0], [0], [0, 0, 1, 0], [], []>, transpose_lhs_hint = false} : vector<64x128xf32>, vector<128x128xf32>, vector<64x128xf32> -> vector<64x128xf32>
    %add3A_78 = arith.addf %add3A_72, %dot_general3A_77 : vector<64x128xf32>
    %get3A_79 = arith.constant 0 : index
    %get3A_80 = arith.constant 0 : index
    %get3A_81 = vector.load %arg9[%get3A_79, %get3A_80] : memref<1x128xf32, #tpu.memory_space<vmem>>, vector<1x128xf32>
    %add3A_82 = vector.broadcast %get3A_81 : vector<1x128xf32> to vector<64x128xf32>
    %add3A_83 = arith.addf %add3A_78, %add3A_82 : vector<64x128xf32>
    %logistic3A = arith.negf %add3A_83 : vector<64x128xf32>
    %logistic3A_84 = math.exp %logistic3A : vector<64x128xf32>
    %logistic3A_85 = arith.constant 1.000000e+00 : f32
    %logistic3A_86 = vector.broadcast %logistic3A_85 : f32 to vector<64x128xf32>
    %logistic3A_87 = arith.addf %logistic3A_86, %logistic3A_84 : vector<64x128xf32>
    %logistic3A_88 = arith.divf %logistic3A_86, %logistic3A_87 : vector<64x128xf32>
    %mul3A = arith.mulf %logistic3A_88, %tanh3A : vector<64x128xf32>
    %sub3A = arith.constant 1.000000e+00 : f32
    %sub3A_89 = vector.broadcast %sub3A : f32 to vector<64x128xf32>
    %sub3A_90 = arith.subf %sub3A_89, %logistic3A_88 : vector<64x128xf32>
    %mul3A_91 = arith.mulf %sub3A_90, %get3A_62 : vector<64x128xf32>
    %add3A_92 = arith.addf %mul3A, %mul3A_91 : vector<64x128xf32>
    %get3A_93 = arith.constant 0 : index
    %get3A_94 = arith.constant 0 : index
    %get3A_95 = vector.load %arg3[%get3A_93, %get3A_94] : memref<64x128xf32, #tpu.memory_space<vmem>>, vector<64x128xf32>
    %get3A_96 = arith.constant 0 : index
    %get3A_97 = arith.constant 0 : index
    %get3A_98 = vector.load %arg10[%get3A_96, %get3A_97] : memref<384x128xf32, #tpu.memory_space<vmem>>, vector<384x128xf32>
    %dot_general3A_99 = arith.constant dense<0.000000e+00> : vector<64x384xf32>
    %dot_general3A_100 = tpu.matmul %get3A_95, %get3A_98, %dot_general3A_99 {dimension_numbers = #tpu.dot_dimension_numbers<[1], [1], [0], [0], [0, 0, 1, 0], [], []>, transpose_lhs_hint = false} : vector<64x128xf32>, vector<384x128xf32>, vector<64x384xf32> -> vector<64x384xf32>
    %get3A_101 = arith.constant 0 : index
    %get3A_102 = arith.constant 0 : index
    %get3A_103 = vector.load %arg11[%get3A_101, %get3A_102] : memref<1x384xf32, #tpu.memory_space<vmem>>, vector<1x384xf32>
    %add3A_104 = vector.broadcast %get3A_103 : vector<1x384xf32> to vector<64x384xf32>
    %add3A_105 = arith.addf %dot_general3A_100, %add3A_104 : vector<64x384xf32>
    %get3A_106 = arith.constant 0 : index
    %get3A_107 = arith.constant 0 : index
    %get3A_108 = vector.load %arg12[%get3A_106, %get3A_107] : memref<384x128xf32, #tpu.memory_space<vmem>>, vector<384x128xf32>
    %dot_general3A_109 = arith.constant dense<0.000000e+00> : vector<64x384xf32>
    %dot_general3A_110 = tpu.matmul %add3A_92, %get3A_108, %dot_general3A_109 {dimension_numbers = #tpu.dot_dimension_numbers<[1], [1], [0], [0], [0, 0, 1, 0], [], []>, transpose_lhs_hint = false} : vector<64x128xf32>, vector<384x128xf32>, vector<64x384xf32> -> vector<64x384xf32>
    %get3A_111 = arith.constant 0 : index
    %get3A_112 = arith.constant 0 : index
    %get3A_113 = vector.load %arg13[%get3A_111, %get3A_112] : memref<1x384xf32, #tpu.memory_space<vmem>>, vector<1x384xf32>
    %add3A_114 = vector.broadcast %get3A_113 : vector<1x384xf32> to vector<64x384xf32>
    %add3A_115 = arith.addf %dot_general3A_110, %add3A_114 : vector<64x384xf32>
    %slice3A_116 = vector.extract_strided_slice %add3A_105 {offsets = [0, 0], sizes = [64, 128], strides = [1, 1]} : vector<64x384xf32> to vector<64x128xf32>
    %slice3A_117 = vector.extract_strided_slice %add3A_115 {offsets = [0, 0], sizes = [64, 128], strides = [1, 1]} : vector<64x384xf32> to vector<64x128xf32>
    %add3A_118 = arith.addf %slice3A_116, %slice3A_117 : vector<64x128xf32>
    %logistic3A_119 = arith.negf %add3A_118 : vector<64x128xf32>
    %logistic3A_120 = math.exp %logistic3A_119 : vector<64x128xf32>
    %logistic3A_121 = arith.constant 1.000000e+00 : f32
    %logistic3A_122 = vector.broadcast %logistic3A_121 : f32 to vector<64x128xf32>
    %logistic3A_123 = arith.addf %logistic3A_122, %logistic3A_120 : vector<64x128xf32>
    %logistic3A_124 = arith.divf %logistic3A_122, %logistic3A_123 : vector<64x128xf32>
    %slice3A_125 = vector.extract_strided_slice %add3A_105 {offsets = [0, 128], sizes = [64, 128], strides = [1, 1]} : vector<64x384xf32> to vector<64x128xf32>
    %slice3A_126 = vector.extract_strided_slice %add3A_115 {offsets = [0, 128], sizes = [64, 128], strides = [1, 1]} : vector<64x384xf32> to vector<64x128xf32>
    %add3A_127 = arith.addf %slice3A_125, %slice3A_126 : vector<64x128xf32>
    %logistic3A_128 = arith.negf %add3A_127 : vector<64x128xf32>
    %logistic3A_129 = math.exp %logistic3A_128 : vector<64x128xf32>
    %logistic3A_130 = arith.constant 1.000000e+00 : f32
    %logistic3A_131 = vector.broadcast %logistic3A_130 : f32 to vector<64x128xf32>
    %logistic3A_132 = arith.addf %logistic3A_131, %logistic3A_129 : vector<64x128xf32>
    %logistic3A_133 = arith.divf %logistic3A_131, %logistic3A_132 : vector<64x128xf32>
    %slice3A_134 = vector.extract_strided_slice %add3A_105 {offsets = [0, 256], sizes = [64, 128], strides = [1, 1]} : vector<64x384xf32> to vector<64x128xf32>
    %slice3A_135 = vector.extract_strided_slice %add3A_115 {offsets = [0, 256], sizes = [64, 128], strides = [1, 1]} : vector<64x384xf32> to vector<64x128xf32>
    %mul3A_136 = arith.mulf %logistic3A_124, %slice3A_135 : vector<64x128xf32>
    %add3A_137 = arith.addf %slice3A_134, %mul3A_136 : vector<64x128xf32>
    %tanh3A_138 = math.tanh %add3A_137 : vector<64x128xf32>
    %sub3A_139 = arith.constant 1.000000e+00 : f32
    %sub3A_140 = vector.broadcast %sub3A_139 : f32 to vector<64x128xf32>
    %sub3A_141 = arith.subf %sub3A_140, %logistic3A_133 : vector<64x128xf32>
    %mul3A_142 = arith.mulf %sub3A_141, %tanh3A_138 : vector<64x128xf32>
    %mul3A_143 = arith.mulf %logistic3A_133, %add3A_92 : vector<64x128xf32>
    %add3A_144 = arith.addf %mul3A_142, %mul3A_143 : vector<64x128xf32>
    %swap3A = arith.constant 0 : index
    %swap3A_145 = arith.constant 0 : index
    %swap3A_146 = vector.load %arg14[%swap3A, %swap3A_145] : memref<64x128xf32, #tpu.memory_space<vmem>>, vector<64x128xf32>
    tpu.vector_store %arg14[%swap3A, %swap3A_145], %add3A_144 {strides = array<i32>} : memref<64x128xf32, #tpu.memory_space<vmem>>, vector<64x128xf32>,
    return
  }
}

module attributes {stable_mosaic.version = 14 : i64} {
  func.func @body(%arg0: i32, %arg1: memref<2x1000x128xf32, #tpu.memory_space<vmem>>, %arg2: memref<1000x128xf32, #tpu.memory_space<vmem>>, %arg3: memref<1x1x1000xi32, #tpu.memory_space<vmem>>, %arg4: memref<64x128xf32, #tpu.memory_space<vmem>>, %arg5: memref<128x128xf32, #tpu.memory_space<vmem>>, %arg6: memref<128x128xf32, #tpu.memory_space<vmem>>, %arg7: memref<1x128xf32, #tpu.memory_space<vmem>>, %arg8: memref<128x128xf32, #tpu.memory_space<vmem>>, %arg9: memref<1x128xf32, #tpu.memory_space<vmem>>, %arg10: memref<128x128xf32, #tpu.memory_space<vmem>>, %arg11: memref<1x128xf32, #tpu.memory_space<vmem>>, %arg12: memref<384x128xf32, #tpu.memory_space<vmem>>, %arg13: memref<1x384xf32, #tpu.memory_space<vmem>>, %arg14: memref<384x128xf32, #tpu.memory_space<vmem>>, %arg15: memref<1x384xf32, #tpu.memory_space<vmem>>, %arg16: memref<1000x128xf32, #tpu.memory_space<vmem>>) attributes {dimension_semantics = [#tpu.dimension_semantics<arbitrary>], iteration_bounds = array<i64: 10>, scalar_prefetch = 0 : i64, scratch_operands = 0 : i64, tpu.core_type = #tpu.core_type<tc>, window_params = [{transform_indices = @transform_0, window_bounds = array<i64: 2, 1000, 128>}, {transform_indices = @transform_1, window_bounds = array<i64: 1000, 128>}, {transform_indices = @transform_2, window_bounds = array<i64: 1, 1, 1000>}, {pipeline_mode = #tpu.pipeline_mode<synchronous>, transform_indices = @transform_3, window_bounds = array<i64: 64, 128>}, {pipeline_mode = #tpu.pipeline_mode<synchronous>, transform_indices = @transform_4, window_bounds = array<i64: 128, 128>}, {pipeline_mode = #tpu.pipeline_mode<synchronous>, transform_indices = @transform_5, window_bounds = array<i64: 128, 128>}, {pipeline_mode = #tpu.pipeline_mode<synchronous>, transform_indices = @transform_6, window_bounds = array<i64: 1, 128>}, {pipeline_mode = #tpu.pipeline_mode<synchronous>, transform_indices = @transform_7, window_bounds = array<i64: 128, 128>}, {pipeline_mode = #tpu.pipeline_mode<synchronous>, transform_indices = @transform_8, window_bounds = array<i64: 1, 128>}, {pipeline_mode = #tpu.pipeline_mode<synchronous>, transform_indices = @transform_9, window_bounds = array<i64: 128, 128>}, {pipeline_mode = #tpu.pipeline_mode<synchronous>, transform_indices = @transform_10, window_bounds = array<i64: 1, 128>}, {pipeline_mode = #tpu.pipeline_mode<synchronous>, transform_indices = @transform_11, window_bounds = array<i64: 384, 128>}, {pipeline_mode = #tpu.pipeline_mode<synchronous>, transform_indices = @transform_12, window_bounds = array<i64: 1, 384>}, {pipeline_mode = #tpu.pipeline_mode<synchronous>, transform_indices = @transform_13, window_bounds = array<i64: 384, 128>}, {pipeline_mode = #tpu.pipeline_mode<synchronous>, transform_indices = @transform_14, window_bounds = array<i64: 1, 384>}, {transform_indices = @transform_15, window_bounds = array<i64: 1000, 128>}]} {
    %get3A = arith.constant 0 : index
    %get3A_0 = arith.constant 0 : index
    %get3A_1 = arith.constant 0 : index
    %get3A_2 = vector.load %arg1[%get3A, %get3A_0, %get3A_1] : memref<2x1000x128xf32, #tpu.memory_space<vmem>>, vector<1x1000x128xf32>
    %get3A_3 = vector.shape_cast %get3A_2 : vector<1x1000x128xf32> to vector<1000x128xf32>
    %get3A_4 = arith.constant 1 : index
    %get3A_5 = arith.constant 0 : index
    %get3A_6 = arith.constant 0 : index
    %get3A_7 = vector.load %arg1[%get3A_4, %get3A_5, %get3A_6] : memref<2x1000x128xf32, #tpu.memory_space<vmem>>, vector<1x1000x128xf32>
    %get3A_8 = vector.shape_cast %get3A_7 : vector<1x1000x128xf32> to vector<1000x128xf32>
    %add3A = arith.addf %get3A_3, %get3A_8 : vector<1000x128xf32>
    %get3A_9 = arith.constant 0 : index
    %get3A_10 = arith.constant 0 : index
    %get3A_11 = vector.load %arg2[%get3A_9, %get3A_10] : memref<1000x128xf32, #tpu.memory_space<vmem>>, vector<1000x128xf32>
    %get3A_12 = arith.constant 0 : index
    %get3A_13 = arith.constant 0 : index
    %get3A_14 = arith.constant 0 : index
    %get3A_15 = vector.load %arg3[%get3A_12, %get3A_13, %get3A_14] : memref<1x1x1000xi32, #tpu.memory_space<vmem>>, vector<1x1x1000xi32>
    %get3A_16 = vector.shape_cast %get3A_15 : vector<1x1x1000xi32> to vector<1000xi32>
    %broadcast_in_dim3A = vector.shape_cast %get3A_16 : vector<1000xi32> to vector<1000x1xi32>
    %iota3A = tpu.iota {dimensions = array<i32: 1>} : vector<1000x64xi32>
    %eq3A = vector.broadcast %broadcast_in_dim3A : vector<1000x1xi32> to vector<1000x64xi32>
    %eq3A_17 = arith.cmpi eq, %eq3A, %iota3A : vector<1000x64xi32>
    %convert_element_type3A = arith.extui %eq3A_17 : vector<1000x64xi1> to vector<1000x64xi32>
    %convert_element_type3A_18 = arith.sitofp %convert_element_type3A : vector<1000x64xi32> to vector<1000x64xf32>
    %get3A_19 = arith.constant 0 : index
    %get3A_20 = arith.constant 0 : index
    %get3A_21 = vector.load %arg5[%get3A_19, %get3A_20] : memref<128x128xf32, #tpu.memory_space<vmem>>, vector<128x128xf32>
    %dot_general3A = arith.constant dense<0.000000e+00> : vector<1000x128xf32>
    %dot_general3A_22 = tpu.matmul %add3A, %get3A_21, %dot_general3A {dimension_numbers = #tpu.dot_dimension_numbers<[1], [1], [0], [0], [0, 0, 1, 0], [], []>, transpose_lhs_hint = false} : vector<1000x128xf32>, vector<128x128xf32>, vector<1000x128xf32> -> vector<1000x128xf32>
    %get3A_23 = arith.constant 0 : index
    %get3A_24 = arith.constant 0 : index
    %get3A_25 = vector.load %arg6[%get3A_23, %get3A_24] : memref<128x128xf32, #tpu.memory_space<vmem>>, vector<128x128xf32>
    %dot_general3A_26 = arith.constant dense<0.000000e+00> : vector<1000x128xf32>
    %dot_general3A_27 = tpu.matmul %get3A_11, %get3A_25, %dot_general3A_26 {dimension_numbers = #tpu.dot_dimension_numbers<[1], [1], [0], [0], [0, 0, 1, 0], [], []>, transpose_lhs_hint = false} : vector<1000x128xf32>, vector<128x128xf32>, vector<1000x128xf32> -> vector<1000x128xf32>
    %add3A_28 = arith.addf %dot_general3A_22, %dot_general3A_27 : vector<1000x128xf32>
    %get3A_29 = arith.constant 0 : index
    %get3A_30 = arith.constant 0 : index
    %get3A_31 = vector.load %arg7[%get3A_29, %get3A_30] : memref<1x128xf32, #tpu.memory_space<vmem>>, vector<1x128xf32>
    %add3A_32 = vector.broadcast %get3A_31 : vector<1x128xf32> to vector<1000x128xf32>
    %add3A_33 = arith.addf %add3A_28, %add3A_32 : vector<1000x128xf32>
    %mul3A = arith.constant 1.000000e-01 : f32
    %mul3A_34 = vector.broadcast %mul3A : f32 to vector<1000x128xf32>
    %mul3A_35 = arith.mulf %mul3A_34, %add3A_33 : vector<1000x128xf32>
    %max3A = arith.maximumf %add3A_33, %mul3A_35 : vector<1000x128xf32>
    %get3A_36 = arith.constant 0 : index
    %get3A_37 = arith.constant 0 : index
    %get3A_38 = vector.load %arg4[%get3A_36, %get3A_37] : memref<64x128xf32, #tpu.memory_space<vmem>>, vector<64x128xf32>
    %dot_general3A_39 = arith.constant dense<0.000000e+00> : vector<1000x128xf32>
    %dot_general3A_40 = tpu.matmul %convert_element_type3A_18, %get3A_38, %dot_general3A_39 {dimension_numbers = #tpu.dot_dimension_numbers<[1], [0], [0], [1], [0, 0, 1, 1], [], []>, transpose_lhs_hint = false} : vector<1000x64xf32>, vector<64x128xf32>, vector<1000x128xf32> -> vector<1000x128xf32>
    %get3A_41 = arith.constant 0 : index
    %get3A_42 = arith.constant 0 : index
    %get3A_43 = vector.load %arg8[%get3A_41, %get3A_42] : memref<128x128xf32, #tpu.memory_space<vmem>>, vector<128x128xf32>
    %dot_general3A_44 = arith.constant dense<0.000000e+00> : vector<1000x128xf32>
    %dot_general3A_45 = tpu.matmul %max3A, %get3A_43, %dot_general3A_44 {dimension_numbers = #tpu.dot_dimension_numbers<[1], [1], [0], [0], [0, 0, 1, 0], [], []>, transpose_lhs_hint = false} : vector<1000x128xf32>, vector<128x128xf32>, vector<1000x128xf32> -> vector<1000x128xf32>
    %get3A_46 = arith.constant 0 : index
    %get3A_47 = arith.constant 0 : index
    %get3A_48 = vector.load %arg9[%get3A_46, %get3A_47] : memref<1x128xf32, #tpu.memory_space<vmem>>, vector<1x128xf32>
    %add3A_49 = vector.broadcast %get3A_48 : vector<1x128xf32> to vector<1000x128xf32>
    %add3A_50 = arith.addf %dot_general3A_45, %add3A_49 : vector<1000x128xf32>
    %get3A_51 = arith.constant 0 : index
    %get3A_52 = arith.constant 0 : index
    %get3A_53 = vector.load %arg10[%get3A_51, %get3A_52] : memref<128x128xf32, #tpu.memory_space<vmem>>, vector<128x128xf32>
    %dot_general3A_54 = arith.constant dense<0.000000e+00> : vector<1000x128xf32>
    %dot_general3A_55 = tpu.matmul %dot_general3A_40, %get3A_53, %dot_general3A_54 {dimension_numbers = #tpu.dot_dimension_numbers<[1], [1], [0], [0], [0, 0, 1, 0], [], []>, transpose_lhs_hint = false} : vector<1000x128xf32>, vector<128x128xf32>, vector<1000x128xf32> -> vector<1000x128xf32>
    %add3A_56 = arith.addf %add3A_50, %dot_general3A_55 : vector<1000x128xf32>
    %get3A_57 = arith.constant 0 : index
    %get3A_58 = arith.constant 0 : index
    %get3A_59 = vector.load %arg11[%get3A_57, %get3A_58] : memref<1x128xf32, #tpu.memory_space<vmem>>, vector<1x128xf32>
    %add3A_60 = vector.broadcast %get3A_59 : vector<1x128xf32> to vector<1000x128xf32>
    %add3A_61 = arith.addf %add3A_56, %add3A_60 : vector<1000x128xf32>
    %logistic3A = arith.negf %add3A_61 : vector<1000x128xf32>
    %logistic3A_62 = math.exp %logistic3A : vector<1000x128xf32>
    %logistic3A_63 = arith.constant 1.000000e+00 : f32
    %logistic3A_64 = vector.broadcast %logistic3A_63 : f32 to vector<1000x128xf32>
    %logistic3A_65 = arith.addf %logistic3A_64, %logistic3A_62 : vector<1000x128xf32>
    %logistic3A_66 = arith.divf %logistic3A_64, %logistic3A_65 : vector<1000x128xf32>
    %mul3A_67 = arith.mulf %logistic3A_66, %dot_general3A_40 : vector<1000x128xf32>
    %sub3A = arith.constant 1.000000e+00 : f32
    %sub3A_68 = vector.broadcast %sub3A : f32 to vector<1000x128xf32>
    %sub3A_69 = arith.subf %sub3A_68, %logistic3A_66 : vector<1000x128xf32>
    %mul3A_70 = arith.mulf %sub3A_69, %max3A : vector<1000x128xf32>
    %add3A_71 = arith.addf %mul3A_67, %mul3A_70 : vector<1000x128xf32>
    %get3A_72 = arith.constant 0 : index
    %get3A_73 = arith.constant 0 : index
    %get3A_74 = vector.load %arg12[%get3A_72, %get3A_73] : memref<384x128xf32, #tpu.memory_space<vmem>>, vector<384x128xf32>
    %dot_general3A_75 = arith.constant dense<0.000000e+00> : vector<1000x384xf32>
    %dot_general3A_76 = tpu.matmul %get3A_11, %get3A_74, %dot_general3A_75 {dimension_numbers = #tpu.dot_dimension_numbers<[1], [1], [0], [0], [0, 0, 1, 0], [], []>, transpose_lhs_hint = false} : vector<1000x128xf32>, vector<384x128xf32>, vector<1000x384xf32> -> vector<1000x384xf32>
    %get3A_77 = arith.constant 0 : index
    %get3A_78 = arith.constant 0 : index
    %get3A_79 = vector.load %arg13[%get3A_77, %get3A_78] : memref<1x384xf32, #tpu.memory_space<vmem>>, vector<1x384xf32>
    %add3A_80 = vector.broadcast %get3A_79 : vector<1x384xf32> to vector<1000x384xf32>
    %add3A_81 = arith.addf %dot_general3A_76, %add3A_80 : vector<1000x384xf32>
    %get3A_82 = arith.constant 0 : index
    %get3A_83 = arith.constant 0 : index
    %get3A_84 = vector.load %arg14[%get3A_82, %get3A_83] : memref<384x128xf32, #tpu.memory_space<vmem>>, vector<384x128xf32>
    %dot_general3A_85 = arith.constant dense<0.000000e+00> : vector<1000x384xf32>
    %dot_general3A_86 = tpu.matmul %add3A_71, %get3A_84, %dot_general3A_85 {dimension_numbers = #tpu.dot_dimension_numbers<[1], [1], [0], [0], [0, 0, 1, 0], [], []>, transpose_lhs_hint = false} : vector<1000x128xf32>, vector<384x128xf32>, vector<1000x384xf32> -> vector<1000x384xf32>
    %get3A_87 = arith.constant 0 : index
    %get3A_88 = arith.constant 0 : index
    %get3A_89 = vector.load %arg15[%get3A_87, %get3A_88] : memref<1x384xf32, #tpu.memory_space<vmem>>, vector<1x384xf32>
    %add3A_90 = vector.broadcast %get3A_89 : vector<1x384xf32> to vector<1000x384xf32>
    %add3A_91 = arith.addf %dot_general3A_86, %add3A_90 : vector<1000x384xf32>
    %slice3A = vector.extract_strided_slice %add3A_81 {offsets = [0, 0], sizes = [1000, 128], strides = [1, 1]} : vector<1000x384xf32> to vector<1000x128xf32>
    %slice3A_92 = vector.extract_strided_slice %add3A_91 {offsets = [0, 0], sizes = [1000, 128], strides = [1, 1]} : vector<1000x384xf32> to vector<1000x128xf32>
    %add3A_93 = arith.addf %slice3A, %slice3A_92 : vector<1000x128xf32>
    %logistic3A_94 = arith.negf %add3A_93 : vector<1000x128xf32>
    %logistic3A_95 = math.exp %logistic3A_94 : vector<1000x128xf32>
    %logistic3A_96 = arith.constant 1.000000e+00 : f32
    %logistic3A_97 = vector.broadcast %logistic3A_96 : f32 to vector<1000x128xf32>
    %logistic3A_98 = arith.addf %logistic3A_97, %logistic3A_95 : vector<1000x128xf32>
    %logistic3A_99 = arith.divf %logistic3A_97, %logistic3A_98 : vector<1000x128xf32>
    %slice3A_100 = vector.extract_strided_slice %add3A_81 {offsets = [0, 128], sizes = [1000, 128], strides = [1, 1]} : vector<1000x384xf32> to vector<1000x128xf32>
    %slice3A_101 = vector.extract_strided_slice %add3A_91 {offsets = [0, 128], sizes = [1000, 128], strides = [1, 1]} : vector<1000x384xf32> to vector<1000x128xf32>
    %add3A_102 = arith.addf %slice3A_100, %slice3A_101 : vector<1000x128xf32>
    %logistic3A_103 = arith.negf %add3A_102 : vector<1000x128xf32>
    %logistic3A_104 = math.exp %logistic3A_103 : vector<1000x128xf32>
    %logistic3A_105 = arith.constant 1.000000e+00 : f32
    %logistic3A_106 = vector.broadcast %logistic3A_105 : f32 to vector<1000x128xf32>
    %logistic3A_107 = arith.addf %logistic3A_106, %logistic3A_104 : vector<1000x128xf32>
    %logistic3A_108 = arith.divf %logistic3A_106, %logistic3A_107 : vector<1000x128xf32>
    %slice3A_109 = vector.extract_strided_slice %add3A_81 {offsets = [0, 256], sizes = [1000, 128], strides = [1, 1]} : vector<1000x384xf32> to vector<1000x128xf32>
    %slice3A_110 = vector.extract_strided_slice %add3A_91 {offsets = [0, 256], sizes = [1000, 128], strides = [1, 1]} : vector<1000x384xf32> to vector<1000x128xf32>
    %mul3A_111 = arith.mulf %logistic3A_99, %slice3A_110 : vector<1000x128xf32>
    %add3A_112 = arith.addf %slice3A_109, %mul3A_111 : vector<1000x128xf32>
    %tanh3A = math.tanh %add3A_112 : vector<1000x128xf32>
    %sub3A_113 = arith.constant 1.000000e+00 : f32
    %sub3A_114 = vector.broadcast %sub3A_113 : f32 to vector<1000x128xf32>
    %sub3A_115 = arith.subf %sub3A_114, %logistic3A_108 : vector<1000x128xf32>
    %mul3A_116 = arith.mulf %sub3A_115, %tanh3A : vector<1000x128xf32>
    %mul3A_117 = arith.mulf %logistic3A_108, %add3A_71 : vector<1000x128xf32>
    %add3A_118 = arith.addf %mul3A_116, %mul3A_117 : vector<1000x128xf32>
    %swap3A = arith.constant 0 : index
    %swap3A_119 = arith.constant 0 : index
    %swap3A_120 = vector.load %arg16[%swap3A, %swap3A_119] : memref<1000x128xf32, #tpu.memory_space<vmem>>, vector<1000x128xf32>
    tpu.vector_store %arg16[%swap3A, %swap3A_119], %add3A_118 {strides = array<i32>} : memref<1000x128xf32, #tpu.memory_space<vmem>>, vector<1000x128xf32>,
    return
  }
  func.func @transform_0(%arg0: i32) -> (i32, i32, i32) {
    %c0_i32 = arith.constant 0 : i32
    %c0_i32_0 = arith.constant 0 : i32
    %c0_i32_1 = arith.constant 0 : i32
    return %c0_i32, %arg0, %c0_i32_0 : i32, i32, i32
  }
  func.func @transform_1(%arg0: i32) -> (i32, i32) {
    %c0_i32 = arith.constant 0 : i32
    %c0_i32_0 = arith.constant 0 : i32
    return %arg0, %c0_i32 : i32, i32
  }
  func.func @transform_2(%arg0: i32) -> (i32, i32, i32) {
    %c0_i32 = arith.constant 0 : i32
    %c0_i32_0 = arith.constant 0 : i32
    %c0_i32_1 = arith.constant 0 : i32
    return %arg0, %c0_i32, %c0_i32_0 : i32, i32, i32
  }
  func.func @transform_3(%arg0: i32) -> (i32, i32) {
    %c0_i32 = arith.constant 0 : i32
    %c0_i32_0 = arith.constant 0 : i32
    %c0_i32_1 = arith.constant 0 : i32
    return %c0_i32, %c0_i32_0 : i32, i32
  }
  func.func @transform_4(%arg0: i32) -> (i32, i32) {
    %c0_i32 = arith.constant 0 : i32
    %c0_i32_0 = arith.constant 0 : i32
    %c0_i32_1 = arith.constant 0 : i32
    return %c0_i32, %c0_i32_0 : i32, i32
  }
  func.func @transform_5(%arg0: i32) -> (i32, i32) {
    %c0_i32 = arith.constant 0 : i32
    %c0_i32_0 = arith.constant 0 : i32
    %c0_i32_1 = arith.constant 0 : i32
    return %c0_i32, %c0_i32_0 : i32, i32
  }
  func.func @transform_6(%arg0: i32) -> (i32, i32) {
    %c0_i32 = arith.constant 0 : i32
    %c0_i32_0 = arith.constant 0 : i32
    %c0_i32_1 = arith.constant 0 : i32
    return %c0_i32, %c0_i32_0 : i32, i32
  }
  func.func @transform_7(%arg0: i32) -> (i32, i32) {
    %c0_i32 = arith.constant 0 : i32
    %c0_i32_0 = arith.constant 0 : i32
    %c0_i32_1 = arith.constant 0 : i32
    return %c0_i32, %c0_i32_0 : i32, i32
  }
  func.func @transform_8(%arg0: i32) -> (i32, i32) {
    %c0_i32 = arith.constant 0 : i32
    %c0_i32_0 = arith.constant 0 : i32
    %c0_i32_1 = arith.constant 0 : i32
    return %c0_i32, %c0_i32_0 : i32, i32
  }
  func.func @transform_9(%arg0: i32) -> (i32, i32) {
    %c0_i32 = arith.constant 0 : i32
    %c0_i32_0 = arith.constant 0 : i32
    %c0_i32_1 = arith.constant 0 : i32
    return %c0_i32, %c0_i32_0 : i32, i32
  }
  func.func @transform_10(%arg0: i32) -> (i32, i32) {
    %c0_i32 = arith.constant 0 : i32
    %c0_i32_0 = arith.constant 0 : i32
    %c0_i32_1 = arith.constant 0 : i32
    return %c0_i32, %c0_i32_0 : i32, i32
  }
  func.func @transform_11(%arg0: i32) -> (i32, i32) {
    %c0_i32 = arith.constant 0 : i32
    %c0_i32_0 = arith.constant 0 : i32
    %c0_i32_1 = arith.constant 0 : i32
    return %c0_i32, %c0_i32_0 : i32, i32
  }
  func.func @transform_12(%arg0: i32) -> (i32, i32) {
    %c0_i32 = arith.constant 0 : i32
    %c0_i32_0 = arith.constant 0 : i32
    %c0_i32_1 = arith.constant 0 : i32
    return %c0_i32, %c0_i32_0 : i32, i32
  }
  func.func @transform_13(%arg0: i32) -> (i32, i32) {
    %c0_i32 = arith.constant 0 : i32
    %c0_i32_0 = arith.constant 0 : i32
    %c0_i32_1 = arith.constant 0 : i32
    return %c0_i32, %c0_i32_0 : i32, i32
  }
  func.func @transform_14(%arg0: i32) -> (i32, i32) {
    %c0_i32 = arith.constant 0 : i32
    %c0_i32_0 = arith.constant 0 : i32
    %c0_i32_1 = arith.constant 0 : i32
    return %c0_i32, %c0_i32_0 : i32, i32
  }
  func.func @transform_15(%arg0: i32) -> (i32, i32) {
    %c0_i32 = arith.constant 0 : i32
    %c0_i32_0 = arith.constant 0 : i32
    return %arg0, %c0_i32 : i32, i32
  }
}

</mosaic_0001>

<sc_bundles>
// kernel: kernel.8.cloned.1.call-start
scs
__scs_entry_jumppad:
0x0: {  	(pc) =	sbr.rel $0x88, $3  }
0x1: {  	(tag) =	ssettag $0x0;
	lr =	simm.s32 $0x1  }
0x2: {  	[smem:$0x3F66] =	sst lr;
	_ =	strace $0xD0000000  }
0x3: {  	_ = 	snop  }
0x4: {  	_ = 	snop  }
0x5: {  	_ = 	snop  }
0x6: {  	_ = 	snop  }
0x7: {  	_ = 	snop  }
__scs_overlays_trampoline_lowered:
0x8: {  	[smem:$0x3F75] =	sst s0  }
0x9: {  	[smem:$0x3F76] =	sst s1  }
0xa: {  	[smem:$0x3F77] =	sst s2  }
0xb: {  	[smem:$0x3F78] =	sst s3  }
0xc: {  	[smem:$0x3F79] =	sst s4  }
0xd: {  	[smem:$0x3F7A] =	sst s5  }
0xe: {  	[smem:$0x3F7B] =	sst s6  }
0xf: {  	[smem:$0x3F7C] =	sst s7  }
0x10: {  	[smem:$0x3F7D] =	sst s8  }
0x11: {  	[smem:$0x3F7E] =	sst s9;
	s0 =	simm.s32 @!p0 $0x0  }
0x12: {  	s1 =	sld [smem:$0x3F64];
	s0 =	simm.s32 @p0 $0x1  }
0x13: {  	[smem:$0x3F7F] =	sst s0;
	s0 =	simm.s32 @!p1 $0x0  }
0x14: {  	s2 =	sld [smem:$0x3F63];
	s0 =	simm.s32 @p1 $0x1  }
0x15: {  	[smem:$0x3F80] =	sst s0;
	s0 =	simm.s32 @!p2 $0x0  }
0x16: {  	s3 =	sld [smem:$0x3FDB];
	s0 =	simm.s32 @p2 $0x1  }
0x17: {  	s4 =	simm.s32 $0x1BF5;
	[smem:$0x3F82] =	sst s0  }
0x18: {  	s0 =	sld [smem:$0x3F65];
	_ =	swait.ge [sflag:s4], $0x0  }
0x19: {  	s7 =	sld [smem:$0x3F66]  }
0x1a: {  	s8 =	sadd.s32 $0xFFFFE003, lr  }
0x1b: {  	s9 =	sadd.s32 $0xFFFFFEF7, lr;
	s5 =	simm.s32 $0xFFFFFFFF;
	p2 =	slt.u32 s8, $0xFFFFF086  }
0x1c: {  	p1 =	slt.u32 s9, $0xF7A;
	s5 =	simm.s32 @!p2 $0x0  }
0x1d: {  	s5 =	simm.s32 @p1 $0x1;
	p0 =	seq.s32 s7, s2  }
0x1e: {  	s7 =	smul.u32 @!p0 $0xF7A, s2;
	p2 =	seq.s32 @!p0 s5, $0x0  }
0x1f: {  	s9 =	smul.u32 $0xF7A, s1;
	s8 =	simm.s32 @!p0 $0x1BF5;
	p2 =	por !p2, p0  }
0x20: {  	[sflag:s8] =	ssyncset.s32 @!p0 $0xFFFFF086;
	s6 =	sadd.s32 @!p0 s3, s7;
	s7 =	simm.s32 @!p0 $0x108  }
0x21: {  	s3 =	sadd.s32 s3, s9;
	s6 =	sadd.s32 @!p0 $0x88, s6;
	s7 =	simm.s32 @p2 $0x1082  }
0x22: {  	[simem:s7], [sflag:s8] =	dma.local @!p0 [hbm:s6], $0xF7A  }
0x23: {  	s9 =	sor.u32 $0xD0000000, s2;
	s6 =	simm.s32 $0x108;
	_ =	swait.ge @!p0 [sflag:s8], $0x0  }
0x24: {  	s3 =	sadd.s32 $0x88, s3;
	s6 =	simm.s32 @!p1 $0x1082;
	[sflag:s4] =	ssyncset.s32 $0xFFFFF086  }
0x25: {  	[simem:s6], [sflag:s4] =	dma.local [hbm:s3], $0xF7A  }
0x26: {  	[smem:$0x3F66] =	sst s1;
	(tag) =	ssettag s2;
	_ =	strace s9  }
0x27: {  	s1 =	sld [smem:$0x3F76]  }
0x28: {  	s2 =	sld [smem:$0x3F77]  }
0x29: {  	s4 =	sld [smem:$0x3F79]  }
0x2a: {  	p0 =	seq.s32 s5, $0x0;
	s5 =	sld [smem:$0x3F7A]  }
0x2b: {  	s6 =	sld [smem:$0x3F7B]  }
0x2c: {  	s7 =	sld [smem:$0x3F7C]  }
0x2d: {  	s3 =	simm.s32 $0x108;
	s8 =	sld [smem:$0x3F7D]  }
0x2e: {  	s3 =	simm.s32 @!p0 $0x1082;
	s9 =	sld [smem:$0x3F7E]  }
0x2f: {  	lr =	sadd.s32 s0, s3;
	s0 =	sld [smem:$0x3F75]  }
0x30: {  	s3 =	sld [smem:$0x3F78]  }
0x31: {  	[smem:$0x3F81] =	sst s10  }
0x32: {  	s10 =	sld [smem:$0x3F7F];
	_ =	sdelay $0x3  }
0x33: {  	p0 =	seq.s32 s10, $0x1;
	s10 =	sld [smem:$0x3F81];
	_ =	sdelay $0x3  }
0x34: {  	[smem:$0x3F81] =	sst s10  }
0x35: {  	s10 =	sld [smem:$0x3F80];
	_ =	sdelay $0x3  }
0x36: {  	p1 =	seq.s32 s10, $0x1;
	s10 =	sld [smem:$0x3F81];
	_ =	sdelay $0x3  }
0x37: {  	[smem:$0x3F81] =	sst s10  }
0x38: {  	s10 =	sld [smem:$0x3F82]  }
0x39: {  	_ = 	snop;
	(pc) =	sbr.ind lr, $3  }
0x3a: {  	_ = 	snop  }
0x3b: {  	_ = 	snop  }
0x3c: {  	p2 =	seq.s32 s10, $0x1;
	s10 =	sld [smem:$0x3F81]  }
0x3d: {  	_ =	shalt  }
0x3e: {  	_ =	shalt  }
0x3f: {  	_ =	shalt  }
0x40: {  	_ =	shalt  }
0x41: {  	_ =	shalt  }
0x42: {  	_ =	shalt  }
0x43: {  	_ =	shalt  }
0x44: {  	_ =	shalt  }
0x45: {  	_ =	shalt  }
0x46: {  	_ =	shalt  }
0x47: {  	_ =	shalt  }
0x48: {  	_ =	shalt  }
0x49: {  	_ =	shalt  }
0x4a: {  	_ =	shalt  }
0x4b: {  	_ =	shalt  }
0x4c: {  	_ =	shalt  }
0x4d: {  	_ =	shalt  }
0x4e: {  	_ =	shalt  }
0x4f: {  	_ =	shalt  }
0x50: {  	_ =	shalt  }
0x51: {  	_ =	shalt  }
0x52: {  	_ =	shalt  }
0x53: {  	_ =	shalt  }
0x54: {  	_ =	shalt  }
0x55: {  	_ =	shalt  }
0x56: {  	_ =	shalt  }
0x57: {  	_ =	shalt  }
0x58: {  	_ =	shalt  }
0x59: {  	_ =	shalt  }
0x5a: {  	_ =	shalt  }
0x5b: {  	_ =	shalt  }
0x5c: {  	_ =	shalt  }
0x5d: {  	_ =	shalt  }
0x5e: {  	_ =	shalt  }
0x5f: {  	_ =	shalt  }
0x60: {  	_ =	shalt  }
0x61: {  	_ =	shalt  }
0x62: {  	_ =	shalt  }
0x63: {  	_ =	shalt  }
0x64: {  	_ =	shalt  }
0x65: {  	_ =	shalt  }
0x66: {  	_ =	shalt  }
0x67: {  	_ =	shalt  }
0x68: {  	_ =	shalt  }
0x69: {  	_ =	shalt  }
0x6a: {  	_ =	shalt  }
0x6b: {  	_ =	shalt  }
0x6c: {  	_ =	shalt  }
0x6d: {  	_ =	shalt  }
0x6e: {  	_ =	shalt  }
0x6f: {  	_ =	shalt  }
0x70: {  	_ =	shalt  }
0x71: {  	_ =	shalt  }
0x72: {  	_ =	shalt  }
0x73: {  	_ =	shalt  }
0x74: {  	_ =	shalt  }
0x75: {  	_ =	shalt  }
0x76: {  	_ =	shalt  }
0x77: {  	_ =	shalt  }
0x78: {  	_ =	shalt  }
0x79: {  	_ =	shalt  }
0x7a: {  	_ =	shalt  }
0x7b: {  	_ =	shalt  }
0x7c: {  	_ =	shalt  }
0x7d: {  	_ =	shalt  }
0x7e: {  	_ =	shalt  }
0x7f: {  	_ =	shalt  }
0x80: {  	_ =	shalt  }
0x81: {  	_ =	shalt  }
0x82: {  	_ =	shalt  }
0x83: {  	_ =	shalt  }
0x84: {  	_ =	shalt  }
0x85: {  	_ =	shalt  }
0x86: {  	_ =	shalt  }
0x87: {  	_ =	shalt  }
.Lfunc_end0:
.L_simem_size_0:
called_computation_lowered:
.L_overlay_start_0:
0x88: {  	s2 =	sld [smem:$0x3FD9]  }
0x89: {  	s3 =	sld [smem:$0x3FFE];
	_ =	sdelay $0x1  }
0x8a: {  	s1 =	srdreg.scid  }
0x8b: {  	s0 =	sand.u32 $0x1, s1  }
0x8c: {  	s14 =	sshll.u32 s0, $0xA;
	s2 =	sadd.s32 s3, s2  }
0x8d: {  	s2 =	sadd.s32 s2, s14  }
0x8e: {  	[smem:$0x3F8D] =	sst s2  }
0x8f: {  	_ = 	snop  }
0x90: {  	s2 =	sld [smem:$0x3FD0];
	_ =	sdelay $0x2  }
0x91: {  	s4 =	simm.s32 $0xA;
	s5 =	simm.s32 $0x10;
	s15 =	sld [smem:$0x3FC9]  }
0x92: {  	[smem:s5], [sflag:s4] =	dma.local [hbm:s2], $0x1  }
0x93: {  	_ =	swait.eq [sflag:s4], $0x1  }
0x94: {  	[sflag:s4] =	ssyncset.done $0x0  }
0x95: {  	[sflag:s4] =	ssyncadd.s32 $0xFFFFFFFF  }
0x96: {  	s16 =	sld [smem:$0x10];
	(tm) =	ssettm $0x1  }
0x97: {  	s17 =	sld [smem:$0x3FFB];
	_ =	sdelay $0x3  }
0x98: {  	_ =	strace s17  }
0x99: {  	s4 =	sld [smem:$0x3FFC];
	_ =	sdelay $0x3  }
0x9a: {  	_ =	strace s4  }
0x9b: {  	s4 =	sld [smem:$0x3FFD];
	_ =	sdelay $0x3  }
0x9c: {  	_ =	strace s4  }
0x9d: {  	_ =	strace $0x8FFFFFFF  }
0x9e: {  	s18 =	sld [smem:$0x3FDB];
	_ =	sdelay $0x1  }
0x9f: {  	s19 =	simm.s32 $_scs_section_size  }
0xa0: {  	s6 =	simm.s32 $_size__tile_overlayer_lowered;
	s7 =	simm.s32 $_tile_overlayer_lowered  }
0xa1: {  	s22 =	simm.s32 $0x1BFF;
	s21 =	sshll.u32 s7, $0x1;
	s4 =	sadd.s32 s19, s18  }
0xa2: {  	s8 =	simm.s32 $0x0;
	s20 =	sshll.u32 s6, $0x1;
	s6 =	sadd.s32 s21, s4  }
0xa3: {  	[timem:s8], [sflag:s22] =	dma.local [hbm:s6], s20  }
0xa4: {  	_ =	swait.ge [sflag:s22], s20  }
0xa5: {  	s5 =	ssub.s32 $0x0, s20;
	[sflag:s22] =	ssyncset.done $0x0  }
0xa6: {  	[sflag:s22] =	ssyncadd.s32 s5;
	_ =	sdelay $0x1  }
0xa7: {  	s23 =	simm.s32 $0x1B8B  }
0xa8: {  	_ =	swait.ge [sflag:s23], $0x1  }
0xa9: {  	[sflag:s23] =	ssyncset.done $0x0  }
0xaa: {  	s25 =	simm.s32 $0x1B8E;
	s24 =	sld [smem:$0x3FFE];
	[sflag:s23] =	ssyncadd.s32 $0xFFFFFFFF  }
0xab: {  	s26 =	simm.s32 $execute0_lowered;
	[smem:$0x3FD2] =	sst s25  }
0xac: {  	s6 =	sshll.u32 s26, $0x1;
	_ =	strace $0x80000046;
	[dreg:$0x1] =	wrdreg $0xFFFFFFFF  }
0xad: {  	s28 =	simm.s32 $_size_execute0_lowered;
	s4 =	sadd.s32 s4, s6;
	[dreg:$0x0] =	wrdreg $0x0  }
0xae: {  	s6 =	sshll.u32 s28, $0x1;
	[dreg:$0x2] =	wrdreg s4  }
0xaf: {  	[dreg:$0x3] =	wrdreg s6  }
0xb0: {  	[dreg:$0x4] =	wrdreg $0xC0  }
0xb1: {  	_ =	task [dreg:s8], $0x5FFFF  }
0xb2: {  	[dreg:$0x1] =	wrdreg $0xFFFFFFFF  }
0xb3: {  	[dreg:$0x0] =	wrdreg $0x60  }
0xb4: {  	[dreg:$0x2] =	wrdreg s24  }
0xb5: {  	[dreg:$0x3] =	wrdreg s15  }
0xb6: {  	[dreg:$0x4] =	wrdreg s16  }
0xb7: {  	[dreg:$0x5] =	wrdreg $0xB6000  }
0xb8: {  	[dreg:$0x6] =	wrdreg $0x9  }
0xb9: {  	_ =	task.clear_ibuf [dreg:s8], $0x7FFFF;
	_ =	strace $0x90000046  }
0xba: {  	s29 =	simm.s32 $0x9;
	_ =	strace $0x80000048  }
0xbb: {  	_ =	swait.ge [sflag:s29], $0x1  }
0xbc: {  	[sflag:s29] =	ssyncadd.s32 $0xFFFFFFFF  }
0xbd: {  	_ =	strace $0x90000048  }
0xbe: {  	_ =	sfence  }
0xbf: {  	s30 =	sld [smem:$0x0];
	_ =	sdelay $0x2  }
0xc0: {  	s31 =	sshll.u32 s1, $0xD;
	s1 =	sshrl.u32 s1, $0x2  }
0xc1: {  	s3 =	sand.u32 $0x4000, s31;
	s1 =	sadd.s32 s1, s30  }
0xc2: {  	s0 =	sor.u32 s3, s0;
	s1 =	sshll.u32 s1, $0x11  }
0xc3: {  	s0 =	sor.u32 s1, s0  }
0xc4: {  	s0 =	sadd.s32 $0x8F2B, s0  }
0xc5: {  	[sflag:s0] =	ssyncadd.remote.s32 $0x1  }
0xc6: {  	_ =	sfence.sel $0xFFFF  }
0xc7: {  	[dreg:$0x0] =	wrdreg $0xFFFFFFFF;
	(pc) =	sbr.abs _section_cstart, $3  }
0xc8: {  	[dreg:$0x1] =	wrdreg $0xFFFFFFFF  }
0xc9: {  	_ =	task.clear_ibuf [dreg:s8], $0x2FFFF;
	_ =	strace $0x9FFFFFFF  }
0xca: {  	(tm) =	ssettm $0x7FFFFFFF  }
0xcb: {  	_ =	shalt  }
tec
execute0_lowered:
.L_overlay_start_1:
0x0: {  	(tag) =	ssettag $0x1  }
0x1: {  	s0 =	rddreg [dreg:$0x0]  }
0x2: {  	s1 =	rddreg [dreg:$0x1]  }
0x3: {  	s2 =	srdreg.scid;
	s3 =	rddreg [dreg:$0x2]  }
0x4: {  	s9 =	stileid.u32;
	s4 =	rddreg [dreg:$0x3];
	s5 =	simm.s32 $0x0  }
0x5: {  	s29 =	simm.s32 $0x200;
	s30 =	simm.s32 $0x1;
	s31 =	simm.s32 $0x50  }
0x6: {  	s28 =	simm.s32 $0x180;
	s11 =	simm.s32 $0x6600;
	s12 =	simm.s32 $0x2  }
0x7: {  	s13 =	simm.s32 $0x3E00;
	s14 =	simm.s32 $0x6;
	s7 =	smul.u32 $0x13C00, s9  }
0x8: {  	s2 =	sand.u32 $0x1, s2;
	[smem:$0x7FF] =	sst s5;
	s8 =	smul.u32 $0x4F000, s9  }
0x9: {  	s9 =	sshll.u32 s9, $0x1;
	s6 =	smul.u32 $0x13C000, s2;
	_ =	strace $0x80000047  }
0xa: {  	s15 =	ssub.s32 $0x2, s2;
	s2 =	sor.u32 s2, s9;
	s8 =	sshrl.u32 s8, $0x2  }
0xb: {  	s10 =	sshrl.u32 s15, $0x1;
	s9 =	smul.u32 $0x1388, s2;
	s19 =	sadd.s32 s8, s4  }
0xc: {  	s2 =	smul.u32 $0x13880, s2;
	s8 =	sadd.s32 $0x2800, s19;
	[dreg:$0x5] =	wrdreg s19  }
0xd: {  	s6 =	sadd.s32 s7, s6;
	s16 =	sadd.s32 $0x5000, s19;
	[dreg:$0x6] =	wrdreg s8  }
0xe: {  	s7 =	sshrl.u32 s6, $0x3;
	s17 =	sadd.s32 $0x7800, s19;
	[dreg:$0x7] =	wrdreg s16  }
0xf: {  	s6 =	sadd.s32 $0x7600, s0;
	s18 =	sadd.s32 $0xA000, s19;
	[dreg:$0x8] =	wrdreg s17  }
0x10: {  	s20 =	sadd.s32 $0xC800, s19;
	s21 =	sadd.s32 $0xF000, s19;
	[dreg:$0x9] =	wrdreg s18  }
0x11: {  	s22 =	sshrl.u32 s9, $0x3;
	s23 =	sadd.s32 $0x11800, s19;
	[dreg:$0xa] =	wrdreg s20  }
0x12: {  	s0 =	sadd.s32 s7, s0;
	s7 =	ssub.s32 s15, s10;
	[dreg:$0xb] =	wrdreg s21  }
0x13: {  	[dreg:$0xc] =	wrdreg s23;
	s8 =	sadd.s32 s3, s22;
	s2 =	sadd.s32 s6, s2  }
0x14: {  	s23 =	simm.s32 $0x1600;
	s10 =	simm.s32 $0x4;
	[dreg:$0xd] =	wrdreg s8  }
0x15: {  	s15 =	simm.s32 $0x5;
	s24 =	sadd.s32 $0x4E20, s8;
	[dreg:$0x11] =	wrdreg s2  }
0x16: {  	s17 =	simm.s32 $0x8E00;
	s25 =	sadd.s32 $0x9C40, s8;
	[dreg:$0xe] =	wrdreg s24  }
.Ltmp0:
0x17: {  	s8 =	sadd.s32 $0xEA60, s8;
	[dreg:$0xf] =	wrdreg s25;
	(pc) =	sbr.rel .LBB2_1-.Ltmp0, $4  }
0x18: {  	s18 =	simm.s32 $0x0;
	s0 =	sadd.s32 $0x278600, s0;
	[dreg:$0x10] =	wrdreg s8  }
0x19: {  	s26 =	smax.u32 s7, $0x1;
	s2 =	simm.s32 $0x80;
	[dreg:$0x12] =	wrdreg s0  }
0x1a: {  	[dreg:$0x13] =	wrdreg s26;
	s24 =	simm.s32 $0x8;
	s26 =	simm.s32 $0x100  }
0x1b: {  	v0 =	vimm.f32 $0.0e+00;
	s25 =	simm.s32 $0xA8;
	s0 =	simm.s32 $0x1A8;
	s8 =	simm.s32 $0x3  }
.LBB2_15:
0x1c: {  	_ =	swait.ge [sflag:s14], $0x2800  }
0x1d: {  	[sflag:s14] =	ssyncset.done $0x0  }
0x1e: {  	[sflag:s14] =	ssyncadd.s32 $0xFFFFD800  }
0x1f: {  	s7 =	stileid.u32;
	[bflag:$0x0] =	sbarrier.arrive $0xFFFF  }
0x20: {  	s7 =	sshll.u32 s7, $0x6;
	s19 =	rddreg [dreg:$0x5]  }
0x21: {  	s7 =	sor.u32 $0x1C08, s7;
	s20 =	rddreg [dreg:$0x12];
	s16 =	sshrl.u32 s19, $0x3  }
0x22: {  	[hbm:s20], [sflag:s7] =	dma.local [spmem:s16], $0x2780  }
0x23: {  	_ =	swait.ge [sflag:s24], $0x2780  }
0x24: {  	s18 =	sadd.s32 $0x1, s18;
	s22 =	rddreg [dreg:$0x13]  }
0x25: {  	p0 =	sne.s32 s18, s22  }
.Ltmp1:
0x26: {  	_ = 	snop;
	(pc) =	sbr.rel @!p0 .LBB2_16-.Ltmp1, $3  }
0x27: {  	_ =	sdelay $0x1  }
0x28: {  	[sflag:s24] =	ssyncset.done $0x0  }
0x29: {  	[sflag:s24] =	ssyncadd.s32 $0xFFFFD880  }
.LBB2_1:
0x2a: {  	s7 =	simm.s32 $0x0;
	s16 =	simm.s32 $0x200  }
.LBB2_2:
0x2b: {  	p0 =	sne.s32 s16, $0x9E00;
	[tilespmem:s7+$0x1670] =	vst v0  }
0x2c: {  	[tilespmem:s7+$0x1600] =	vst v0  }
0x2d: {  	[tilespmem:s7+$0x1610] =	vst v0  }
.Ltmp2:
0x2e: {  	[tilespmem:s7+$0x1620] =	vst v0;
	(pc) =	sbr.rel @p0 .LBB2_2-.Ltmp2, $4  }
0x2f: {  	[tilespmem:s7+$0x1630] =	vst v0  }
0x30: {  	[tilespmem:s7+$0x1640] =	vst v0  }
0x31: {  	[tilespmem:s7+$0x1650] =	vst v0  }
0x32: {  	[tilespmem:s7+$0x1660] =	vst v0;
	s7 =	sshra.s32 s16, $0x2;
	s16 =	sadd.s32 $0x200, s16  }
0x33: {  	[tilespmem:s7+$0x1670] =	vst v0  }
0x34: {  	[tilespmem:s7+$0x1600] =	vst v0  }
0x35: {  	[tilespmem:s7+$0x1610] =	vst v0  }
0x36: {  	[tilespmem:s7+$0x1620] =	vst v0  }
0x37: {  	[tilespmem:s7+$0x1630] =	vst v0  }
0x38: {  	[tilespmem:s7+$0x1640] =	vst v0  }
0x39: {  	[tilespmem:s7+$0x1650] =	vst v0  }
0x3a: {  	[tilespmem:s7+$0x1660] =	vst v0  }
0x3b: {  	[spmem:s19] =	stream.linear.scatter [tilespmem:s23], [sflag:$0x8], $0x2800, $0x38;
	[tilespmem:$0x1F200] =	vst v63  }
0x3c: {  	_ =	swait.ge [sflag:s24], $0x2800  }
0x3d: {  	[sflag:s24] =	ssyncset.done $0x0  }
0x3e: {  	s19 =	rddreg [dreg:$0x6];
	[sflag:s24] =	ssyncadd.s32 $0xFFFFD800  }
0x3f: {  	[spmem:s19] =	stream.linear.scatter [tilespmem:s23], [sflag:$0x8], $0x2800, $0x38;
	[tilespmem:$0x1F200] =	vst v63  }
0x40: {  	_ =	swait.ge [sflag:s24], $0x2800  }
0x41: {  	[sflag:s24] =	ssyncset.done $0x0  }
0x42: {  	s20 =	rddreg [dreg:$0x7];
	[sflag:s24] =	ssyncadd.s32 $0xFFFFD800  }
0x43: {  	[spmem:s20] =	stream.linear.scatter [tilespmem:s23], [sflag:$0x8], $0x2800, $0x38;
	[tilespmem:$0x1F200] =	vst v63  }
0x44: {  	_ =	swait.ge [sflag:s24], $0x2800  }
0x45: {  	[sflag:s24] =	ssyncset.done $0x0  }
0x46: {  	s21 =	rddreg [dreg:$0x8];
	[sflag:s24] =	ssyncadd.s32 $0xFFFFD800  }
0x47: {  	[spmem:s21] =	stream.linear.scatter [tilespmem:s23], [sflag:$0x8], $0x2800, $0x38;
	[tilespmem:$0x1F200] =	vst v63  }
0x48: {  	_ =	swait.ge [sflag:s24], $0x2800  }
0x49: {  	[sflag:s24] =	ssyncset.done $0x0  }
0x4a: {  	s22 =	rddreg [dreg:$0x9];
	[sflag:s24] =	ssyncadd.s32 $0xFFFFD800  }
0x4b: {  	[spmem:s22] =	stream.linear.scatter [tilespmem:s23], [sflag:$0x8], $0x2800, $0x38;
	[tilespmem:$0x1F200] =	vst v63  }
0x4c: {  	_ =	swait.ge [sflag:s24], $0x2800  }
0x4d: {  	[sflag:s24] =	ssyncset.done $0x0  }
0x4e: {  	s16 =	rddreg [dreg:$0xa];
	[sflag:s24] =	ssyncadd.s32 $0xFFFFD800  }
0x4f: {  	[spmem:s16] =	stream.linear.scatter [tilespmem:s23], [sflag:$0x8], $0x2800, $0x38;
	[tilespmem:$0x1F200] =	vst v63  }
0x50: {  	_ =	swait.ge [sflag:s24], $0x2800  }
0x51: {  	[sflag:s24] =	ssyncset.done $0x0  }
0x52: {  	s19 =	rddreg [dreg:$0xb];
	[sflag:s24] =	ssyncadd.s32 $0xFFFFD800  }
0x53: {  	[spmem:s19] =	stream.linear.scatter [tilespmem:s23], [sflag:$0x8], $0x2800, $0x38;
	[tilespmem:$0x1F200] =	vst v63  }
0x54: {  	_ =	swait.ge [sflag:s24], $0x2800  }
0x55: {  	[sflag:s24] =	ssyncset.done $0x0  }
0x56: {  	s20 =	rddreg [dreg:$0xc];
	[sflag:s24] =	ssyncadd.s32 $0xFFFFD800  }
0x57: {  	[spmem:s20] =	stream.linear.scatter [tilespmem:s23], [sflag:$0x8], $0x2400, $0x38;
	[tilespmem:$0x1F200] =	vst v63  }
0x58: {  	_ =	swait.ge [sflag:s24], $0x2400  }
0x59: {  	[sflag:s24] =	ssyncset.done $0x0  }
0x5a: {  	[sflag:s24] =	ssyncadd.s32 $0xFFFFDC00  }
0x5b: {  	[bflag:$0x0] =	sbarrier.arrive $0xFFFF  }
0x5c: {  	s19 =	simm.s32 $0x0;
	s21 =	rddreg [dreg:$0xd]  }
0x5d: {  	[tilespmem:s19], [sflag:$0x1] =	stream.linear.gather [hbm4b:s21+s19], $0x28, $0x38;
	[tilespmem:$0x1F200] =	vst v63  }
0x5e: {  	s16 =	simm.s32 $0x28;
	s22 =	rddreg [dreg:$0xe]  }
0x5f: {  	[tilespmem:s16], [sflag:$0x1] =	stream.linear.gather [hbm4b:s22+s19], $0x28, $0x38;
	[tilespmem:$0x1F200] =	vst v63  }
0x60: {  	s16 =	rddreg [dreg:$0xf]  }
0x61: {  	[tilespmem:s26], [sflag:$0x1] =	stream.linear.gather [hbm4b:s16+s19], $0x28, $0x38;
	[tilespmem:$0x1F200] =	vst v63  }
.Ltmp3:
0x62: {  	_ = 	snop;
	(pc) =	sbr.rel .LBB2_4-.Ltmp3, $4  }
0x63: {  	s20 =	rddreg [dreg:$0x10];
	s21 =	simm.s32 $0x128  }
0x64: {  	[tilespmem:s21], [sflag:$0x1] =	stream.linear.gather [hbm4b:s20+s19], $0x28, $0x38;
	[tilespmem:$0x1F200] =	vst v63  }
0x65: {  	s22 =	rddreg [dreg:$0x11]  }
0x66: {  	[tilespmem:s29], [sflag:$0x3] =	stream.linear.gather [hbm4b:s22+s19], $0x1400, $0x38;
	[tilespmem:$0x1F200] =	vst v63  }
.LBB2_10:
0x67: {  	[spmem:s4] =	stream.indirect.scatter.add.f32 [tilespmem:s11], [sflag:$0x6], $0x80, s26, s31, $0xb8;
	[tilespmem:$0x1F200] =	vst v63  }
.LBB2_14:
0x68: {  	s19 =	sadd.s32 $0x1, s19  }
0x69: {  	p0 =	sne.s32 s19, $0x3F  }
.Ltmp4:
0x6a: {  	_ = 	snop;
	(pc) =	sbr.rel @!p0 .LBB2_15-.Ltmp4, $1  }
0x6b: {  	_ =	sdelay $0x3  }
.LBB2_4:
0x6c: {  	_ =	swait.ge [sflag:s30], $0x28  }
0x6d: {  	[sflag:s30] =	ssyncset.done $0x0  }
0x6e: {  	[sflag:s30] =	ssyncadd.s32 $0xFFFFFFD8  }
0x6f: {  	_ =	swait.ge [sflag:s30], $0x28  }
0x70: {  	[sflag:s30] =	ssyncset.done $0x0  }
0x71: {  	[sflag:s30] =	ssyncadd.s32 $0xFFFFFFD8  }
0x72: {  	_ =	swait.ge [sflag:s30], $0x28  }
0x73: {  	s20 =	sshll.u32 s19, $0x1;
	p0 =	seq.s32 s19, $0x0;
	[sflag:s30] =	ssyncset.done $0x0  }
0x74: {  	s7 =	sor.u32 @!p0 $0x1, s20;
	[sflag:s30] =	ssyncadd.s32 $0xFFFFFFD8  }
0x75: {  	p1 =	sgt.u32 @!p0 s7, $0x7C;
	_ =	swait.ge [sflag:s30], $0x28  }
0x76: {  	p1 =	por p0, !p1;
	[sflag:s30] =	ssyncset.done $0x0  }
.Ltmp5:
0x77: {  	s16 =	simm.s32 @!p0 $0x7;
	[sflag:s30] =	ssyncadd.s32 $0xFFFFFFD8;
	(pc) =	sbr.rel @!p1 .LBB2_5-.Ltmp5, $4  }
0x78: {  	[tilespmem:s23], [sflag:$0x4] =	stream.indirect.gather [hbm4b:s1+s31], $0x80, s5, s31, $0xb8;
	[tilespmem:$0x1F200] =	vst v63  }
0x79: {  	_ =	swait.ge @!p0 [sflag:s16], $0x2800  }
0x7a: {  	[sflag:s16] =	ssyncset.done @!p0 $0x0  }
0x7b: {  	[sflag:s16] =	ssyncadd.s32 @!p0 $0xFFFFD800  }
0x7c: {  	s7 =	simm.s32 @p0 $0x1  }
0x7d: {  	s21 =	smul.u32 $0x28, s7;
	_ =	sdelay $0x1  }
0x7e: {  	s7 =	sadd.s32 s9, s21  }
0x7f: {  	s7 =	sshrl.u32 s7, $0x3  }
0x80: {  	s7 =	sadd.s32 s3, s7  }
0x81: {  	[tilespmem:s2], [sflag:$0x2] =	stream.linear.gather [hbm4b:s7+s5], $0x28, $0x38;
	[tilespmem:$0x1F200] =	vst v63  }
0x82: {  	s16 =	sadd.s32 $0x4E20, s7  }
0x83: {  	[tilespmem:s25], [sflag:$0x2] =	stream.linear.gather [hbm4b:s16+s5], $0x28, $0x38;
	[tilespmem:$0x1F200] =	vst v63  }
.Ltmp6:
0x84: {  	_ = 	snop;
	(pc) =	sbr.rel .LBB2_7-.Ltmp6, $4  }
0x85: {  	s22 =	sadd.s32 $0x9C40, s7  }
0x86: {  	[tilespmem:s28], [sflag:$0x2] =	stream.linear.gather [hbm4b:s22+s5], $0x28, $0x38;
	[tilespmem:$0x1F200] =	vst v63  }
0x87: {  	p0 =	por $0x1, $0x1;
	s7 =	sadd.s32 $0xEA60, s7  }
0x88: {  	[tilespmem:s0], [sflag:$0x2] =	stream.linear.gather [hbm4b:s7+s5], $0x28, $0x38;
	[tilespmem:$0x1F200] =	vst v63  }
.LBB2_5:
0x89: {  	s21 =	simm.s32 @!p0 $0x1388;
	p0 =	por @!p0 $0x0, $0x0  }
.LBB2_7:
0x8a: {  	_ =	swait.ge [sflag:s8], $0x1400  }
0x8b: {  	[sflag:s8] =	ssyncset.done $0x0  }
0x8c: {  	[sflag:s8] =	ssyncadd.s32 $0xFFFFEC00  }
0x8d: {  	_ =	swait.ge [sflag:s10], $0x2800  }
0x8e: {  	[sflag:s10] =	ssyncset.done $0x0  }
0x8f: {  	s22 =	simm.s32 $0x0;
	[sflag:s10] =	ssyncadd.s32 $0xFFFFD800  }
0x90: {  	v1 =	vld [tilespmem:s22+$0x270]  }
0x91: {  	v2 =	vld [tilespmem:s22+$0x2A70]  }
0x92: {  	v3 =	vld [tilespmem:s22+$0x200]  }
0x93: {  	v4 =	vld [tilespmem:s22+$0x210]  }
0x94: {  	v5 =	vld [tilespmem:s22+$0x220]  }
0x95: {  	v7 =	vld [tilespmem:s22+$0x230]  }
0x96: {  	v11 =	vld [tilespmem:s22+$0x1600]  }
0x97: {  	v8 =	vld [tilespmem:s22+$0x240]  }
0x98: {  	v12 =	vld [tilespmem:s22+$0x2A00]  }
0x99: {  	v9 =	vld [tilespmem:s22+$0x250];
	v6 =	vand.u32 $0xFFFF0000, v1  }
0x9a: {  	v14 =	vld [tilespmem:s22+$0x1620];
	v13 =	vshll.u32 v3, $0x10;
	v2 =	vmul.f32 v6, v2  }
0x9b: {  	v16 =	vld [tilespmem:s22+$0x2A30];
	v11 =	vmul.f32 v13, v11  }
0x9c: {  	v3 =	vand.u32 $0xFFFF0000, v3;
	v13 =	vld [tilespmem:s22+$0x2A20];
	v6 =	vmul.f32 $1.000000010e-01, v2  }
0x9d: {  	v15 =	vld [tilespmem:s22+$0x1630];
	v3 =	vmul.f32 v3, v12;
	v12 =	vmul.f32 $1.000000010e-01, v11  }
0x9e: {  	v17 =	vshll.u32 v4, $0x10;
	v2 =	vmax.f32 v2, v6;
	v6 =	vld [tilespmem:s22+$0x1610]  }
0x9f: {  	v1 =	vshll.u32 v1, $0x10;
	v11 =	vmax.f32 v11, v12;
	v12 =	vshll.u32 v5, $0x10;
	[tilespmem:s22+$0x7A70] =	vst v2;
	v2 =	vld [tilespmem:s22+$0x2A10]  }
0xa0: {  	v21 =	vand.u32 $0xFFFF0000, v7;
	[tilespmem:s22+$0x6600] =	vst v11;
	v11 =	vand.u32 $0xFFFF0000, v5;
	v14 =	vmul.f32 v12, v14  }
0xa1: {  	v20 =	vshll.u32 v7, $0x10;
	v12 =	vmul.f32 v21, v16;
	v23 =	vmul.f32 v11, v13  }
0xa2: {  	v19 =	vld [tilespmem:s22+$0x2A40];
	v4 =	vand.u32 $0xFFFF0000, v4;
	v13 =	vmul.f32 v20, v15;
	v11 =	vmul.f32 $1.000000010e-01, v14  }
0xa3: {  	v18 =	vld [tilespmem:s22+$0x1640];
	v22 =	vand.u32 $0xFFFF0000, v8;
	v17 =	vmul.f32 v17, v6;
	v6 =	vmul.f32 $1.000000010e-01, v3  }
0xa4: {  	v10 =	vld [tilespmem:s22+$0x260];
	v5 =	vshll.u32 v9, $0x10;
	v16 =	vmul.f32 $1.000000010e-01, v12;
	v2 =	vmul.f32 v4, v2  }
0xa5: {  	v63 =	vmul.f32 $1.000000010e-01, v23;
	v4 =	vmul.f32 $1.000000010e-01, v17;
	v3 =	vmax.f32 v3, v6;
	v6 =	vld [tilespmem:s22+$0x1650]  }
0xa6: {  	v7 =	vld [tilespmem:s22+$0x2A50];
	v15 =	vmul.f32 $1.000000010e-01, v13;
	v14 =	vmax.f32 v14, v11;
	[tilespmem:s22+$0x7A00] =	vst v3;
	v3 =	vmul.f32 $1.000000010e-01, v2  }
0xa7: {  	[tilespmem:s22+$0x6620] =	vst v14;
	v14 =	vmul.f32 v22, v19;
	v4 =	vmax.f32 v17, v4;
	v17 =	vshll.u32 v8, $0x10;
	v8 =	vld [tilespmem:s22+$0x1660]  }
0xa8: {  	[tilespmem:s22+$0x6610] =	vst v4;
	v2 =	vmax.f32 v2, v3;
	v4 =	vand.u32 $0xFFFF0000, v9;
	v9 =	vld [tilespmem:s22+$0x2A60];
	v11 =	vmul.f32 v17, v18  }
0xa9: {  	s16 =	simm.s32 $0x80;
	s7 =	simm.s32 $0x400;
	v3 =	vshll.u32 v10, $0x10;
	v17 =	vmax.f32 v23, v63;
	[tilespmem:s22+$0x7A10] =	vst v2;
	v2 =	vand.u32 $0xFFFF0000, v10;
	v10 =	vld [tilespmem:s22+$0x1670]  }
.LBB2_8:
0xaa: {  	p1 =	sne.s32 s7, $0x4E00;
	v18 =	vld [tilespmem:s16+$0x270];
	[tilespmem:s22+$0x7A20] =	vst v17;
	v13 =	vmax.f32 v13, v15;
	v15 =	vmul.f32 $1.000000010e-01, v11;
	v5 =	vmul.f32 v5, v6  }
0xab: {  	v6 =	vld [tilespmem:s16+$0x2A70];
	[tilespmem:s22+$0x6630] =	vst v13;
	v12 =	vmax.f32 v12, v16;
	v13 =	vmul.f32 $1.000000010e-01, v14;
	v4 =	vmul.f32 v4, v7  }
0xac: {  	v7 =	vld [tilespmem:s16+$0x200];
	[tilespmem:s22+$0x7A30] =	vst v12;
	v11 =	vmax.f32 v11, v15;
	v12 =	vmul.f32 $1.000000010e-01, v5;
	v3 =	vmul.f32 v3, v8  }
0xad: {  	v8 =	vld [tilespmem:s16+$0x210];
	[tilespmem:s22+$0x6640] =	vst v11;
	v11 =	vmax.f32 v14, v13;
	v13 =	vmul.f32 $1.000000010e-01, v4;
	v2 =	vmul.f32 v2, v9  }
0xae: {  	v9 =	vld [tilespmem:s16+$0x220];
	[tilespmem:s22+$0x7A40] =	vst v11;
	v5 =	vmax.f32 v5, v12;
	v11 =	vmul.f32 $1.000000010e-01, v3;
	v10 =	vmul.f32 v1, v10  }
0xaf: {  	v12 =	vld [tilespmem:s16+$0x230];
	v1 =	vshll.u32 v18, $0x10;
	v14 =	vand.u32 $0xFFFF0000, v18;
	[tilespmem:s22+$0x6650] =	vst v5;
	v5 =	vmul.f32 $1.000000010e-01, v2  }
0xb0: {  	v4 =	vmax.f32 v4, v13;
	v15 =	vld [tilespmem:s16+$0x240];
	v6 =	vmul.f32 v14, v6;
	v13 =	vmul.f32 $1.000000010e-01, v10  }
0xb1: {  	v3 =	vmax.f32 v3, v11;
	v14 =	vshll.u32 v7, $0x10;
	v7 =	vand.u32 $0xFFFF0000, v7;
	v16 =	vld [tilespmem:s16+$0x250];
	[tilespmem:s22+$0x7A50] =	vst v4  }
0xb2: {  	v11 =	vshll.u32 v8, $0x10;
	v8 =	vand.u32 $0xFFFF0000, v8;
	v17 =	vld [tilespmem:s16+$0x260];
	v4 =	vmul.f32 $1.000000010e-01, v6;
	[tilespmem:s22+$0x6660] =	vst v3  }
0xb3: {  	v2 =	vmax.f32 v2, v5;
	v18 =	vld [tilespmem:s16+$0x1600];
	v19 =	vshll.u32 v9, $0x10;
	v9 =	vand.u32 $0xFFFF0000, v9  }
0xb4: {  	v20 =	vld [tilespmem:s16+$0x2A00];
	v21 =	vshll.u32 v12, $0x10;
	v12 =	vand.u32 $0xFFFF0000, v12;
	v3 =	vmax.f32 v6, v4;
	[tilespmem:s22+$0x7A60] =	vst v2  }
0xb5: {  	v2 =	vmax.f32 v10, v13;
	v6 =	vld [tilespmem:s16+$0x1610];
	v22 =	vshll.u32 v15, $0x10;
	v23 =	vand.u32 $0xFFFF0000, v15;
	[tilespmem:s16+$0x7A70] =	vst v3  }
0xb6: {  	v10 =	vld [tilespmem:s16+$0x2A10];
	v5 =	vshll.u32 v16, $0x10;
	v4 =	vand.u32 $0xFFFF0000, v16;
	[tilespmem:s22+$0x6670] =	vst v2;
	s22 =	smov.u32 s16  }
0xb7: {  	v13 =	vld [tilespmem:s22+$0x1620];
	v3 =	vshll.u32 v17, $0x10;
	v2 =	vand.u32 $0xFFFF0000, v17  }
0xb8: {  	v14 =	vmul.f32 v14, v18;
	v15 =	vld [tilespmem:s22+$0x2A20]  }
0xb9: {  	v7 =	vmul.f32 v7, v20;
	v16 =	vld [tilespmem:s22+$0x1630]  }
0xba: {  	v17 =	vmul.f32 $1.000000010e-01, v14;
	v11 =	vmul.f32 v11, v6;
	v18 =	vld [tilespmem:s22+$0x2A30]  }
0xbb: {  	v6 =	vmul.f32 $1.000000010e-01, v7;
	v8 =	vmul.f32 v8, v10;
	v10 =	vld [tilespmem:s22+$0x1640]  }
0xbc: {  	v14 =	vmax.f32 v14, v17;
	v17 =	vmul.f32 $1.000000010e-01, v11;
	v19 =	vmul.f32 v19, v13;
	v20 =	vld [tilespmem:s22+$0x2A40]  }
.Ltmp7:
0xbd: {  	[tilespmem:s22+$0x6600] =	vst v14;
	v7 =	vmax.f32 v7, v6;
	v14 =	vmul.f32 $1.000000010e-01, v8;
	v24 =	vmul.f32 v9, v15;
	v6 =	vld [tilespmem:s22+$0x1650];
	(pc) =	sbr.rel @p1 .LBB2_8-.Ltmp7, $4  }
0xbe: {  	[tilespmem:s22+$0x7A00] =	vst v7;
	v9 =	vmax.f32 v11, v17;
	v11 =	vmul.f32 $1.000000010e-01, v19;
	v13 =	vmul.f32 v21, v16;
	v7 =	vld [tilespmem:s22+$0x2A50]  }
0xbf: {  	[tilespmem:s22+$0x6610] =	vst v9;
	v9 =	vmax.f32 v8, v14;
	v14 =	vmul.f32 $1.000000010e-01, v24;
	v12 =	vmul.f32 v12, v18;
	v8 =	vld [tilespmem:s22+$0x1660]  }
0xc0: {  	[tilespmem:s22+$0x7A10] =	vst v9;
	v16 =	vmax.f32 v19, v11;
	v15 =	vmul.f32 $1.000000010e-01, v13;
	v11 =	vmul.f32 v22, v10;
	v9 =	vld [tilespmem:s22+$0x2A60]  }
0xc1: {  	s16 =	sshra.s32 s7, $0x2;
	s7 =	sadd.s32 $0x200, s7;
	[tilespmem:s22+$0x6620] =	vst v16;
	v17 =	vmax.f32 v24, v14;
	v16 =	vmul.f32 $1.000000010e-01, v12;
	v14 =	vmul.f32 v23, v20;
	v10 =	vld [tilespmem:s22+$0x1670]  }
0xc2: {  	v18 =	vld [tilespmem:s16+$0x270];
	[tilespmem:s22+$0x7A20] =	vst v17;
	v13 =	vmax.f32 v13, v15;
	v29 =	vmul.f32 $1.000000010e-01, v11;
	v5 =	vmul.f32 v5, v6  }
0xc3: {  	v28 =	vld [tilespmem:s16+$0x2A70];
	[tilespmem:s22+$0x6630] =	vst v13;
	v12 =	vmax.f32 v12, v16;
	v31 =	vmul.f32 $1.000000010e-01, v14  }
0xc4: {  	v4 =	vmul.f32 v4, v7;
	v30 =	vld [tilespmem:s16+$0x200];
	[tilespmem:s22+$0x7A30] =	vst v12;
	v11 =	vmax.f32 v11, v29;
	v32 =	vmul.f32 $1.000000010e-01, v5  }
0xc5: {  	v3 =	vmul.f32 v3, v8;
	v12 =	vld [tilespmem:s16+$0x210];
	[tilespmem:s22+$0x6640] =	vst v11;
	v6 =	vmax.f32 v14, v31  }
0xc6: {  	v7 =	vmul.f32 $1.000000010e-01, v4;
	v33 =	vld [tilespmem:s16+$0x220];
	[tilespmem:s22+$0x7A40] =	vst v6;
	v5 =	vmax.f32 v5, v32  }
0xc7: {  	v2 =	vmul.f32 v2, v9;
	v8 =	vmul.f32 $1.000000010e-01, v3;
	v6 =	vld [tilespmem:s16+$0x230];
	[tilespmem:s22+$0x6650] =	vst v5  }
0xc8: {  	v4 =	vmax.f32 v4, v7;
	v35 =	vand.u32 $0xFFFF0000, v18;
	v5 =	vld [tilespmem:s16+$0x240]  }
0xc9: {  	v9 =	vmul.f32 $1.000000010e-01, v2;
	v34 =	vld [tilespmem:s16+$0x250];
	[tilespmem:s22+$0x7A50] =	vst v4;
	v3 =	vmax.f32 v3, v8;
	v4 =	vmul.f32 v35, v28  }
0xca: {  	v1 =	vmul.f32 v1, v10;
	v36 =	vld [tilespmem:s16+$0x260];
	[tilespmem:s22+$0x6660] =	vst v3  }
0xcb: {  	v2 =	vmax.f32 v2, v9;
	v3 =	vld [tilespmem:s16+$0x1600];
	v37 =	vmul.f32 $1.000000010e-01, v4  }
0xcc: {  	v38 =	vld [tilespmem:s16+$0x2A00];
	[tilespmem:s22+$0x7A60] =	vst v2;
	v2 =	vmul.f32 $1.000000010e-01, v1  }
0xcd: {  	v4 =	vmax.f32 v4, v37  }
0xce: {  	v39 =	vld [tilespmem:s16+$0x1610];
	v1 =	vmax.f32 v1, v2;
	[tilespmem:s16+$0x7A70] =	vst v4  }
0xcf: {  	v2 =	vld [tilespmem:s16+$0x2A10];
	[tilespmem:s22+$0x6670] =	vst v1;
	v1 =	vshll.u32 v30, $0x10  }
0xd0: {  	v18 =	vshll.u32 v18, $0x10;
	v1 =	vmul.f32 v1, v3  }
0xd1: {  	v41 =	vand.u32 $0xFFFF0000, v30;
	v45 =	vshll.u32 v12, $0x10;
	v12 =	vand.u32 $0xFFFF0000, v12  }
0xd2: {  	v19 =	vshll.u32 v33, $0x10;
	v13 =	vand.u32 $0xFFFF0000, v33;
	v40 =	vld [tilespmem:s16+$0x1620];
	v43 =	vmul.f32 $1.000000010e-01, v1  }
0xd3: {  	v49 =	vshll.u32 v6, $0x10;
	v6 =	vand.u32 $0xFFFF0000, v6;
	v3 =	vld [tilespmem:s16+$0x2A20];
	v10 =	vmul.f32 v45, v39  }
0xd4: {  	v52 =	vshll.u32 v5, $0x10;
	v5 =	vand.u32 $0xFFFF0000, v5;
	v42 =	vld [tilespmem:s16+$0x1630];
	v1 =	vmax.f32 v1, v43  }
0xd5: {  	v20 =	vshll.u32 v34, $0x10;
	v44 =	vld [tilespmem:s16+$0x2A30];
	[tilespmem:s16+$0x6600] =	vst v1;
	v1 =	vmul.f32 v12, v2;
	v2 =	vmul.f32 $1.000000010e-01, v10  }
0xd6: {  	v7 =	vand.u32 $0xFFFF0000, v34;
	v54 =	vshll.u32 v36, $0x10;
	v9 =	vmul.f32 v41, v38;
	v17 =	vld [tilespmem:s16+$0x1640]  }
0xd7: {  	v47 =	vld [tilespmem:s16+$0x2A40];
	v4 =	vmul.f32 v19, v40;
	v50 =	vmul.f32 $1.000000010e-01, v1;
	v2 =	vmax.f32 v10, v2  }
0xd8: {  	v8 =	vand.u32 $0xFFFF0000, v36;
	v48 =	vld [tilespmem:s16+$0x1650];
	v46 =	vmul.f32 $1.000000010e-01, v9;
	[tilespmem:s16+$0x6610] =	vst v2;
	v2 =	vmul.f32 v13, v3  }
0xd9: {  	v51 =	vld [tilespmem:s16+$0x2A50];
	v14 =	vmul.f32 v49, v42;
	v3 =	vmul.f32 $1.000000010e-01, v4;
	v1 =	vmax.f32 v1, v50  }
0xda: {  	v53 =	vld [tilespmem:s16+$0x1660];
	v9 =	vmax.f32 v9, v46;
	v6 =	vmul.f32 v6, v44;
	[tilespmem:s16+$0x7A10] =	vst v1;
	v1 =	vmul.f32 $1.000000010e-01, v2  }
0xdb: {  	v55 =	vld [tilespmem:s16+$0x2A60];
	[tilespmem:s16+$0x7A00] =	vst v9;
	v57 =	vmul.f32 v52, v17;
	v56 =	vmul.f32 $1.000000010e-01, v14;
	v3 =	vmax.f32 v4, v3  }
0xdc: {  	v58 =	vld [tilespmem:s16+$0x1670];
	[tilespmem:s16+$0x6620] =	vst v3;
	v3 =	vmul.f32 v5, v47;
	v1 =	vmax.f32 v2, v1;
	v2 =	vmul.f32 $1.000000010e-01, v6  }
0xdd: {  	v12 =	vmul.f32 v20, v48;
	v59 =	vmul.f32 $1.000000010e-01, v57;
	[tilespmem:s16+$0x7A20] =	vst v1;
	v1 =	vmax.f32 v14, v56  }
0xde: {  	v60 =	vmul.f32 v7, v51;
	[tilespmem:s16+$0x6630] =	vst v1;
	v1 =	vmax.f32 v6, v2;
	v2 =	vmul.f32 $1.000000010e-01, v3  }
0xdf: {  	v9 =	vmul.f32 v54, v53;
	v61 =	vmul.f32 $1.000000010e-01, v12;
	[tilespmem:s16+$0x7A30] =	vst v1;
	v1 =	vmax.f32 v57, v59  }
0xe0: {  	[tilespmem:s16+$0x6640] =	vst v1;
	v1 =	vmax.f32 v3, v2;
	v2 =	vmul.f32 $1.000000010e-01, v60;
	v3 =	vmul.f32 v8, v55  }
0xe1: {  	v62 =	vmul.f32 $1.000000010e-01, v9;
	v5 =	vmul.f32 v18, v58;
	[tilespmem:s16+$0x7A40] =	vst v1;
	v1 =	vmax.f32 v12, v61  }
.Ltmp8:
0xe2: {  	[tilespmem:s16+$0x6650] =	vst v1;
	v1 =	vmul.f32 $1.000000010e-01, v3;
	v2 =	vmax.f32 v60, v2;
	(pc) =	sbr.rel @!p0 .LBB2_10-.Ltmp8, $4  }
0xe3: {  	v63 =	vmul.f32 $1.000000010e-01, v5;
	[tilespmem:s16+$0x7A50] =	vst v2;
	v2 =	vmax.f32 v9, v62  }
0xe4: {  	[tilespmem:s16+$0x6660] =	vst v2;
	v1 =	vmax.f32 v3, v1  }
0xe5: {  	[tilespmem:s16+$0x7A60] =	vst v1;
	v1 =	vmax.f32 v5, v63  }
0xe6: {  	[tilespmem:s16+$0x6670] =	vst v1  }
0xe7: {  	s7 =	sadd.s32 s9, s21  }
0xe8: {  	s7 =	sshll.u32 s7, $0x4  }
0xe9: {  	s7 =	sadd.s32 s6, s7  }
0xea: {  	[tilespmem:s29], [sflag:$0x3] =	stream.linear.gather [hbm4b:s7+s5], $0x1400, $0x38;
	[tilespmem:$0x1F200] =	vst v63  }
0xeb: {  	_ = 	snop  }
0xec: {  	[spmem:s4] =	stream.indirect.scatter.add.f32 [tilespmem:s11], [sflag:$0x6], $0x80, s26, s31, $0xb8;
	[tilespmem:$0x1F200] =	vst v63  }
0xed: {  	_ =	swait.ge [sflag:s12], $0x28  }
0xee: {  	[sflag:s12] =	ssyncset.done $0x0  }
0xef: {  	[sflag:s12] =	ssyncadd.s32 $0xFFFFFFD8  }
0xf0: {  	_ =	swait.ge [sflag:s12], $0x28  }
0xf1: {  	[sflag:s12] =	ssyncset.done $0x0  }
0xf2: {  	[sflag:s12] =	ssyncadd.s32 $0xFFFFFFD8  }
0xf3: {  	_ =	swait.ge [sflag:s12], $0x28  }
0xf4: {  	[sflag:s12] =	ssyncset.done $0x0  }
0xf5: {  	[sflag:s12] =	ssyncadd.s32 $0xFFFFFFD8  }
0xf6: {  	_ =	swait.ge [sflag:s12], $0x28  }
0xf7: {  	p0 =	seq.s32 s19, $0x3E;
	s7 =	sadd.s32 $0x2, s20;
	[sflag:s12] =	ssyncset.done $0x0  }
0xf8: {  	s7 =	smul.u32 @!p0 $0x28, s7;
	[sflag:s12] =	ssyncadd.s32 $0xFFFFFFD8  }
0xf9: {  	[tilespmem:s13], [sflag:$0x5] =	stream.indirect.gather [hbm4b:s1+s31], $0x80, s2, s31, $0xb8;
	[tilespmem:$0x1F200] =	vst v63  }
0xfa: {  	s20 =	sadd.s32 @!p0 s9, s7;
	_ =	swait.ge [sflag:s14], $0x2800  }
0xfb: {  	s7 =	sshrl.u32 @!p0 s20, $0x3;
	[sflag:s14] =	ssyncset.done $0x0  }
0xfc: {  	s16 =	simm.s32 @!p0 $0x0;
	s7 =	sadd.s32 @!p0 s3, s7;
	[sflag:s14] =	ssyncadd.s32 $0xFFFFD800  }
0xfd: {  	[tilespmem:s16], [sflag:$0x1] =	stream.linear.gather @!p0 [hbm4b:s7+s16], $0x28, $0x38;
	[tilespmem:$0x1F200] =	vst v63  }
0xfe: {  	s22 =	simm.s32 @!p0 $0x28;
	s21 =	sadd.s32 @!p0 $0x4E20, s7  }
0xff: {  	[tilespmem:s22], [sflag:$0x1] =	stream.linear.gather @!p0 [hbm4b:s21+s16], $0x28, $0x38;
	[tilespmem:$0x1F200] =	vst v63  }
0x100: {  	s21 =	sadd.s32 @!p0 $0x9C40, s7;
	s22 =	simm.s32 @!p0 $0x100  }
0x101: {  	[tilespmem:s22], [sflag:$0x1] =	stream.linear.gather @!p0 [hbm4b:s21+s16], $0x28, $0x38;
	[tilespmem:$0x1F200] =	vst v63  }
0x102: {  	s7 =	sadd.s32 @!p0 $0xEA60, s7;
	s21 =	simm.s32 @!p0 $0x128  }
0x103: {  	[tilespmem:s21], [sflag:$0x1] =	stream.linear.gather @!p0 [hbm4b:s7+s16], $0x28, $0x38;
	[tilespmem:$0x1F200] =	vst v63  }
0x104: {  	_ =	swait.ge [sflag:s8], $0x1400  }
0x105: {  	[sflag:s8] =	ssyncset.done $0x0  }
0x106: {  	[sflag:s8] =	ssyncadd.s32 $0xFFFFEC00  }
0x107: {  	_ =	swait.ge [sflag:s15], $0x2800  }
0x108: {  	[sflag:s15] =	ssyncset.done $0x0  }
0x109: {  	s21 =	simm.s32 $0x0;
	[sflag:s15] =	ssyncadd.s32 $0xFFFFD800  }
0x10a: {  	v1 =	vld [tilespmem:s21+$0x270]  }
0x10b: {  	v2 =	vld [tilespmem:s21+$0x5270]  }
0x10c: {  	v3 =	vld [tilespmem:s21+$0x200]  }
0x10d: {  	v4 =	vld [tilespmem:s21+$0x210]  }
0x10e: {  	v5 =	vld [tilespmem:s21+$0x220]  }
0x10f: {  	v7 =	vld [tilespmem:s21+$0x230]  }
0x110: {  	v11 =	vld [tilespmem:s21+$0x3E00]  }
0x111: {  	v8 =	vld [tilespmem:s21+$0x240]  }
0x112: {  	v12 =	vld [tilespmem:s21+$0x5200]  }
0x113: {  	v9 =	vld [tilespmem:s21+$0x250];
	v6 =	vand.u32 $0xFFFF0000, v1  }
0x114: {  	v14 =	vld [tilespmem:s21+$0x3E20];
	v13 =	vshll.u32 v3, $0x10;
	v2 =	vmul.f32 v6, v2  }
0x115: {  	v16 =	vld [tilespmem:s21+$0x5230];
	v11 =	vmul.f32 v13, v11  }
0x116: {  	v3 =	vand.u32 $0xFFFF0000, v3;
	v13 =	vld [tilespmem:s21+$0x5220];
	v6 =	vmul.f32 $1.000000010e-01, v2  }
0x117: {  	v15 =	vld [tilespmem:s21+$0x3E30];
	v3 =	vmul.f32 v3, v12;
	v12 =	vmul.f32 $1.000000010e-01, v11  }
0x118: {  	v17 =	vshll.u32 v4, $0x10;
	v2 =	vmax.f32 v2, v6;
	v6 =	vld [tilespmem:s21+$0x3E10]  }
0x119: {  	v1 =	vshll.u32 v1, $0x10;
	v11 =	vmax.f32 v11, v12;
	v12 =	vshll.u32 v5, $0x10;
	[tilespmem:s21+$0xA270] =	vst v2;
	v2 =	vld [tilespmem:s21+$0x5210]  }
0x11a: {  	v21 =	vand.u32 $0xFFFF0000, v7;
	[tilespmem:s21+$0x8E00] =	vst v11;
	v11 =	vand.u32 $0xFFFF0000, v5;
	v14 =	vmul.f32 v12, v14  }
0x11b: {  	v20 =	vshll.u32 v7, $0x10;
	v12 =	vmul.f32 v21, v16;
	v23 =	vmul.f32 v11, v13  }
0x11c: {  	v19 =	vld [tilespmem:s21+$0x5240];
	v4 =	vand.u32 $0xFFFF0000, v4;
	v13 =	vmul.f32 v20, v15;
	v11 =	vmul.f32 $1.000000010e-01, v14  }
0x11d: {  	v18 =	vld [tilespmem:s21+$0x3E40];
	v22 =	vand.u32 $0xFFFF0000, v8;
	v17 =	vmul.f32 v17, v6;
	v6 =	vmul.f32 $1.000000010e-01, v3  }
0x11e: {  	v10 =	vld [tilespmem:s21+$0x260];
	v5 =	vshll.u32 v9, $0x10;
	v16 =	vmul.f32 $1.000000010e-01, v12;
	v2 =	vmul.f32 v4, v2  }
0x11f: {  	v63 =	vmul.f32 $1.000000010e-01, v23;
	v4 =	vmul.f32 $1.000000010e-01, v17;
	v3 =	vmax.f32 v3, v6;
	v6 =	vld [tilespmem:s21+$0x3E50]  }
0x120: {  	v7 =	vld [tilespmem:s21+$0x5250];
	v15 =	vmul.f32 $1.000000010e-01, v13;
	v14 =	vmax.f32 v14, v11;
	[tilespmem:s21+$0xA200] =	vst v3;
	v3 =	vmul.f32 $1.000000010e-01, v2  }
0x121: {  	[tilespmem:s21+$0x8E20] =	vst v14;
	v14 =	vmul.f32 v22, v19;
	v4 =	vmax.f32 v17, v4;
	v17 =	vshll.u32 v8, $0x10;
	v8 =	vld [tilespmem:s21+$0x3E60]  }
0x122: {  	[tilespmem:s21+$0x8E10] =	vst v4;
	v2 =	vmax.f32 v2, v3;
	v4 =	vand.u32 $0xFFFF0000, v9;
	v9 =	vld [tilespmem:s21+$0x5260];
	v11 =	vmul.f32 v17, v18  }
0x123: {  	s22 =	simm.s32 $0x80;
	s7 =	simm.s32 $0x400;
	v3 =	vshll.u32 v10, $0x10;
	v17 =	vmax.f32 v23, v63;
	[tilespmem:s21+$0xA210] =	vst v2;
	v2 =	vand.u32 $0xFFFF0000, v10;
	v10 =	vld [tilespmem:s21+$0x3E70]  }
.LBB2_12:
0x124: {  	p1 =	sne.s32 s7, $0x4E00;
	v18 =	vld [tilespmem:s22+$0x270];
	[tilespmem:s21+$0xA220] =	vst v17;
	v13 =	vmax.f32 v13, v15;
	v15 =	vmul.f32 $1.000000010e-01, v11;
	v5 =	vmul.f32 v5, v6  }
0x125: {  	v6 =	vld [tilespmem:s22+$0x5270];
	[tilespmem:s21+$0x8E30] =	vst v13;
	v12 =	vmax.f32 v12, v16;
	v13 =	vmul.f32 $1.000000010e-01, v14;
	v4 =	vmul.f32 v4, v7  }
0x126: {  	v7 =	vld [tilespmem:s22+$0x200];
	[tilespmem:s21+$0xA230] =	vst v12;
	v11 =	vmax.f32 v11, v15;
	v12 =	vmul.f32 $1.000000010e-01, v5;
	v3 =	vmul.f32 v3, v8  }
0x127: {  	v8 =	vld [tilespmem:s22+$0x210];
	[tilespmem:s21+$0x8E40] =	vst v11;
	v11 =	vmax.f32 v14, v13;
	v13 =	vmul.f32 $1.000000010e-01, v4;
	v2 =	vmul.f32 v2, v9  }
0x128: {  	v9 =	vld [tilespmem:s22+$0x220];
	[tilespmem:s21+$0xA240] =	vst v11;
	v5 =	vmax.f32 v5, v12;
	v11 =	vmul.f32 $1.000000010e-01, v3;
	v10 =	vmul.f32 v1, v10  }
0x129: {  	v12 =	vld [tilespmem:s22+$0x230];
	v1 =	vshll.u32 v18, $0x10;
	v14 =	vand.u32 $0xFFFF0000, v18;
	[tilespmem:s21+$0x8E50] =	vst v5;
	v5 =	vmul.f32 $1.000000010e-01, v2  }
0x12a: {  	v4 =	vmax.f32 v4, v13;
	v15 =	vld [tilespmem:s22+$0x240];
	v6 =	vmul.f32 v14, v6;
	v13 =	vmul.f32 $1.000000010e-01, v10  }
0x12b: {  	v3 =	vmax.f32 v3, v11;
	v14 =	vshll.u32 v7, $0x10;
	v7 =	vand.u32 $0xFFFF0000, v7;
	v16 =	vld [tilespmem:s22+$0x250];
	[tilespmem:s21+$0xA250] =	vst v4  }
0x12c: {  	v11 =	vshll.u32 v8, $0x10;
	v8 =	vand.u32 $0xFFFF0000, v8;
	v17 =	vld [tilespmem:s22+$0x260];
	v4 =	vmul.f32 $1.000000010e-01, v6;
	[tilespmem:s21+$0x8E60] =	vst v3  }
0x12d: {  	v2 =	vmax.f32 v2, v5;
	v18 =	vld [tilespmem:s22+$0x3E00];
	v19 =	vshll.u32 v9, $0x10;
	v9 =	vand.u32 $0xFFFF0000, v9  }
0x12e: {  	v20 =	vld [tilespmem:s22+$0x5200];
	v21 =	vshll.u32 v12, $0x10;
	v12 =	vand.u32 $0xFFFF0000, v12;
	v3 =	vmax.f32 v6, v4;
	[tilespmem:s21+$0xA260] =	vst v2  }
0x12f: {  	v2 =	vmax.f32 v10, v13;
	v6 =	vld [tilespmem:s22+$0x3E10];
	v22 =	vshll.u32 v15, $0x10;
	v23 =	vand.u32 $0xFFFF0000, v15;
	[tilespmem:s22+$0xA270] =	vst v3  }
0x130: {  	v10 =	vld [tilespmem:s22+$0x5210];
	v5 =	vshll.u32 v16, $0x10;
	v4 =	vand.u32 $0xFFFF0000, v16;
	[tilespmem:s21+$0x8E70] =	vst v2;
	s21 =	smov.u32 s22  }
0x131: {  	v13 =	vld [tilespmem:s21+$0x3E20];
	v3 =	vshll.u32 v17, $0x10;
	v2 =	vand.u32 $0xFFFF0000, v17  }
0x132: {  	v14 =	vmul.f32 v14, v18;
	v15 =	vld [tilespmem:s21+$0x5220]  }
0x133: {  	v7 =	vmul.f32 v7, v20;
	v16 =	vld [tilespmem:s21+$0x3E30]  }
0x134: {  	v17 =	vmul.f32 $1.000000010e-01, v14;
	v11 =	vmul.f32 v11, v6;
	v18 =	vld [tilespmem:s21+$0x5230]  }
0x135: {  	v6 =	vmul.f32 $1.000000010e-01, v7;
	v8 =	vmul.f32 v8, v10;
	v10 =	vld [tilespmem:s21+$0x3E40]  }
0x136: {  	v14 =	vmax.f32 v14, v17;
	v17 =	vmul.f32 $1.000000010e-01, v11;
	v19 =	vmul.f32 v19, v13;
	v20 =	vld [tilespmem:s21+$0x5240]  }
.Ltmp9:
0x137: {  	[tilespmem:s21+$0x8E00] =	vst v14;
	v7 =	vmax.f32 v7, v6;
	v14 =	vmul.f32 $1.000000010e-01, v8;
	v24 =	vmul.f32 v9, v15;
	v6 =	vld [tilespmem:s21+$0x3E50];
	(pc) =	sbr.rel @p1 .LBB2_12-.Ltmp9, $4  }
0x138: {  	[tilespmem:s21+$0xA200] =	vst v7;
	v9 =	vmax.f32 v11, v17;
	v11 =	vmul.f32 $1.000000010e-01, v19;
	v13 =	vmul.f32 v21, v16;
	v7 =	vld [tilespmem:s21+$0x5250]  }
0x139: {  	[tilespmem:s21+$0x8E10] =	vst v9;
	v9 =	vmax.f32 v8, v14;
	v14 =	vmul.f32 $1.000000010e-01, v24;
	v12 =	vmul.f32 v12, v18;
	v8 =	vld [tilespmem:s21+$0x3E60]  }
0x13a: {  	[tilespmem:s21+$0xA210] =	vst v9;
	v16 =	vmax.f32 v19, v11;
	v15 =	vmul.f32 $1.000000010e-01, v13;
	v11 =	vmul.f32 v22, v10;
	v9 =	vld [tilespmem:s21+$0x5260]  }
0x13b: {  	s22 =	sshra.s32 s7, $0x2;
	s7 =	sadd.s32 $0x200, s7;
	[tilespmem:s21+$0x8E20] =	vst v16;
	v17 =	vmax.f32 v24, v14;
	v16 =	vmul.f32 $1.000000010e-01, v12;
	v14 =	vmul.f32 v23, v20;
	v10 =	vld [tilespmem:s21+$0x3E70]  }
0x13c: {  	v18 =	vld [tilespmem:s22+$0x270];
	[tilespmem:s21+$0xA220] =	vst v17;
	v13 =	vmax.f32 v13, v15;
	v29 =	vmul.f32 $1.000000010e-01, v11;
	v5 =	vmul.f32 v5, v6  }
0x13d: {  	v28 =	vld [tilespmem:s22+$0x5270];
	[tilespmem:s21+$0x8E30] =	vst v13;
	v12 =	vmax.f32 v12, v16;
	v31 =	vmul.f32 $1.000000010e-01, v14  }
0x13e: {  	v4 =	vmul.f32 v4, v7;
	v30 =	vld [tilespmem:s22+$0x200];
	[tilespmem:s21+$0xA230] =	vst v12;
	v11 =	vmax.f32 v11, v29;
	v32 =	vmul.f32 $1.000000010e-01, v5  }
0x13f: {  	v3 =	vmul.f32 v3, v8;
	v12 =	vld [tilespmem:s22+$0x210];
	[tilespmem:s21+$0x8E40] =	vst v11;
	v6 =	vmax.f32 v14, v31  }
0x140: {  	v7 =	vmul.f32 $1.000000010e-01, v4;
	v33 =	vld [tilespmem:s22+$0x220];
	[tilespmem:s21+$0xA240] =	vst v6;
	v5 =	vmax.f32 v5, v32  }
0x141: {  	v2 =	vmul.f32 v2, v9;
	v8 =	vmul.f32 $1.000000010e-01, v3;
	v6 =	vld [tilespmem:s22+$0x230];
	[tilespmem:s21+$0x8E50] =	vst v5  }
0x142: {  	v4 =	vmax.f32 v4, v7;
	v35 =	vand.u32 $0xFFFF0000, v18;
	v5 =	vld [tilespmem:s22+$0x240]  }
0x143: {  	v9 =	vmul.f32 $1.000000010e-01, v2;
	v34 =	vld [tilespmem:s22+$0x250];
	[tilespmem:s21+$0xA250] =	vst v4;
	v3 =	vmax.f32 v3, v8;
	v4 =	vmul.f32 v35, v28  }
0x144: {  	v1 =	vmul.f32 v1, v10;
	v36 =	vld [tilespmem:s22+$0x260];
	[tilespmem:s21+$0x8E60] =	vst v3  }
0x145: {  	v2 =	vmax.f32 v2, v9;
	v3 =	vld [tilespmem:s22+$0x3E00];
	v37 =	vmul.f32 $1.000000010e-01, v4  }
0x146: {  	v38 =	vld [tilespmem:s22+$0x5200];
	[tilespmem:s21+$0xA260] =	vst v2;
	v2 =	vmul.f32 $1.000000010e-01, v1  }
0x147: {  	v4 =	vmax.f32 v4, v37  }
0x148: {  	v39 =	vld [tilespmem:s22+$0x3E10];
	v1 =	vmax.f32 v1, v2;
	[tilespmem:s22+$0xA270] =	vst v4  }
0x149: {  	v2 =	vld [tilespmem:s22+$0x5210];
	[tilespmem:s21+$0x8E70] =	vst v1;
	v1 =	vshll.u32 v30, $0x10  }
0x14a: {  	v18 =	vshll.u32 v18, $0x10;
	v1 =	vmul.f32 v1, v3  }
0x14b: {  	v41 =	vand.u32 $0xFFFF0000, v30;
	v45 =	vshll.u32 v12, $0x10;
	v12 =	vand.u32 $0xFFFF0000, v12  }
0x14c: {  	v19 =	vshll.u32 v33, $0x10;
	v13 =	vand.u32 $0xFFFF0000, v33;
	v40 =	vld [tilespmem:s22+$0x3E20];
	v43 =	vmul.f32 $1.000000010e-01, v1  }
0x14d: {  	v49 =	vshll.u32 v6, $0x10;
	v6 =	vand.u32 $0xFFFF0000, v6;
	v3 =	vld [tilespmem:s22+$0x5220];
	v10 =	vmul.f32 v45, v39  }
0x14e: {  	v52 =	vshll.u32 v5, $0x10;
	v5 =	vand.u32 $0xFFFF0000, v5;
	v42 =	vld [tilespmem:s22+$0x3E30];
	v1 =	vmax.f32 v1, v43  }
0x14f: {  	v20 =	vshll.u32 v34, $0x10;
	v44 =	vld [tilespmem:s22+$0x5230];
	[tilespmem:s22+$0x8E00] =	vst v1;
	v1 =	vmul.f32 v12, v2;
	v2 =	vmul.f32 $1.000000010e-01, v10  }
0x150: {  	v7 =	vand.u32 $0xFFFF0000, v34;
	v54 =	vshll.u32 v36, $0x10;
	v9 =	vmul.f32 v41, v38;
	v17 =	vld [tilespmem:s22+$0x3E40]  }
0x151: {  	v47 =	vld [tilespmem:s22+$0x5240];
	v4 =	vmul.f32 v19, v40;
	v50 =	vmul.f32 $1.000000010e-01, v1;
	v2 =	vmax.f32 v10, v2  }
0x152: {  	v8 =	vand.u32 $0xFFFF0000, v36;
	v48 =	vld [tilespmem:s22+$0x3E50];
	v46 =	vmul.f32 $1.000000010e-01, v9;
	[tilespmem:s22+$0x8E10] =	vst v2;
	v2 =	vmul.f32 v13, v3  }
0x153: {  	v51 =	vld [tilespmem:s22+$0x5250];
	v14 =	vmul.f32 v49, v42;
	v3 =	vmul.f32 $1.000000010e-01, v4;
	v1 =	vmax.f32 v1, v50  }
0x154: {  	v53 =	vld [tilespmem:s22+$0x3E60];
	v9 =	vmax.f32 v9, v46;
	v6 =	vmul.f32 v6, v44;
	[tilespmem:s22+$0xA210] =	vst v1;
	v1 =	vmul.f32 $1.000000010e-01, v2  }
0x155: {  	v55 =	vld [tilespmem:s22+$0x5260];
	[tilespmem:s22+$0xA200] =	vst v9;
	v57 =	vmul.f32 v52, v17;
	v56 =	vmul.f32 $1.000000010e-01, v14;
	v3 =	vmax.f32 v4, v3  }
0x156: {  	v58 =	vld [tilespmem:s22+$0x3E70];
	[tilespmem:s22+$0x8E20] =	vst v3;
	v3 =	vmul.f32 v5, v47;
	v1 =	vmax.f32 v2, v1;
	v2 =	vmul.f32 $1.000000010e-01, v6  }
0x157: {  	v12 =	vmul.f32 v20, v48;
	v59 =	vmul.f32 $1.000000010e-01, v57;
	[tilespmem:s22+$0xA220] =	vst v1;
	v1 =	vmax.f32 v14, v56  }
0x158: {  	v60 =	vmul.f32 v7, v51;
	[tilespmem:s22+$0x8E30] =	vst v1;
	v1 =	vmax.f32 v6, v2;
	v2 =	vmul.f32 $1.000000010e-01, v3  }
0x159: {  	v9 =	vmul.f32 v54, v53;
	v61 =	vmul.f32 $1.000000010e-01, v12;
	[tilespmem:s22+$0xA230] =	vst v1;
	v1 =	vmax.f32 v57, v59  }
0x15a: {  	[tilespmem:s22+$0x8E40] =	vst v1;
	v1 =	vmax.f32 v3, v2;
	v2 =	vmul.f32 $1.000000010e-01, v60;
	v3 =	vmul.f32 v8, v55  }
0x15b: {  	v62 =	vmul.f32 $1.000000010e-01, v9;
	v5 =	vmul.f32 v18, v58;
	[tilespmem:s22+$0xA240] =	vst v1;
	v1 =	vmax.f32 v12, v61  }
0x15c: {  	[tilespmem:s22+$0x8E50] =	vst v1;
	v1 =	vmul.f32 $1.000000010e-01, v3;
	v2 =	vmax.f32 v60, v2  }
0x15d: {  	v63 =	vmul.f32 $1.000000010e-01, v5;
	[tilespmem:s22+$0xA250] =	vst v2;
	v2 =	vmax.f32 v9, v62  }
0x15e: {  	[tilespmem:s22+$0x8E60] =	vst v2;
	v1 =	vmax.f32 v3, v1  }
.Ltmp10:
0x15f: {  	s7 =	sshll.u32 @!p0 s20, $0x4;
	[tilespmem:s22+$0xA260] =	vst v1;
	v1 =	vmax.f32 v5, v63;
	(pc) =	sbr.rel .LBB2_14-.Ltmp10, $4  }
0x160: {  	s16 =	simm.s32 @!p0 $0x0;
	s20 =	simm.s32 @!p0 $0x200;
	s7 =	sadd.s32 @!p0 s6, s7;
	[tilespmem:s22+$0x8E70] =	vst v1  }
0x161: {  	[tilespmem:s20], [sflag:$0x3] =	stream.linear.gather @!p0 [hbm4b:s7+s16], $0x1400, $0x38;
	[tilespmem:$0x1F200] =	vst v63  }
0x162: {  	_ = 	snop  }
0x163: {  	[spmem:s4] =	stream.indirect.scatter.add.f32 [tilespmem:s17], [sflag:$0x7], $0x80, s28, s31, $0xb8;
	[tilespmem:$0x1F200] =	vst v63  }
.LBB2_16:
0x164: {  	_ =	sfence.sel $0x180000  }
0x165: {  	[bflag:$0x0] =	sbarrier.arrive $0xFFFF  }
0x166: {  	_ =	strace $0x90000047  }
0x167: {  	s0 =	stileid.u32;
	[bflag:$0x2] =	sbarrier.arrive $0xFFFF  }
0x168: {  	p0 =	sne.s32 s0, $0x0;
	s0 =	rddreg [dreg:$0x4]  }
0x169: {  	s0 =	sadd.s32 @!p0 $0x100000, s0  }
0x16a: {  	[sflag:s0] =	ssyncadd.tile.s32 @!p0 $0x1;
	_ =	shalt  }
.Lfunc_end2:
_tile_overlayer_lowered:
.L_overlay_start_2:
0x16b: {  	(tag) =	ssettag $0x2  }
0x16c: {  	s0 =	rddreg [dreg:$0x0];
	s2 =	stileid.u32  }
0x16d: {  	s1 =	rddreg [dreg:$0x1];
	p0 =	sne.s32 s2, $0x0  }
0x16e: {  	s3 =	rddreg [dreg:$0x2];
	[bflag:$0x3] =	sbarrier.arrive $0xFFFF;
	s2 =	simm.s32 @!p0 $0x1C08  }
0x16f: {  	[timem:s3], [sflag:s2] =	dma.local @!p0 [hbm:s0], s1  }
0x170: {  	s0 =	simm.s32 @!p0 $0x8  }
0x171: {  	_ =	swait.ge @!p0 [sflag:s0], s1  }
0x172: {  	s1 =	ssub.s32 @!p0 $0x0, s1;
	[sflag:s0] =	ssyncset.done @!p0 $0x0  }
0x173: {  	[sflag:s0] =	ssyncadd.s32 @!p0 s1  }
0x174: {  	[bflag:$0x3] =	sbarrier.arrive $0xFFFF  }
0x175: {  	_ =	shalt  }

</sc_bundles>
